<compile_context>
chip_gen: v7x
topology: tpu7x:2x2x1
jax: 0.10.2.dev20260603
libtpu: 0.0.44.dev20260713+nightly
codegen_flags: <defaults>
</compile_context>

<pallas_src>
import functools

import jax
import jax.numpy as jnp
from jax import lax
from jax.experimental import pallas as pl
from jax.experimental.pallas import tpu as pltpu
from jax.experimental.pallas import tpu_sc as plsc

N = 10000
E = 320000
D = 128

NC = 2
NS = 16
DEGW = 16
CH = 96
ECT = -(-E // (CH * NS * NC))
E_EDGE = ECT * NS * NC * CH
DCH = 128
DCT = 2 * -(-E // (DCH * NS * NC * 2))
E_PAD = DCT * NS * NC * DCH
TRASH = N
N_PAD = 10112
RPT = N_PAD // NS

@functools.cache
def _sc_kernels():
    mesh = plsc.VectorSubcoreMesh(
        core_axis_name="c", subcore_axis_name="s", num_cores=NC, num_subcores=NS
    )
    deg = functools.partial(
        pl.kernel,
        out_type=jax.ShapeDtypeStruct((NC, N_PAD, D), jnp.float32),
        mesh=mesh,
        scratch_types=[
            pltpu.VMEM((DCH,), jnp.int32),
            pltpu.VMEM((DCH,), jnp.int32),
            pltpu.VMEM((DCH, D), jnp.float32),
            pltpu.SemaphoreType.DMA,
            pltpu.SemaphoreType.DMA,
            pltpu.VMEM_SHARED((N_PAD, D), jnp.float32),
        ],
    )(_deg_scatter_body)
    edge = functools.partial(
        pl.kernel,
        out_type=jax.ShapeDtypeStruct((NC, N_PAD, D), jnp.float32),
        mesh=mesh,
        scratch_types=(
            [pltpu.VMEM((CH,), jnp.int32) for _ in range(4)]
            + [pltpu.VMEM((CH,), jnp.int32) for _ in range(4)]
            + [pltpu.VMEM((CH, D), jnp.float32) for _ in range(4)]
            + [pltpu.SemaphoreType.DMA for _ in range(4)]
            + [pltpu.SemaphoreType.DMA for _ in range(4)]
            + [pltpu.VMEM_SHARED((N_PAD, D), jnp.float32)]
        ),
    )(_edge_scatter_body)
    return deg, edge


def _tile_chunk0(c, s, cpt):
    return (c * NS + s) * cpt


def _deg_scatter_body(col_hbm, ones_hbm, zeros_hbm, out_hbm,
                      cidx0, cidx1, ones_v, sem0, sem1, acc):
    c = lax.axis_index("c")
    s = lax.axis_index("s")
    rbase = pl.multiple_of(s * RPT, 8)
    pltpu.sync_copy(zeros_hbm.at[pl.ds(rbase, RPT)], acc.at[pl.ds(rbase, RPT)])
    pltpu.sync_copy(ones_hbm, ones_v)
    plsc.subcore_barrier()
    chunk0 = _tile_chunk0(c, s, DCT)
    m = DCT // 2

    def _eoff(q):
        return pl.multiple_of((chunk0 + q) * DCH, 8)

    pltpu.sync_copy(col_hbm.at[pl.ds(_eoff(0), DCH)], cidx0)

    def pair(p, carry):
        qa = 2 * p
        pltpu.async_copy(ones_v, acc.at[cidx0], sem0, add=True)
        pltpu.sync_copy(col_hbm.at[pl.ds(_eoff(qa + 1), DCH)], cidx1)
        pltpu.async_copy(ones_v, acc.at[cidx1], sem1, add=True)
        pltpu.make_async_copy(ones_v, acc.at[cidx0], sem0).wait()
        qn = jnp.minimum(qa + 2, DCT - 1)
        pltpu.sync_copy(col_hbm.at[pl.ds(_eoff(qn), DCH)], cidx0)
        pltpu.make_async_copy(ones_v, acc.at[cidx1], sem1).wait()
        return carry

    lax.fori_loop(0, m, pair, 0)
    plsc.subcore_barrier()
    pltpu.sync_copy(acc.at[pl.ds(rbase, RPT)], out_hbm.at[c, pl.ds(rbase, RPT)])


def _edge_scatter_body(g_hbm, row_hbm, col_hbm, zeros_hbm, out_hbm,
                       ridx0, ridx1, ridx2, ridx3,
                       cidx0, cidx1, cidx2, cidx3,
                       rows0, rows1, rows2, rows3,
                       semg0, semg1, semg2, semg3,
                       sems0, sems1, sems2, sems3, acc):
    c = lax.axis_index("c")
    s = lax.axis_index("s")
    rbase = pl.multiple_of(s * RPT, 8)
    pltpu.sync_copy(zeros_hbm.at[pl.ds(rbase, RPT)], acc.at[pl.ds(rbase, RPT)])
    plsc.subcore_barrier()
    chunk0 = _tile_chunk0(c, s, ECT)
    n = ECT

    ridx = (ridx0, ridx1, ridx2, ridx3)
    cidx = (cidx0, cidx1, cidx2, cidx3)
    rows = (rows0, rows1, rows2, rows3)
    semg = (semg0, semg1, semg2, semg3)
    sems = (sems0, sems1, sems2, sems3)

    def _eoff(q):
        return pl.multiple_of((chunk0 + q) * CH, 8)

    def _load_idx(q, b):
        off = _eoff(q)
        pltpu.sync_copy(row_hbm.at[pl.ds(off, CH)], ridx[b])
        pltpu.sync_copy(col_hbm.at[pl.ds(off, CH)], cidx[b])

    def _gather(b):
        pltpu.async_copy(g_hbm.at[ridx[b]], rows[b], semg[b])

    def _gather_wait(b):
        pltpu.make_async_copy(g_hbm.at[ridx[b]], rows[b], semg[b]).wait()

    def _scatter(b):
        pltpu.async_copy(rows[b], acc.at[cidx[b]], sems[b], add=True)

    def _scatter_wait(b):
        pltpu.make_async_copy(rows[b], acc.at[cidx[b]], sems[b]).wait()

    _load_idx(0, 0)
    _gather(0)
    _load_idx(1, 1)
    _gather(1)
    _gather_wait(0)
    _scatter(0)
    _load_idx(2, 2)
    _gather(2)
    _gather_wait(1)
    _scatter(1)
    _load_idx(3, 3)
    _gather(3)

    m = (n - 2) // 4

    def quad(p, carry):
        q = 2 + 4 * p
        for k, b in enumerate((2, 3, 0, 1)):
            _gather_wait(b)
            _scatter_wait((b + 2) % 4)
            _scatter(b)
            nb = (b + 2) % 4
            _load_idx(jnp.minimum(q + k + 2, n - 1), nb)
            _gather(nb)
        return carry

    lax.fori_loop(0, m, quad, 0)

    _scatter_wait(0)
    _scatter_wait(1)
    _gather_wait(2)
    _gather_wait(3)

    def tail(q, carry):
        _load_idx(q, 2)
        _gather(2)
        _gather_wait(2)
        _scatter(2)
        _scatter_wait(2)
        return carry

    lax.fori_loop(2 + 4 * m, n, tail, 0)
    plsc.subcore_barrier()
    pltpu.sync_copy(acc.at[pl.ds(rbase, RPT)], out_hbm.at[c, pl.ds(rbase, RPT)])


BLK = 2000


def _layer1_body(deg_ref, x_ref, w_ref, b_ref, g_ref, dis_ref):
    deg = deg_ref[0] + deg_ref[1]
    dis = jnp.where(deg > 0.0, lax.rsqrt(deg), 0.0)
    h = lax.dot_general(
        x_ref[...], w_ref[...], (((1,), (1,)), ((), ())),
        preferred_element_type=jnp.float32,
    ) + b_ref[...]
    g_ref[...] = h * dis[:, :1]
    dis_ref[...] = dis[:, :DEGW]


def _layer1(deg_parts, x, W1, b1):
    return pl.pallas_call(
        _layer1_body,
        grid=(N // BLK,),
        in_specs=[
            pl.BlockSpec((NC, BLK, D), lambda i: (0, i, 0)),
            pl.BlockSpec((BLK, D), lambda i: (i, 0)),
            pl.BlockSpec((D, D), lambda i: (0, 0)),
            pl.BlockSpec((1, D), lambda i: (0, 0)),
        ],
        out_specs=[
            pl.BlockSpec((BLK, D), lambda i: (i, 0)),
            pl.BlockSpec((BLK, DEGW), lambda i: (i, 0)),
        ],
        out_shape=[
            jax.ShapeDtypeStruct((N, D), jnp.float32),
            jax.ShapeDtypeStruct((N, DEGW), jnp.float32),
        ],
    )(deg_parts, x, W1, b1)


def _layer2_body(s_ref, dis_ref, w_ref, b_ref, g_ref):
    s = s_ref[0] + s_ref[1]
    out1 = s * dis_ref[...][:, :1]
    t = jnp.maximum(out1, 0.0)
    h = lax.dot_general(
        t, w_ref[...], (((1,), (1,)), ((), ())),
        preferred_element_type=jnp.float32,
    ) + b_ref[...]
    g_ref[...] = h * dis_ref[...][:, :1]


def _layer2(s_parts, dis, W2, b2):
    return pl.pallas_call(
        _layer2_body,
        grid=(N // BLK,),
        in_specs=[
            pl.BlockSpec((NC, BLK, D), lambda i: (0, i, 0)),
            pl.BlockSpec((BLK, DEGW), lambda i: (i, 0)),
            pl.BlockSpec((D, D), lambda i: (0, 0)),
            pl.BlockSpec((1, D), lambda i: (0, 0)),
        ],
        out_specs=pl.BlockSpec((BLK, D), lambda i: (i, 0)),
        out_shape=jax.ShapeDtypeStruct((N, D), jnp.float32),
    )(s_parts, dis, W2, b2)


def _finish_body(s_ref, dis_ref, out_ref):
    s = s_ref[0] + s_ref[1]
    out_ref[...] = s * dis_ref[...][:, :1]


def _finish(s_parts, dis):
    return pl.pallas_call(
        _finish_body,
        grid=(N // BLK,),
        in_specs=[
            pl.BlockSpec((NC, BLK, D), lambda i: (0, i, 0)),
            pl.BlockSpec((BLK, DEGW), lambda i: (i, 0)),
        ],
        out_specs=pl.BlockSpec((BLK, D), lambda i: (i, 0)),
        out_shape=jax.ShapeDtypeStruct((N, D), jnp.float32),
    )(s_parts, dis)


def kernel(x, edge_index, W1, b1, W2, b2):
    npad = E_PAD - E
    row = jnp.concatenate(
        [edge_index[0].astype(jnp.int32),
         jnp.arange(npad, dtype=jnp.int32) % N]
    )
    col = jnp.concatenate(
        [edge_index[1].astype(jnp.int32),
         TRASH + jnp.arange(npad, dtype=jnp.int32) % (N_PAD - TRASH)]
    )
    zeros_d = jnp.zeros((N_PAD, D), jnp.float32)
    ones_rows = jnp.ones((DCH, D), jnp.float32)

    deg_scatter, edge_scatter = _sc_kernels()
    deg_parts = deg_scatter(col, ones_rows, zeros_d)
    g1, dis = _layer1(deg_parts, x, W1, b1.reshape(1, D))
    s1 = edge_scatter(g1, row, col, zeros_d)
    g2 = _layer2(s1, dis, W2, b2.reshape(1, D))
    s2 = edge_scatter(g2, row, col, zeros_d)
    return _finish(s2, dis)

# --- scband reference (transcript-rebuilt; emitter-appended) ---
"""Pipeline reference for scband-gcn2-12206297055836 (READ-ONLY COPY).

The authoritative reference and input builder live on the scoring server;
editing this copy changes nothing except your own understanding.
"""

import jax, jax.numpy as jnp
import numpy as np

N = 10000
E = 320000
D = 128

def setup_inputs(seed: int = 0) -> dict:
    key = jax.random.key(seed)
    k1, k2, k3, k4, k5, k6, k7, k8 = jax.random.split(key, 8)
    x = jax.random.normal(k1, (N, D), dtype=jnp.float32)
    edge_index = jax.random.randint(k2, (2, E), 0, N, dtype=jnp.int64)
    # conv1: Linear(D, D); conv2: Linear(D, D)
    s1 = 1.0 / np.sqrt(D)
    W1 = jax.random.uniform(k3, (D, D), dtype=jnp.float32, minval=-s1, maxval=s1)
    b1 = jax.random.uniform(k4, (D,), dtype=jnp.float32, minval=-s1, maxval=s1)
    W2 = jax.random.uniform(k5, (D, D), dtype=jnp.float32, minval=-s1, maxval=s1)
    b2 = jax.random.uniform(k6, (D,), dtype=jnp.float32, minval=-s1, maxval=s1)
    return {"x": x, "edge_index": edge_index, "W1": W1, "b1": b1, "W2": W2, "b2": b2}

def gcn_conv(x, edge_index, W, b):
    # lin
    x = x @ W.T + b
    row = edge_index[0]
    col = edge_index[1]
    n = x.shape[-2]
    # degree of col (target) nodes
    deg = jax.ops.segment_sum(jnp.ones((edge_index.shape[1],), dtype=x.dtype), col, num_segments=n)
    deg_inv_sqrt = jnp.where(deg > 0, deg ** -0.5, 0.0)
    norm = deg_inv_sqrt[row] * deg_inv_sqrt[col]
    # message: norm * x_j (x_j = x[row]); aggregate add at col
    msg = norm[:, None] * x[row]
    out = jax.ops.segment_sum(msg, col, num_segments=n)
    return out

def reference(x, edge_index, W1, b1, W2, b2):
    x = gcn_conv(x, edge_index, W1, b1)
    x = jax.nn.relu(x)
    # dropout is identity in eval mode
    x = gcn_conv(x, edge_index, W2, b2)
    return x

if __name__ == "__main__":
    import jax
    _d = setup_inputs()
    print(jax.jit(kernel)(*tuple(_d.values())))

</pallas_src>

<mosaic_0001>
#map = affine_map<(d0, d1) -> (0)>
#map1 = affine_map<(d0, d1) -> (0, 0)>
#map2 = affine_map<(d0, d1) -> (0, 0, 0)>
module attributes {stable_mosaic.version = 14 : i64} {
  func.func @_deg_scatter_body(%arg0: i32, %arg1: i32, %arg2: memref<327680xi32, #tpu.memory_space<hbm>>, %arg3: memref<128x128xf32, #tpu.memory_space<hbm>>, %arg4: memref<10112x128xf32, #tpu.memory_space<hbm>>, %arg5: memref<2x10112x128xf32, #tpu.memory_space<hbm>>, %arg6: memref<128xi32, #tpu.memory_space<vmem>>, %arg7: memref<128xi32, #tpu.memory_space<vmem>>, %arg8: memref<128x128xf32, #tpu.memory_space<vmem>>, %arg9: memref<!tpu.dma_semaphore, #tpu.memory_space<semaphore_mem>>, %arg10: memref<!tpu.dma_semaphore, #tpu.memory_space<semaphore_mem>>, %arg11: memref<10112x128xf32, #tpu.memory_space<vmem_shared>>) attributes {dimension_semantics = [#tpu.dimension_semantics<core_parallel>, #tpu.dimension_semantics<subcore_parallel>], iteration_bounds = array<i64: 2, 16>, scalar_prefetch = 0 : i64, scratch_operands = 6 : i64, tpu.core_type = #tpu.core_type<sc_vector_subcore>, window_params = [{transform_indices = #map}, {transform_indices = #map1}, {transform_indices = #map1}, {transform_indices = #map2}]} {
    %mul3A = arith.constant 632 : i32
    %mul3A_0 = arith.muli %arg1, %mul3A : i32
    %multiple_of3A = tpu.assume_multiple %mul3A_0, 8 : i32
    "tpu.region"() ({
      %run_scoped3A = tpu.sem_alloc : memref<!tpu.dma_semaphore, #tpu.memory_space<semaphore_mem>>
      %dma_start3A = arith.constant 0 : i32
      %dma_start3A_16 = tpu.memref_slice %arg11[%multiple_of3A, %dma_start3A] : memref<10112x128xf32, #tpu.memory_space<vmem_shared>> -> memref<632x128xf32, #tpu.memory_space<vmem_shared>>
      %dma_start3A_17 = arith.constant 0 : i32
      %dma_start3A_18 = tpu.memref_slice %arg4[%multiple_of3A, %dma_start3A_17] : memref<10112x128xf32, #tpu.memory_space<hbm>> -> memref<632x128xf32, #tpu.memory_space<hbm>>
      tpu.enqueue_dma source(%dma_start3A_18 : memref<632x128xf32, #tpu.memory_space<hbm>>) target(%dma_start3A_16 : memref<632x128xf32, #tpu.memory_space<vmem_shared>>) target_semaphore(%run_scoped3A : memref<!tpu.dma_semaphore, #tpu.memory_space<semaphore_mem>>)
      %dma_wait3A = arith.constant 0 : i32
      %dma_wait3A_19 = tpu.memref_slice %arg11[%multiple_of3A, %dma_wait3A] : memref<10112x128xf32, #tpu.memory_space<vmem_shared>> -> memref<632x128xf32, #tpu.memory_space<vmem_shared>>
      %dma_wait3A_20 = arith.constant 0 : i32
      %dma_wait3A_21 = tpu.memref_slice %arg4[%multiple_of3A, %dma_wait3A_20] : memref<10112x128xf32, #tpu.memory_space<hbm>> -> memref<632x128xf32, #tpu.memory_space<hbm>>
      tpu.wait_dma2 semaphore(%run_scoped3A : memref<!tpu.dma_semaphore, #tpu.memory_space<semaphore_mem>>) src(%dma_wait3A_21 : memref<632x128xf32, #tpu.memory_space<hbm>>) dst(%dma_wait3A_19 : memref<632x128xf32, #tpu.memory_space<vmem_shared>>)
      tpu.yield
    }) : () -> ()
    "tpu.region"() ({
      %run_scoped3A = tpu.sem_alloc : memref<!tpu.dma_semaphore, #tpu.memory_space<semaphore_mem>>
      tpu.enqueue_dma source(%arg3 : memref<128x128xf32, #tpu.memory_space<hbm>>) target(%arg8 : memref<128x128xf32, #tpu.memory_space<vmem>>) target_semaphore(%run_scoped3A : memref<!tpu.dma_semaphore, #tpu.memory_space<semaphore_mem>>)
      tpu.wait_dma2 semaphore(%run_scoped3A : memref<!tpu.dma_semaphore, #tpu.memory_space<semaphore_mem>>) src(%arg3 : memref<128x128xf32, #tpu.memory_space<hbm>>) dst(%arg8 : memref<128x128xf32, #tpu.memory_space<vmem>>)
      tpu.yield
    }) : () -> ()
    %barrier3A = arith.constant 0 : index
    tpu.barrier barrier_id(%barrier3A)
    %mul3A_1 = arith.constant 16 : i32
    %mul3A_2 = arith.muli %arg0, %mul3A_1 : i32
    %add3A = arith.addi %mul3A_2, %arg1 : i32
    %mul3A_3 = arith.constant 80 : i32
    %mul3A_4 = arith.muli %add3A, %mul3A_3 : i32
    %add3A_5 = arith.constant 0 : i32
    %add3A_6 = arith.addi %mul3A_4, %add3A_5 : i32
    %mul3A_7 = arith.constant 128 : i32
    %mul3A_8 = arith.muli %add3A_6, %mul3A_7 : i32
    %multiple_of3A_9 = tpu.assume_multiple %mul3A_8, 8 : i32
    "tpu.region"() ({
      %run_scoped3A = tpu.sem_alloc : memref<!tpu.dma_semaphore, #tpu.memory_space<semaphore_mem>>
      %dma_start3A = tpu.memref_slice %arg2[%multiple_of3A_9] : memref<327680xi32, #tpu.memory_space<hbm>> -> memref<128xi32, #tpu.memory_space<hbm>>
      %dma_start3A_16 = tpu.memref_slice %arg2[%multiple_of3A_9] : memref<327680xi32, #tpu.memory_space<hbm>> -> memref<128xi32, #tpu.memory_space<hbm>>
      tpu.enqueue_dma source(%dma_start3A_16 : memref<128xi32, #tpu.memory_space<hbm>>) target(%arg6 : memref<128xi32, #tpu.memory_space<vmem>>) target_semaphore(%run_scoped3A : memref<!tpu.dma_semaphore, #tpu.memory_space<semaphore_mem>>)
      %dma_wait3A = tpu.memref_slice %arg2[%multiple_of3A_9] : memref<327680xi32, #tpu.memory_space<hbm>> -> memref<128xi32, #tpu.memory_space<hbm>>
      %dma_wait3A_17 = tpu.memref_slice %arg2[%multiple_of3A_9] : memref<327680xi32, #tpu.memory_space<hbm>> -> memref<128xi32, #tpu.memory_space<hbm>>
      tpu.wait_dma2 semaphore(%run_scoped3A : memref<!tpu.dma_semaphore, #tpu.memory_space<semaphore_mem>>) src(%dma_wait3A_17 : memref<128xi32, #tpu.memory_space<hbm>>) dst(%arg6 : memref<128xi32, #tpu.memory_space<vmem>>)
      tpu.yield
    }) : () -> ()
    %scan3A = arith.constant 0 : i32
    %scan3A_10 = arith.constant 0 : i32
    %scan3A_11 = arith.constant 40 : i32
    %scan3A_12 = arith.addi %scan3A_10, %scan3A_11 : i32
    %scan3A_13 = arith.constant 1 : i32
    scf.for %scan3A_16 = %scan3A_10 to %scan3A_12 step %scan3A_13  : i32 {
      %mul3A_17 = arith.constant 2 : i32
      %mul3A_18 = arith.muli %mul3A_17, %scan3A_16 : i32
      %dma_start3A = arith.constant 0 : i32
      %dma_start3A_19 = arith.constant 0 : i32
      %dma_start3A_20 = tpu.memref_slice %arg11[%dma_start3A, %dma_start3A_19] : memref<10112x128xf32, #tpu.memory_space<vmem_shared>> -> memref<10112x128xf32, #tpu.memory_space<vmem_shared>>
      tpu.enqueue_indirect_dma source(%arg8 : memref<128x128xf32, #tpu.memory_space<vmem>>) target(%dma_start3A_20 : memref<10112x128xf32, #tpu.memory_space<vmem_shared>>) offsets(%arg6 : memref<128xi32, #tpu.memory_space<vmem>>) semaphore(%arg9 : memref<!tpu.dma_semaphore, #tpu.memory_space<semaphore_mem>>) {add = true}
      %add3A_21 = arith.constant 1 : i32
      %add3A_22 = arith.addi %mul3A_18, %add3A_21 : i32
      %add3A_23 = arith.addi %mul3A_4, %add3A_22 : i32
      %mul3A_24 = arith.constant 128 : i32
      %mul3A_25 = arith.muli %add3A_23, %mul3A_24 : i32
      %multiple_of3A_26 = tpu.assume_multiple %mul3A_25, 8 : i32
      "tpu.region"() ({
        %run_scoped3A = tpu.sem_alloc : memref<!tpu.dma_semaphore, #tpu.memory_space<semaphore_mem>>
        %dma_start3A_42 = tpu.memref_slice %arg2[%multiple_of3A_26] : memref<327680xi32, #tpu.memory_space<hbm>> -> memref<128xi32, #tpu.memory_space<hbm>>
        %dma_start3A_43 = tpu.memref_slice %arg2[%multiple_of3A_26] : memref<327680xi32, #tpu.memory_space<hbm>> -> memref<128xi32, #tpu.memory_space<hbm>>
        tpu.enqueue_dma source(%dma_start3A_43 : memref<128xi32, #tpu.memory_space<hbm>>) target(%arg7 : memref<128xi32, #tpu.memory_space<vmem>>) target_semaphore(%run_scoped3A : memref<!tpu.dma_semaphore, #tpu.memory_space<semaphore_mem>>)
        %dma_wait3A_44 = tpu.memref_slice %arg2[%multiple_of3A_26] : memref<327680xi32, #tpu.memory_space<hbm>> -> memref<128xi32, #tpu.memory_space<hbm>>
        %dma_wait3A_45 = tpu.memref_slice %arg2[%multiple_of3A_26] : memref<327680xi32, #tpu.memory_space<hbm>> -> memref<128xi32, #tpu.memory_space<hbm>>
        tpu.wait_dma2 semaphore(%run_scoped3A : memref<!tpu.dma_semaphore, #tpu.memory_space<semaphore_mem>>) src(%dma_wait3A_45 : memref<128xi32, #tpu.memory_space<hbm>>) dst(%arg7 : memref<128xi32, #tpu.memory_space<vmem>>)
        tpu.yield
      }) : () -> ()
      %dma_start3A_27 = arith.constant 0 : i32
      %dma_start3A_28 = arith.constant 0 : i32
      %dma_start3A_29 = tpu.memref_slice %arg11[%dma_start3A_27, %dma_start3A_28] : memref<10112x128xf32, #tpu.memory_space<vmem_shared>> -> memref<10112x128xf32, #tpu.memory_space<vmem_shared>>
      tpu.enqueue_indirect_dma source(%arg8 : memref<128x128xf32, #tpu.memory_space<vmem>>) target(%dma_start3A_29 : memref<10112x128xf32, #tpu.memory_space<vmem_shared>>) offsets(%arg7 : memref<128xi32, #tpu.memory_space<vmem>>) semaphore(%arg10 : memref<!tpu.dma_semaphore, #tpu.memory_space<semaphore_mem>>) {add = true}
      %dma_wait3A = arith.constant 0 : i32
      %dma_wait3A_30 = arith.constant 0 : i32
      %dma_wait3A_31 = tpu.memref_slice %arg11[%dma_wait3A, %dma_wait3A_30] : memref<10112x128xf32, #tpu.memory_space<vmem_shared>> -> memref<10112x128xf32, #tpu.memory_space<vmem_shared>>
      tpu.wait_indirect_dma semaphore(%arg9 : memref<!tpu.dma_semaphore, #tpu.memory_space<semaphore_mem>>) src(%arg8 : memref<128x128xf32, #tpu.memory_space<vmem>>) dst(%dma_wait3A_31 : memref<10112x128xf32, #tpu.memory_space<vmem_shared>>)
      %add3A_32 = arith.constant 2 : i32
      %add3A_33 = arith.addi %mul3A_18, %add3A_32 : i32
      %min3A = arith.constant 79 : i32
      %min3A_34 = arith.minsi %add3A_33, %min3A : i32
      %add3A_35 = arith.addi %mul3A_4, %min3A_34 : i32
      %mul3A_36 = arith.constant 128 : i32
      %mul3A_37 = arith.muli %add3A_35, %mul3A_36 : i32
      %multiple_of3A_38 = tpu.assume_multiple %mul3A_37, 8 : i32
      "tpu.region"() ({
        %run_scoped3A = tpu.sem_alloc : memref<!tpu.dma_semaphore, #tpu.memory_space<semaphore_mem>>
        %dma_start3A_42 = tpu.memref_slice %arg2[%multiple_of3A_38] : memref<327680xi32, #tpu.memory_space<hbm>> -> memref<128xi32, #tpu.memory_space<hbm>>
        %dma_start3A_43 = tpu.memref_slice %arg2[%multiple_of3A_38] : memref<327680xi32, #tpu.memory_space<hbm>> -> memref<128xi32, #tpu.memory_space<hbm>>
        tpu.enqueue_dma source(%dma_start3A_43 : memref<128xi32, #tpu.memory_space<hbm>>) target(%arg6 : memref<128xi32, #tpu.memory_space<vmem>>) target_semaphore(%run_scoped3A : memref<!tpu.dma_semaphore, #tpu.memory_space<semaphore_mem>>)
        %dma_wait3A_44 = tpu.memref_slice %arg2[%multiple_of3A_38] : memref<327680xi32, #tpu.memory_space<hbm>> -> memref<128xi32, #tpu.memory_space<hbm>>
        %dma_wait3A_45 = tpu.memref_slice %arg2[%multiple_of3A_38] : memref<327680xi32, #tpu.memory_space<hbm>> -> memref<128xi32, #tpu.memory_space<hbm>>
        tpu.wait_dma2 semaphore(%run_scoped3A : memref<!tpu.dma_semaphore, #tpu.memory_space<semaphore_mem>>) src(%dma_wait3A_45 : memref<128xi32, #tpu.memory_space<hbm>>) dst(%arg6 : memref<128xi32, #tpu.memory_space<vmem>>)
        tpu.yield
      }) : () -> ()
      %dma_wait3A_39 = arith.constant 0 : i32
      %dma_wait3A_40 = arith.constant 0 : i32
      %dma_wait3A_41 = tpu.memref_slice %arg11[%dma_wait3A_39, %dma_wait3A_40] : memref<10112x128xf32, #tpu.memory_space<vmem_shared>> -> memref<10112x128xf32, #tpu.memory_space<vmem_shared>>
      tpu.wait_indirect_dma semaphore(%arg10 : memref<!tpu.dma_semaphore, #tpu.memory_space<semaphore_mem>>) src(%arg8 : memref<128x128xf32, #tpu.memory_space<vmem>>) dst(%dma_wait3A_41 : memref<10112x128xf32, #tpu.memory_space<vmem_shared>>)
    }
    %scan3A_14 = arith.constant 40 : i32
    %barrier3A_15 = arith.constant 0 : index
    tpu.barrier barrier_id(%barrier3A_15)
    "tpu.region"() ({
      %run_scoped3A = tpu.sem_alloc : memref<!tpu.dma_semaphore, #tpu.memory_space<semaphore_mem>>
      %dma_start3A = arith.constant 0 : i32
      %dma_start3A_16 = tpu.memref_slice %arg5[%arg0, %multiple_of3A, %dma_start3A] : memref<2x10112x128xf32, #tpu.memory_space<hbm>> -> memref<1x632x128xf32, #tpu.memory_space<hbm>>
      %dma_start3A_17 = tpu.memref_squeeze %dma_start3A_16 : memref<1x632x128xf32, #tpu.memory_space<hbm>> -> memref<632x128xf32, #tpu.memory_space<hbm>>
      %dma_start3A_18 = arith.constant 0 : i32
      %dma_start3A_19 = tpu.memref_slice %arg11[%multiple_of3A, %dma_start3A_18] : memref<10112x128xf32, #tpu.memory_space<vmem_shared>> -> memref<632x128xf32, #tpu.memory_space<vmem_shared>>
      tpu.enqueue_dma source(%dma_start3A_19 : memref<632x128xf32, #tpu.memory_space<vmem_shared>>) target(%dma_start3A_17 : memref<632x128xf32, #tpu.memory_space<hbm>>) target_semaphore(%run_scoped3A : memref<!tpu.dma_semaphore, #tpu.memory_space<semaphore_mem>>)
      %dma_wait3A = arith.constant 0 : i32
      %dma_wait3A_20 = tpu.memref_slice %arg5[%arg0, %multiple_of3A, %dma_wait3A] : memref<2x10112x128xf32, #tpu.memory_space<hbm>> -> memref<1x632x128xf32, #tpu.memory_space<hbm>>
      %dma_wait3A_21 = tpu.memref_squeeze %dma_wait3A_20 : memref<1x632x128xf32, #tpu.memory_space<hbm>> -> memref<632x128xf32, #tpu.memory_space<hbm>>
      %dma_wait3A_22 = arith.constant 0 : i32
      %dma_wait3A_23 = tpu.memref_slice %arg11[%multiple_of3A, %dma_wait3A_22] : memref<10112x128xf32, #tpu.memory_space<vmem_shared>> -> memref<632x128xf32, #tpu.memory_space<vmem_shared>>
      tpu.wait_dma2 semaphore(%run_scoped3A : memref<!tpu.dma_semaphore, #tpu.memory_space<semaphore_mem>>) src(%dma_wait3A_23 : memref<632x128xf32, #tpu.memory_space<vmem_shared>>) dst(%dma_wait3A_21 : memref<632x128xf32, #tpu.memory_space<hbm>>)
      tpu.yield
    }) : () -> ()
    return
  }
}

#map = affine_map<(d0, d1) -> (0, 0)>
#map1 = affine_map<(d0, d1) -> (0)>
#map2 = affine_map<(d0, d1) -> (0, 0, 0)>
module attributes {stable_mosaic.version = 14 : i64} {
  func.func @_edge_scatter_body(%arg0: i32, %arg1: i32, %arg2: memref<10000x128xf32, #tpu.memory_space<hbm>>, %arg3: memref<327680xi32, #tpu.memory_space<hbm>>, %arg4: memref<327680xi32, #tpu.memory_space<hbm>>, %arg5: memref<10112x128xf32, #tpu.memory_space<hbm>>, %arg6: memref<2x10112x128xf32, #tpu.memory_space<hbm>>, %arg7: memref<96xi32, #tpu.memory_space<vmem>>, %arg8: memref<96xi32, #tpu.memory_space<vmem>>, %arg9: memref<96xi32, #tpu.memory_space<vmem>>, %arg10: memref<96xi32, #tpu.memory_space<vmem>>, %arg11: memref<96xi32, #tpu.memory_space<vmem>>, %arg12: memref<96xi32, #tpu.memory_space<vmem>>, %arg13: memref<96xi32, #tpu.memory_space<vmem>>, %arg14: memref<96xi32, #tpu.memory_space<vmem>>, %arg15: memref<96x128xf32, #tpu.memory_space<vmem>>, %arg16: memref<96x128xf32, #tpu.memory_space<vmem>>, %arg17: memref<96x128xf32, #tpu.memory_space<vmem>>, %arg18: memref<96x128xf32, #tpu.memory_space<vmem>>, %arg19: memref<!tpu.dma_semaphore, #tpu.memory_space<semaphore_mem>>, %arg20: memref<!tpu.dma_semaphore, #tpu.memory_space<semaphore_mem>>, %arg21: memref<!tpu.dma_semaphore, #tpu.memory_space<semaphore_mem>>, %arg22: memref<!tpu.dma_semaphore, #tpu.memory_space<semaphore_mem>>, %arg23: memref<!tpu.dma_semaphore, #tpu.memory_space<semaphore_mem>>, %arg24: memref<!tpu.dma_semaphore, #tpu.memory_space<semaphore_mem>>, %arg25: memref<!tpu.dma_semaphore, #tpu.memory_space<semaphore_mem>>, %arg26: memref<!tpu.dma_semaphore, #tpu.memory_space<semaphore_mem>>, %arg27: memref<10112x128xf32, #tpu.memory_space<vmem_shared>>) attributes {dimension_semantics = [#tpu.dimension_semantics<core_parallel>, #tpu.dimension_semantics<subcore_parallel>], iteration_bounds = array<i64: 2, 16>, scalar_prefetch = 0 : i64, scratch_operands = 21 : i64, tpu.core_type = #tpu.core_type<sc_vector_subcore>, window_params = [{transform_indices = #map}, {transform_indices = #map1}, {transform_indices = #map1}, {transform_indices = #map}, {transform_indices = #map2}]} {
    %mul3A = arith.constant 632 : i32
    %mul3A_0 = arith.muli %arg1, %mul3A : i32
    %multiple_of3A = tpu.assume_multiple %mul3A_0, 8 : i32
    "tpu.region"() ({
      %run_scoped3A = tpu.sem_alloc : memref<!tpu.dma_semaphore, #tpu.memory_space<semaphore_mem>>
      %dma_start3A_71 = arith.constant 0 : i32
      %dma_start3A_72 = tpu.memref_slice %arg27[%multiple_of3A, %dma_start3A_71] : memref<10112x128xf32, #tpu.memory_space<vmem_shared>> -> memref<632x128xf32, #tpu.memory_space<vmem_shared>>
      %dma_start3A_73 = arith.constant 0 : i32
      %dma_start3A_74 = tpu.memref_slice %arg5[%multiple_of3A, %dma_start3A_73] : memref<10112x128xf32, #tpu.memory_space<hbm>> -> memref<632x128xf32, #tpu.memory_space<hbm>>
      tpu.enqueue_dma source(%dma_start3A_74 : memref<632x128xf32, #tpu.memory_space<hbm>>) target(%dma_start3A_72 : memref<632x128xf32, #tpu.memory_space<vmem_shared>>) target_semaphore(%run_scoped3A : memref<!tpu.dma_semaphore, #tpu.memory_space<semaphore_mem>>)
      %dma_wait3A_75 = arith.constant 0 : i32
      %dma_wait3A_76 = tpu.memref_slice %arg27[%multiple_of3A, %dma_wait3A_75] : memref<10112x128xf32, #tpu.memory_space<vmem_shared>> -> memref<632x128xf32, #tpu.memory_space<vmem_shared>>
      %dma_wait3A_77 = arith.constant 0 : i32
      %dma_wait3A_78 = tpu.memref_slice %arg5[%multiple_of3A, %dma_wait3A_77] : memref<10112x128xf32, #tpu.memory_space<hbm>> -> memref<632x128xf32, #tpu.memory_space<hbm>>
      tpu.wait_dma2 semaphore(%run_scoped3A : memref<!tpu.dma_semaphore, #tpu.memory_space<semaphore_mem>>) src(%dma_wait3A_78 : memref<632x128xf32, #tpu.memory_space<hbm>>) dst(%dma_wait3A_76 : memref<632x128xf32, #tpu.memory_space<vmem_shared>>)
      tpu.yield
    }) : () -> ()
    %barrier3A = arith.constant 0 : index
    tpu.barrier barrier_id(%barrier3A)
    %mul3A_1 = arith.constant 16 : i32
    %mul3A_2 = arith.muli %arg0, %mul3A_1 : i32
    %add3A = arith.addi %mul3A_2, %arg1 : i32
    %mul3A_3 = arith.constant 105 : i32
    %mul3A_4 = arith.muli %add3A, %mul3A_3 : i32
    %add3A_5 = arith.constant 0 : i32
    %add3A_6 = arith.addi %mul3A_4, %add3A_5 : i32
    %mul3A_7 = arith.constant 96 : i32
    %mul3A_8 = arith.muli %add3A_6, %mul3A_7 : i32
    %multiple_of3A_9 = tpu.assume_multiple %mul3A_8, 8 : i32
    "tpu.region"() ({
      %run_scoped3A = tpu.sem_alloc : memref<!tpu.dma_semaphore, #tpu.memory_space<semaphore_mem>>
      %dma_start3A_71 = tpu.memref_slice %arg3[%multiple_of3A_9] : memref<327680xi32, #tpu.memory_space<hbm>> -> memref<96xi32, #tpu.memory_space<hbm>>
      %dma_start3A_72 = tpu.memref_slice %arg3[%multiple_of3A_9] : memref<327680xi32, #tpu.memory_space<hbm>> -> memref<96xi32, #tpu.memory_space<hbm>>
      tpu.enqueue_dma source(%dma_start3A_72 : memref<96xi32, #tpu.memory_space<hbm>>) target(%arg7 : memref<96xi32, #tpu.memory_space<vmem>>) target_semaphore(%run_scoped3A : memref<!tpu.dma_semaphore, #tpu.memory_space<semaphore_mem>>)
      %dma_wait3A_73 = tpu.memref_slice %arg3[%multiple_of3A_9] : memref<327680xi32, #tpu.memory_space<hbm>> -> memref<96xi32, #tpu.memory_space<hbm>>
      %dma_wait3A_74 = tpu.memref_slice %arg3[%multiple_of3A_9] : memref<327680xi32, #tpu.memory_space<hbm>> -> memref<96xi32, #tpu.memory_space<hbm>>
      tpu.wait_dma2 semaphore(%run_scoped3A : memref<!tpu.dma_semaphore, #tpu.memory_space<semaphore_mem>>) src(%dma_wait3A_74 : memref<96xi32, #tpu.memory_space<hbm>>) dst(%arg7 : memref<96xi32, #tpu.memory_space<vmem>>)
      tpu.yield
    }) : () -> ()
    "tpu.region"() ({
      %run_scoped3A = tpu.sem_alloc : memref<!tpu.dma_semaphore, #tpu.memory_space<semaphore_mem>>
      %dma_start3A_71 = tpu.memref_slice %arg4[%multiple_of3A_9] : memref<327680xi32, #tpu.memory_space<hbm>> -> memref<96xi32, #tpu.memory_space<hbm>>
      %dma_start3A_72 = tpu.memref_slice %arg4[%multiple_of3A_9] : memref<327680xi32, #tpu.memory_space<hbm>> -> memref<96xi32, #tpu.memory_space<hbm>>
      tpu.enqueue_dma source(%dma_start3A_72 : memref<96xi32, #tpu.memory_space<hbm>>) target(%arg11 : memref<96xi32, #tpu.memory_space<vmem>>) target_semaphore(%run_scoped3A : memref<!tpu.dma_semaphore, #tpu.memory_space<semaphore_mem>>)
      %dma_wait3A_73 = tpu.memref_slice %arg4[%multiple_of3A_9] : memref<327680xi32, #tpu.memory_space<hbm>> -> memref<96xi32, #tpu.memory_space<hbm>>
      %dma_wait3A_74 = tpu.memref_slice %arg4[%multiple_of3A_9] : memref<327680xi32, #tpu.memory_space<hbm>> -> memref<96xi32, #tpu.memory_space<hbm>>
      tpu.wait_dma2 semaphore(%run_scoped3A : memref<!tpu.dma_semaphore, #tpu.memory_space<semaphore_mem>>) src(%dma_wait3A_74 : memref<96xi32, #tpu.memory_space<hbm>>) dst(%arg11 : memref<96xi32, #tpu.memory_space<vmem>>)
      tpu.yield
    }) : () -> ()
    %dma_start3A = arith.constant 0 : i32
    %dma_start3A_10 = arith.constant 0 : i32
    %dma_start3A_11 = tpu.memref_slice %arg2[%dma_start3A, %dma_start3A_10] : memref<10000x128xf32, #tpu.memory_space<hbm>> -> memref<10000x128xf32, #tpu.memory_space<hbm>>
    tpu.enqueue_indirect_dma source(%dma_start3A_11 : memref<10000x128xf32, #tpu.memory_space<hbm>>) target(%arg15 : memref<96x128xf32, #tpu.memory_space<vmem>>) offsets(%arg7 : memref<96xi32, #tpu.memory_space<vmem>>) semaphore(%arg19 : memref<!tpu.dma_semaphore, #tpu.memory_space<semaphore_mem>>)
    %add3A_12 = arith.constant 1 : i32
    %add3A_13 = arith.addi %mul3A_4, %add3A_12 : i32
    %mul3A_14 = arith.constant 96 : i32
    %mul3A_15 = arith.muli %add3A_13, %mul3A_14 : i32
    %multiple_of3A_16 = tpu.assume_multiple %mul3A_15, 8 : i32
    "tpu.region"() ({
      %run_scoped3A = tpu.sem_alloc : memref<!tpu.dma_semaphore, #tpu.memory_space<semaphore_mem>>
      %dma_start3A_71 = tpu.memref_slice %arg3[%multiple_of3A_16] : memref<327680xi32, #tpu.memory_space<hbm>> -> memref<96xi32, #tpu.memory_space<hbm>>
      %dma_start3A_72 = tpu.memref_slice %arg3[%multiple_of3A_16] : memref<327680xi32, #tpu.memory_space<hbm>> -> memref<96xi32, #tpu.memory_space<hbm>>
      tpu.enqueue_dma source(%dma_start3A_72 : memref<96xi32, #tpu.memory_space<hbm>>) target(%arg8 : memref<96xi32, #tpu.memory_space<vmem>>) target_semaphore(%run_scoped3A : memref<!tpu.dma_semaphore, #tpu.memory_space<semaphore_mem>>)
      %dma_wait3A_73 = tpu.memref_slice %arg3[%multiple_of3A_16] : memref<327680xi32, #tpu.memory_space<hbm>> -> memref<96xi32, #tpu.memory_space<hbm>>
      %dma_wait3A_74 = tpu.memref_slice %arg3[%multiple_of3A_16] : memref<327680xi32, #tpu.memory_space<hbm>> -> memref<96xi32, #tpu.memory_space<hbm>>
      tpu.wait_dma2 semaphore(%run_scoped3A : memref<!tpu.dma_semaphore, #tpu.memory_space<semaphore_mem>>) src(%dma_wait3A_74 : memref<96xi32, #tpu.memory_space<hbm>>) dst(%arg8 : memref<96xi32, #tpu.memory_space<vmem>>)
      tpu.yield
    }) : () -> ()
    "tpu.region"() ({
      %run_scoped3A = tpu.sem_alloc : memref<!tpu.dma_semaphore, #tpu.memory_space<semaphore_mem>>
      %dma_start3A_71 = tpu.memref_slice %arg4[%multiple_of3A_16] : memref<327680xi32, #tpu.memory_space<hbm>> -> memref<96xi32, #tpu.memory_space<hbm>>
      %dma_start3A_72 = tpu.memref_slice %arg4[%multiple_of3A_16] : memref<327680xi32, #tpu.memory_space<hbm>> -> memref<96xi32, #tpu.memory_space<hbm>>
      tpu.enqueue_dma source(%dma_start3A_72 : memref<96xi32, #tpu.memory_space<hbm>>) target(%arg12 : memref<96xi32, #tpu.memory_space<vmem>>) target_semaphore(%run_scoped3A : memref<!tpu.dma_semaphore, #tpu.memory_space<semaphore_mem>>)
      %dma_wait3A_73 = tpu.memref_slice %arg4[%multiple_of3A_16] : memref<327680xi32, #tpu.memory_space<hbm>> -> memref<96xi32, #tpu.memory_space<hbm>>
      %dma_wait3A_74 = tpu.memref_slice %arg4[%multiple_of3A_16] : memref<327680xi32, #tpu.memory_space<hbm>> -> memref<96xi32, #tpu.memory_space<hbm>>
      tpu.wait_dma2 semaphore(%run_scoped3A : memref<!tpu.dma_semaphore, #tpu.memory_space<semaphore_mem>>) src(%dma_wait3A_74 : memref<96xi32, #tpu.memory_space<hbm>>) dst(%arg12 : memref<96xi32, #tpu.memory_space<vmem>>)
      tpu.yield
    }) : () -> ()
    %dma_start3A_17 = arith.constant 0 : i32
    %dma_start3A_18 = arith.constant 0 : i32
    %dma_start3A_19 = tpu.memref_slice %arg2[%dma_start3A_17, %dma_start3A_18] : memref<10000x128xf32, #tpu.memory_space<hbm>> -> memref<10000x128xf32, #tpu.memory_space<hbm>>
    tpu.enqueue_indirect_dma source(%dma_start3A_19 : memref<10000x128xf32, #tpu.memory_space<hbm>>) target(%arg16 : memref<96x128xf32, #tpu.memory_space<vmem>>) offsets(%arg8 : memref<96xi32, #tpu.memory_space<vmem>>) semaphore(%arg20 : memref<!tpu.dma_semaphore, #tpu.memory_space<semaphore_mem>>)
    %dma_wait3A = arith.constant 0 : i32
    %dma_wait3A_20 = arith.constant 0 : i32
    %dma_wait3A_21 = tpu.memref_slice %arg2[%dma_wait3A, %dma_wait3A_20] : memref<10000x128xf32, #tpu.memory_space<hbm>> -> memref<10000x128xf32, #tpu.memory_space<hbm>>
    tpu.wait_indirect_dma semaphore(%arg19 : memref<!tpu.dma_semaphore, #tpu.memory_space<semaphore_mem>>) src(%dma_wait3A_21 : memref<10000x128xf32, #tpu.memory_space<hbm>>) dst(%arg15 : memref<96x128xf32, #tpu.memory_space<vmem>>)
    %dma_start3A_22 = arith.constant 0 : i32
    %dma_start3A_23 = arith.constant 0 : i32
    %dma_start3A_24 = tpu.memref_slice %arg27[%dma_start3A_22, %dma_start3A_23] : memref<10112x128xf32, #tpu.memory_space<vmem_shared>> -> memref<10112x128xf32, #tpu.memory_space<vmem_shared>>
    tpu.enqueue_indirect_dma source(%arg15 : memref<96x128xf32, #tpu.memory_space<vmem>>) target(%dma_start3A_24 : memref<10112x128xf32, #tpu.memory_space<vmem_shared>>) offsets(%arg11 : memref<96xi32, #tpu.memory_space<vmem>>) semaphore(%arg23 : memref<!tpu.dma_semaphore, #tpu.memory_space<semaphore_mem>>) {add = true}
    %add3A_25 = arith.constant 2 : i32
    %add3A_26 = arith.addi %mul3A_4, %add3A_25 : i32
    %mul3A_27 = arith.constant 96 : i32
    %mul3A_28 = arith.muli %add3A_26, %mul3A_27 : i32
    %multiple_of3A_29 = tpu.assume_multiple %mul3A_28, 8 : i32
    "tpu.region"() ({
      %run_scoped3A = tpu.sem_alloc : memref<!tpu.dma_semaphore, #tpu.memory_space<semaphore_mem>>
      %dma_start3A_71 = tpu.memref_slice %arg3[%multiple_of3A_29] : memref<327680xi32, #tpu.memory_space<hbm>> -> memref<96xi32, #tpu.memory_space<hbm>>
      %dma_start3A_72 = tpu.memref_slice %arg3[%multiple_of3A_29] : memref<327680xi32, #tpu.memory_space<hbm>> -> memref<96xi32, #tpu.memory_space<hbm>>
      tpu.enqueue_dma source(%dma_start3A_72 : memref<96xi32, #tpu.memory_space<hbm>>) target(%arg9 : memref<96xi32, #tpu.memory_space<vmem>>) target_semaphore(%run_scoped3A : memref<!tpu.dma_semaphore, #tpu.memory_space<semaphore_mem>>)
      %dma_wait3A_73 = tpu.memref_slice %arg3[%multiple_of3A_29] : memref<327680xi32, #tpu.memory_space<hbm>> -> memref<96xi32, #tpu.memory_space<hbm>>
      %dma_wait3A_74 = tpu.memref_slice %arg3[%multiple_of3A_29] : memref<327680xi32, #tpu.memory_space<hbm>> -> memref<96xi32, #tpu.memory_space<hbm>>
      tpu.wait_dma2 semaphore(%run_scoped3A : memref<!tpu.dma_semaphore, #tpu.memory_space<semaphore_mem>>) src(%dma_wait3A_74 : memref<96xi32, #tpu.memory_space<hbm>>) dst(%arg9 : memref<96xi32, #tpu.memory_space<vmem>>)
      tpu.yield
    }) : () -> ()
    "tpu.region"() ({
      %run_scoped3A = tpu.sem_alloc : memref<!tpu.dma_semaphore, #tpu.memory_space<semaphore_mem>>
      %dma_start3A_71 = tpu.memref_slice %arg4[%multiple_of3A_29] : memref<327680xi32, #tpu.memory_space<hbm>> -> memref<96xi32, #tpu.memory_space<hbm>>
      %dma_start3A_72 = tpu.memref_slice %arg4[%multiple_of3A_29] : memref<327680xi32, #tpu.memory_space<hbm>> -> memref<96xi32, #tpu.memory_space<hbm>>
      tpu.enqueue_dma source(%dma_start3A_72 : memref<96xi32, #tpu.memory_space<hbm>>) target(%arg13 : memref<96xi32, #tpu.memory_space<vmem>>) target_semaphore(%run_scoped3A : memref<!tpu.dma_semaphore, #tpu.memory_space<semaphore_mem>>)
      %dma_wait3A_73 = tpu.memref_slice %arg4[%multiple_of3A_29] : memref<327680xi32, #tpu.memory_space<hbm>> -> memref<96xi32, #tpu.memory_space<hbm>>
      %dma_wait3A_74 = tpu.memref_slice %arg4[%multiple_of3A_29] : memref<327680xi32, #tpu.memory_space<hbm>> -> memref<96xi32, #tpu.memory_space<hbm>>
      tpu.wait_dma2 semaphore(%run_scoped3A : memref<!tpu.dma_semaphore, #tpu.memory_space<semaphore_mem>>) src(%dma_wait3A_74 : memref<96xi32, #tpu.memory_space<hbm>>) dst(%arg13 : memref<96xi32, #tpu.memory_space<vmem>>)
      tpu.yield
    }) : () -> ()
    %dma_start3A_30 = arith.constant 0 : i32
    %dma_start3A_31 = arith.constant 0 : i32
    %dma_start3A_32 = tpu.memref_slice %arg2[%dma_start3A_30, %dma_start3A_31] : memref<10000x128xf32, #tpu.memory_space<hbm>> -> memref<10000x128xf32, #tpu.memory_space<hbm>>
    tpu.enqueue_indirect_dma source(%dma_start3A_32 : memref<10000x128xf32, #tpu.memory_space<hbm>>) target(%arg17 : memref<96x128xf32, #tpu.memory_space<vmem>>) offsets(%arg9 : memref<96xi32, #tpu.memory_space<vmem>>) semaphore(%arg21 : memref<!tpu.dma_semaphore, #tpu.memory_space<semaphore_mem>>)
    %dma_wait3A_33 = arith.constant 0 : i32
    %dma_wait3A_34 = arith.constant 0 : i32
    %dma_wait3A_35 = tpu.memref_slice %arg2[%dma_wait3A_33, %dma_wait3A_34] : memref<10000x128xf32, #tpu.memory_space<hbm>> -> memref<10000x128xf32, #tpu.memory_space<hbm>>
    tpu.wait_indirect_dma semaphore(%arg20 : memref<!tpu.dma_semaphore, #tpu.memory_space<semaphore_mem>>) src(%dma_wait3A_35 : memref<10000x128xf32, #tpu.memory_space<hbm>>) dst(%arg16 : memref<96x128xf32, #tpu.memory_space<vmem>>)
    %dma_start3A_36 = arith.constant 0 : i32
    %dma_start3A_37 = arith.constant 0 : i32
    %dma_start3A_38 = tpu.memref_slice %arg27[%dma_start3A_36, %dma_start3A_37] : memref<10112x128xf32, #tpu.memory_space<vmem_shared>> -> memref<10112x128xf32, #tpu.memory_space<vmem_shared>>
    tpu.enqueue_indirect_dma source(%arg16 : memref<96x128xf32, #tpu.memory_space<vmem>>) target(%dma_start3A_38 : memref<10112x128xf32, #tpu.memory_space<vmem_shared>>) offsets(%arg12 : memref<96xi32, #tpu.memory_space<vmem>>) semaphore(%arg24 : memref<!tpu.dma_semaphore, #tpu.memory_space<semaphore_mem>>) {add = true}
    %add3A_39 = arith.constant 3 : i32
    %add3A_40 = arith.addi %mul3A_4, %add3A_39 : i32
    %mul3A_41 = arith.constant 96 : i32
    %mul3A_42 = arith.muli %add3A_40, %mul3A_41 : i32
    %multiple_of3A_43 = tpu.assume_multiple %mul3A_42, 8 : i32
    "tpu.region"() ({
      %run_scoped3A = tpu.sem_alloc : memref<!tpu.dma_semaphore, #tpu.memory_space<semaphore_mem>>
      %dma_start3A_71 = tpu.memref_slice %arg3[%multiple_of3A_43] : memref<327680xi32, #tpu.memory_space<hbm>> -> memref<96xi32, #tpu.memory_space<hbm>>
      %dma_start3A_72 = tpu.memref_slice %arg3[%multiple_of3A_43] : memref<327680xi32, #tpu.memory_space<hbm>> -> memref<96xi32, #tpu.memory_space<hbm>>
      tpu.enqueue_dma source(%dma_start3A_72 : memref<96xi32, #tpu.memory_space<hbm>>) target(%arg10 : memref<96xi32, #tpu.memory_space<vmem>>) target_semaphore(%run_scoped3A : memref<!tpu.dma_semaphore, #tpu.memory_space<semaphore_mem>>)
      %dma_wait3A_73 = tpu.memref_slice %arg3[%multiple_of3A_43] : memref<327680xi32, #tpu.memory_space<hbm>> -> memref<96xi32, #tpu.memory_space<hbm>>
      %dma_wait3A_74 = tpu.memref_slice %arg3[%multiple_of3A_43] : memref<327680xi32, #tpu.memory_space<hbm>> -> memref<96xi32, #tpu.memory_space<hbm>>
      tpu.wait_dma2 semaphore(%run_scoped3A : memref<!tpu.dma_semaphore, #tpu.memory_space<semaphore_mem>>) src(%dma_wait3A_74 : memref<96xi32, #tpu.memory_space<hbm>>) dst(%arg10 : memref<96xi32, #tpu.memory_space<vmem>>)
      tpu.yield
    }) : () -> ()
    "tpu.region"() ({
      %run_scoped3A = tpu.sem_alloc : memref<!tpu.dma_semaphore, #tpu.memory_space<semaphore_mem>>
      %dma_start3A_71 = tpu.memref_slice %arg4[%multiple_of3A_43] : memref<327680xi32, #tpu.memory_space<hbm>> -> memref<96xi32, #tpu.memory_space<hbm>>
      %dma_start3A_72 = tpu.memref_slice %arg4[%multiple_of3A_43] : memref<327680xi32, #tpu.memory_space<hbm>> -> memref<96xi32, #tpu.memory_space<hbm>>
      tpu.enqueue_dma source(%dma_start3A_72 : memref<96xi32, #tpu.memory_space<hbm>>) target(%arg14 : memref<96xi32, #tpu.memory_space<vmem>>) target_semaphore(%run_scoped3A : memref<!tpu.dma_semaphore, #tpu.memory_space<semaphore_mem>>)
      %dma_wait3A_73 = tpu.memref_slice %arg4[%multiple_of3A_43] : memref<327680xi32, #tpu.memory_space<hbm>> -> memref<96xi32, #tpu.memory_space<hbm>>
      %dma_wait3A_74 = tpu.memref_slice %arg4[%multiple_of3A_43] : memref<327680xi32, #tpu.memory_space<hbm>> -> memref<96xi32, #tpu.memory_space<hbm>>
      tpu.wait_dma2 semaphore(%run_scoped3A : memref<!tpu.dma_semaphore, #tpu.memory_space<semaphore_mem>>) src(%dma_wait3A_74 : memref<96xi32, #tpu.memory_space<hbm>>) dst(%arg14 : memref<96xi32, #tpu.memory_space<vmem>>)
      tpu.yield
    }) : () -> ()
    %dma_start3A_44 = arith.constant 0 : i32
    %dma_start3A_45 = arith.constant 0 : i32
    %dma_start3A_46 = tpu.memref_slice %arg2[%dma_start3A_44, %dma_start3A_45] : memref<10000x128xf32, #tpu.memory_space<hbm>> -> memref<10000x128xf32, #tpu.memory_space<hbm>>
    tpu.enqueue_indirect_dma source(%dma_start3A_46 : memref<10000x128xf32, #tpu.memory_space<hbm>>) target(%arg18 : memref<96x128xf32, #tpu.memory_space<vmem>>) offsets(%arg10 : memref<96xi32, #tpu.memory_space<vmem>>) semaphore(%arg22 : memref<!tpu.dma_semaphore, #tpu.memory_space<semaphore_mem>>)
    %scan3A = arith.constant 0 : i32
    %scan3A_47 = arith.constant 0 : i32
    %scan3A_48 = arith.constant 25 : i32
    %scan3A_49 = arith.addi %scan3A_47, %scan3A_48 : i32
    %scan3A_50 = arith.constant 1 : i32
    scf.for %scan3A_71 = %scan3A_47 to %scan3A_49 step %scan3A_50  : i32 {
      %mul3A_72 = arith.constant 4 : i32
      %mul3A_73 = arith.muli %mul3A_72, %scan3A_71 : i32
      %add3A_74 = arith.constant 2 : i32
      %add3A_75 = arith.addi %add3A_74, %mul3A_73 : i32
      %dma_wait3A_76 = arith.constant 0 : i32
      %dma_wait3A_77 = arith.constant 0 : i32
      %dma_wait3A_78 = tpu.memref_slice %arg2[%dma_wait3A_76, %dma_wait3A_77] : memref<10000x128xf32, #tpu.memory_space<hbm>> -> memref<10000x128xf32, #tpu.memory_space<hbm>>
      tpu.wait_indirect_dma semaphore(%arg21 : memref<!tpu.dma_semaphore, #tpu.memory_space<semaphore_mem>>) src(%dma_wait3A_78 : memref<10000x128xf32, #tpu.memory_space<hbm>>) dst(%arg17 : memref<96x128xf32, #tpu.memory_space<vmem>>)
      %dma_wait3A_79 = arith.constant 0 : i32
      %dma_wait3A_80 = arith.constant 0 : i32
      %dma_wait3A_81 = tpu.memref_slice %arg27[%dma_wait3A_79, %dma_wait3A_80] : memref<10112x128xf32, #tpu.memory_space<vmem_shared>> -> memref<10112x128xf32, #tpu.memory_space<vmem_shared>>
      tpu.wait_indirect_dma semaphore(%arg23 : memref<!tpu.dma_semaphore, #tpu.memory_space<semaphore_mem>>) src(%arg15 : memref<96x128xf32, #tpu.memory_space<vmem>>) dst(%dma_wait3A_81 : memref<10112x128xf32, #tpu.memory_space<vmem_shared>>)
      %dma_start3A_82 = arith.constant 0 : i32
      %dma_start3A_83 = arith.constant 0 : i32
      %dma_start3A_84 = tpu.memref_slice %arg27[%dma_start3A_82, %dma_start3A_83] : memref<10112x128xf32, #tpu.memory_space<vmem_shared>> -> memref<10112x128xf32, #tpu.memory_space<vmem_shared>>
      tpu.enqueue_indirect_dma source(%arg17 : memref<96x128xf32, #tpu.memory_space<vmem>>) target(%dma_start3A_84 : memref<10112x128xf32, #tpu.memory_space<vmem_shared>>) offsets(%arg13 : memref<96xi32, #tpu.memory_space<vmem>>) semaphore(%arg25 : memref<!tpu.dma_semaphore, #tpu.memory_space<semaphore_mem>>) {add = true}
      %add3A_85 = arith.constant 0 : i32
      %add3A_86 = arith.addi %add3A_75, %add3A_85 : i32
      %add3A_87 = arith.constant 2 : i32
      %add3A_88 = arith.addi %add3A_86, %add3A_87 : i32
      %min3A = arith.constant 104 : i32
      %min3A_89 = arith.minsi %add3A_88, %min3A : i32
      %add3A_90 = arith.addi %mul3A_4, %min3A_89 : i32
      %mul3A_91 = arith.constant 96 : i32
      %mul3A_92 = arith.muli %add3A_90, %mul3A_91 : i32
      %multiple_of3A_93 = tpu.assume_multiple %mul3A_92, 8 : i32
      "tpu.region"() ({
        %run_scoped3A = tpu.sem_alloc : memref<!tpu.dma_semaphore, #tpu.memory_space<semaphore_mem>>
        %dma_start3A_163 = tpu.memref_slice %arg3[%multiple_of3A_93] : memref<327680xi32, #tpu.memory_space<hbm>> -> memref<96xi32, #tpu.memory_space<hbm>>
        %dma_start3A_164 = tpu.memref_slice %arg3[%multiple_of3A_93] : memref<327680xi32, #tpu.memory_space<hbm>> -> memref<96xi32, #tpu.memory_space<hbm>>
        tpu.enqueue_dma source(%dma_start3A_164 : memref<96xi32, #tpu.memory_space<hbm>>) target(%arg7 : memref<96xi32, #tpu.memory_space<vmem>>) target_semaphore(%run_scoped3A : memref<!tpu.dma_semaphore, #tpu.memory_space<semaphore_mem>>)
        %dma_wait3A_165 = tpu.memref_slice %arg3[%multiple_of3A_93] : memref<327680xi32, #tpu.memory_space<hbm>> -> memref<96xi32, #tpu.memory_space<hbm>>
        %dma_wait3A_166 = tpu.memref_slice %arg3[%multiple_of3A_93] : memref<327680xi32, #tpu.memory_space<hbm>> -> memref<96xi32, #tpu.memory_space<hbm>>
        tpu.wait_dma2 semaphore(%run_scoped3A : memref<!tpu.dma_semaphore, #tpu.memory_space<semaphore_mem>>) src(%dma_wait3A_166 : memref<96xi32, #tpu.memory_space<hbm>>) dst(%arg7 : memref<96xi32, #tpu.memory_space<vmem>>)
        tpu.yield
      }) : () -> ()
      "tpu.region"() ({
        %run_scoped3A = tpu.sem_alloc : memref<!tpu.dma_semaphore, #tpu.memory_space<semaphore_mem>>
        %dma_start3A_163 = tpu.memref_slice %arg4[%multiple_of3A_93] : memref<327680xi32, #tpu.memory_space<hbm>> -> memref<96xi32, #tpu.memory_space<hbm>>
        %dma_start3A_164 = tpu.memref_slice %arg4[%multiple_of3A_93] : memref<327680xi32, #tpu.memory_space<hbm>> -> memref<96xi32, #tpu.memory_space<hbm>>
        tpu.enqueue_dma source(%dma_start3A_164 : memref<96xi32, #tpu.memory_space<hbm>>) target(%arg11 : memref<96xi32, #tpu.memory_space<vmem>>) target_semaphore(%run_scoped3A : memref<!tpu.dma_semaphore, #tpu.memory_space<semaphore_mem>>)
        %dma_wait3A_165 = tpu.memref_slice %arg4[%multiple_of3A_93] : memref<327680xi32, #tpu.memory_space<hbm>> -> memref<96xi32, #tpu.memory_space<hbm>>
        %dma_wait3A_166 = tpu.memref_slice %arg4[%multiple_of3A_93] : memref<327680xi32, #tpu.memory_space<hbm>> -> memref<96xi32, #tpu.memory_space<hbm>>
        tpu.wait_dma2 semaphore(%run_scoped3A : memref<!tpu.dma_semaphore, #tpu.memory_space<semaphore_mem>>) src(%dma_wait3A_166 : memref<96xi32, #tpu.memory_space<hbm>>) dst(%arg11 : memref<96xi32, #tpu.memory_space<vmem>>)
        tpu.yield
      }) : () -> ()
      %dma_start3A_94 = arith.constant 0 : i32
      %dma_start3A_95 = arith.constant 0 : i32
      %dma_start3A_96 = tpu.memref_slice %arg2[%dma_start3A_94, %dma_start3A_95] : memref<10000x128xf32, #tpu.memory_space<hbm>> -> memref<10000x128xf32, #tpu.memory_space<hbm>>
      tpu.enqueue_indirect_dma source(%dma_start3A_96 : memref<10000x128xf32, #tpu.memory_space<hbm>>) target(%arg15 : memref<96x128xf32, #tpu.memory_space<vmem>>) offsets(%arg7 : memref<96xi32, #tpu.memory_space<vmem>>) semaphore(%arg19 : memref<!tpu.dma_semaphore, #tpu.memory_space<semaphore_mem>>)
      %dma_wait3A_97 = arith.constant 0 : i32
      %dma_wait3A_98 = arith.constant 0 : i32
      %dma_wait3A_99 = tpu.memref_slice %arg2[%dma_wait3A_97, %dma_wait3A_98] : memref<10000x128xf32, #tpu.memory_space<hbm>> -> memref<10000x128xf32, #tpu.memory_space<hbm>>
      tpu.wait_indirect_dma semaphore(%arg22 : memref<!tpu.dma_semaphore, #tpu.memory_space<semaphore_mem>>) src(%dma_wait3A_99 : memref<10000x128xf32, #tpu.memory_space<hbm>>) dst(%arg18 : memref<96x128xf32, #tpu.memory_space<vmem>>)
      %dma_wait3A_100 = arith.constant 0 : i32
      %dma_wait3A_101 = arith.constant 0 : i32
      %dma_wait3A_102 = tpu.memref_slice %arg27[%dma_wait3A_100, %dma_wait3A_101] : memref<10112x128xf32, #tpu.memory_space<vmem_shared>> -> memref<10112x128xf32, #tpu.memory_space<vmem_shared>>
      tpu.wait_indirect_dma semaphore(%arg24 : memref<!tpu.dma_semaphore, #tpu.memory_space<semaphore_mem>>) src(%arg16 : memref<96x128xf32, #tpu.memory_space<vmem>>) dst(%dma_wait3A_102 : memref<10112x128xf32, #tpu.memory_space<vmem_shared>>)
      %dma_start3A_103 = arith.constant 0 : i32
      %dma_start3A_104 = arith.constant 0 : i32
      %dma_start3A_105 = tpu.memref_slice %arg27[%dma_start3A_103, %dma_start3A_104] : memref<10112x128xf32, #tpu.memory_space<vmem_shared>> -> memref<10112x128xf32, #tpu.memory_space<vmem_shared>>
      tpu.enqueue_indirect_dma source(%arg18 : memref<96x128xf32, #tpu.memory_space<vmem>>) target(%dma_start3A_105 : memref<10112x128xf32, #tpu.memory_space<vmem_shared>>) offsets(%arg14 : memref<96xi32, #tpu.memory_space<vmem>>) semaphore(%arg26 : memref<!tpu.dma_semaphore, #tpu.memory_space<semaphore_mem>>) {add = true}
      %add3A_106 = arith.constant 1 : i32
      %add3A_107 = arith.addi %add3A_75, %add3A_106 : i32
      %add3A_108 = arith.constant 2 : i32
      %add3A_109 = arith.addi %add3A_107, %add3A_108 : i32
      %min3A_110 = arith.constant 104 : i32
      %min3A_111 = arith.minsi %add3A_109, %min3A_110 : i32
      %add3A_112 = arith.addi %mul3A_4, %min3A_111 : i32
      %mul3A_113 = arith.constant 96 : i32
      %mul3A_114 = arith.muli %add3A_112, %mul3A_113 : i32
      %multiple_of3A_115 = tpu.assume_multiple %mul3A_114, 8 : i32
      "tpu.region"() ({
        %run_scoped3A = tpu.sem_alloc : memref<!tpu.dma_semaphore, #tpu.memory_space<semaphore_mem>>
        %dma_start3A_163 = tpu.memref_slice %arg3[%multiple_of3A_115] : memref<327680xi32, #tpu.memory_space<hbm>> -> memref<96xi32, #tpu.memory_space<hbm>>
        %dma_start3A_164 = tpu.memref_slice %arg3[%multiple_of3A_115] : memref<327680xi32, #tpu.memory_space<hbm>> -> memref<96xi32, #tpu.memory_space<hbm>>
        tpu.enqueue_dma source(%dma_start3A_164 : memref<96xi32, #tpu.memory_space<hbm>>) target(%arg8 : memref<96xi32, #tpu.memory_space<vmem>>) target_semaphore(%run_scoped3A : memref<!tpu.dma_semaphore, #tpu.memory_space<semaphore_mem>>)
        %dma_wait3A_165 = tpu.memref_slice %arg3[%multiple_of3A_115] : memref<327680xi32, #tpu.memory_space<hbm>> -> memref<96xi32, #tpu.memory_space<hbm>>
        %dma_wait3A_166 = tpu.memref_slice %arg3[%multiple_of3A_115] : memref<327680xi32, #tpu.memory_space<hbm>> -> memref<96xi32, #tpu.memory_space<hbm>>
        tpu.wait_dma2 semaphore(%run_scoped3A : memref<!tpu.dma_semaphore, #tpu.memory_space<semaphore_mem>>) src(%dma_wait3A_166 : memref<96xi32, #tpu.memory_space<hbm>>) dst(%arg8 : memref<96xi32, #tpu.memory_space<vmem>>)
        tpu.yield
      }) : () -> ()
      "tpu.region"() ({
        %run_scoped3A = tpu.sem_alloc : memref<!tpu.dma_semaphore, #tpu.memory_space<semaphore_mem>>
        %dma_start3A_163 = tpu.memref_slice %arg4[%multiple_of3A_115] : memref<327680xi32, #tpu.memory_space<hbm>> -> memref<96xi32, #tpu.memory_space<hbm>>
        %dma_start3A_164 = tpu.memref_slice %arg4[%multiple_of3A_115] : memref<327680xi32, #tpu.memory_space<hbm>> -> memref<96xi32, #tpu.memory_space<hbm>>
        tpu.enqueue_dma source(%dma_start3A_164 : memref<96xi32, #tpu.memory_space<hbm>>) target(%arg12 : memref<96xi32, #tpu.memory_space<vmem>>) target_semaphore(%run_scoped3A : memref<!tpu.dma_semaphore, #tpu.memory_space<semaphore_mem>>)
        %dma_wait3A_165 = tpu.memref_slice %arg4[%multiple_of3A_115] : memref<327680xi32, #tpu.memory_space<hbm>> -> memref<96xi32, #tpu.memory_space<hbm>>
        %dma_wait3A_166 = tpu.memref_slice %arg4[%multiple_of3A_115] : memref<327680xi32, #tpu.memory_space<hbm>> -> memref<96xi32, #tpu.memory_space<hbm>>
        tpu.wait_dma2 semaphore(%run_scoped3A : memref<!tpu.dma_semaphore, #tpu.memory_space<semaphore_mem>>) src(%dma_wait3A_166 : memref<96xi32, #tpu.memory_space<hbm>>) dst(%arg12 : memref<96xi32, #tpu.memory_space<vmem>>)
        tpu.yield
      }) : () -> ()
      %dma_start3A_116 = arith.constant 0 : i32
      %dma_start3A_117 = arith.constant 0 : i32
      %dma_start3A_118 = tpu.memref_slice %arg2[%dma_start3A_116, %dma_start3A_117] : memref<10000x128xf32, #tpu.memory_space<hbm>> -> memref<10000x128xf32, #tpu.memory_space<hbm>>
      tpu.enqueue_indirect_dma source(%dma_start3A_118 : memref<10000x128xf32, #tpu.memory_space<hbm>>) target(%arg16 : memref<96x128xf32, #tpu.memory_space<vmem>>) offsets(%arg8 : memref<96xi32, #tpu.memory_space<vmem>>) semaphore(%arg20 : memref<!tpu.dma_semaphore, #tpu.memory_space<semaphore_mem>>)
      %dma_wait3A_119 = arith.constant 0 : i32
      %dma_wait3A_120 = arith.constant 0 : i32
      %dma_wait3A_121 = tpu.memref_slice %arg2[%dma_wait3A_119, %dma_wait3A_120] : memref<10000x128xf32, #tpu.memory_space<hbm>> -> memref<10000x128xf32, #tpu.memory_space<hbm>>
      tpu.wait_indirect_dma semaphore(%arg19 : memref<!tpu.dma_semaphore, #tpu.memory_space<semaphore_mem>>) src(%dma_wait3A_121 : memref<10000x128xf32, #tpu.memory_space<hbm>>) dst(%arg15 : memref<96x128xf32, #tpu.memory_space<vmem>>)
      %dma_wait3A_122 = arith.constant 0 : i32
      %dma_wait3A_123 = arith.constant 0 : i32
      %dma_wait3A_124 = tpu.memref_slice %arg27[%dma_wait3A_122, %dma_wait3A_123] : memref<10112x128xf32, #tpu.memory_space<vmem_shared>> -> memref<10112x128xf32, #tpu.memory_space<vmem_shared>>
      tpu.wait_indirect_dma semaphore(%arg25 : memref<!tpu.dma_semaphore, #tpu.memory_space<semaphore_mem>>) src(%arg17 : memref<96x128xf32, #tpu.memory_space<vmem>>) dst(%dma_wait3A_124 : memref<10112x128xf32, #tpu.memory_space<vmem_shared>>)
      %dma_start3A_125 = arith.constant 0 : i32
      %dma_start3A_126 = arith.constant 0 : i32
      %dma_start3A_127 = tpu.memref_slice %arg27[%dma_start3A_125, %dma_start3A_126] : memref<10112x128xf32, #tpu.memory_space<vmem_shared>> -> memref<10112x128xf32, #tpu.memory_space<vmem_shared>>
      tpu.enqueue_indirect_dma source(%arg15 : memref<96x128xf32, #tpu.memory_space<vmem>>) target(%dma_start3A_127 : memref<10112x128xf32, #tpu.memory_space<vmem_shared>>) offsets(%arg11 : memref<96xi32, #tpu.memory_space<vmem>>) semaphore(%arg23 : memref<!tpu.dma_semaphore, #tpu.memory_space<semaphore_mem>>) {add = true}
      %add3A_128 = arith.constant 2 : i32
      %add3A_129 = arith.addi %add3A_75, %add3A_128 : i32
      %add3A_130 = arith.constant 2 : i32
      %add3A_131 = arith.addi %add3A_129, %add3A_130 : i32
      %min3A_132 = arith.constant 104 : i32
      %min3A_133 = arith.minsi %add3A_131, %min3A_132 : i32
      %add3A_134 = arith.addi %mul3A_4, %min3A_133 : i32
      %mul3A_135 = arith.constant 96 : i32
      %mul3A_136 = arith.muli %add3A_134, %mul3A_135 : i32
      %multiple_of3A_137 = tpu.assume_multiple %mul3A_136, 8 : i32
      "tpu.region"() ({
        %run_scoped3A = tpu.sem_alloc : memref<!tpu.dma_semaphore, #tpu.memory_space<semaphore_mem>>
        %dma_start3A_163 = tpu.memref_slice %arg3[%multiple_of3A_137] : memref<327680xi32, #tpu.memory_space<hbm>> -> memref<96xi32, #tpu.memory_space<hbm>>
        %dma_start3A_164 = tpu.memref_slice %arg3[%multiple_of3A_137] : memref<327680xi32, #tpu.memory_space<hbm>> -> memref<96xi32, #tpu.memory_space<hbm>>
        tpu.enqueue_dma source(%dma_start3A_164 : memref<96xi32, #tpu.memory_space<hbm>>) target(%arg9 : memref<96xi32, #tpu.memory_space<vmem>>) target_semaphore(%run_scoped3A : memref<!tpu.dma_semaphore, #tpu.memory_space<semaphore_mem>>)
        %dma_wait3A_165 = tpu.memref_slice %arg3[%multiple_of3A_137] : memref<327680xi32, #tpu.memory_space<hbm>> -> memref<96xi32, #tpu.memory_space<hbm>>
        %dma_wait3A_166 = tpu.memref_slice %arg3[%multiple_of3A_137] : memref<327680xi32, #tpu.memory_space<hbm>> -> memref<96xi32, #tpu.memory_space<hbm>>
        tpu.wait_dma2 semaphore(%run_scoped3A : memref<!tpu.dma_semaphore, #tpu.memory_space<semaphore_mem>>) src(%dma_wait3A_166 : memref<96xi32, #tpu.memory_space<hbm>>) dst(%arg9 : memref<96xi32, #tpu.memory_space<vmem>>)
        tpu.yield
      }) : () -> ()
      "tpu.region"() ({
        %run_scoped3A = tpu.sem_alloc : memref<!tpu.dma_semaphore, #tpu.memory_space<semaphore_mem>>
        %dma_start3A_163 = tpu.memref_slice %arg4[%multiple_of3A_137] : memref<327680xi32, #tpu.memory_space<hbm>> -> memref<96xi32, #tpu.memory_space<hbm>>
        %dma_start3A_164 = tpu.memref_slice %arg4[%multiple_of3A_137] : memref<327680xi32, #tpu.memory_space<hbm>> -> memref<96xi32, #tpu.memory_space<hbm>>
        tpu.enqueue_dma source(%dma_start3A_164 : memref<96xi32, #tpu.memory_space<hbm>>) target(%arg13 : memref<96xi32, #tpu.memory_space<vmem>>) target_semaphore(%run_scoped3A : memref<!tpu.dma_semaphore, #tpu.memory_space<semaphore_mem>>)
        %dma_wait3A_165 = tpu.memref_slice %arg4[%multiple_of3A_137] : memref<327680xi32, #tpu.memory_space<hbm>> -> memref<96xi32, #tpu.memory_space<hbm>>
        %dma_wait3A_166 = tpu.memref_slice %arg4[%multiple_of3A_137] : memref<327680xi32, #tpu.memory_space<hbm>> -> memref<96xi32, #tpu.memory_space<hbm>>
        tpu.wait_dma2 semaphore(%run_scoped3A : memref<!tpu.dma_semaphore, #tpu.memory_space<semaphore_mem>>) src(%dma_wait3A_166 : memref<96xi32, #tpu.memory_space<hbm>>) dst(%arg13 : memref<96xi32, #tpu.memory_space<vmem>>)
        tpu.yield
      }) : () -> ()
      %dma_start3A_138 = arith.constant 0 : i32
      %dma_start3A_139 = arith.constant 0 : i32
      %dma_start3A_140 = tpu.memref_slice %arg2[%dma_start3A_138, %dma_start3A_139] : memref<10000x128xf32, #tpu.memory_space<hbm>> -> memref<10000x128xf32, #tpu.memory_space<hbm>>
      tpu.enqueue_indirect_dma source(%dma_start3A_140 : memref<10000x128xf32, #tpu.memory_space<hbm>>) target(%arg17 : memref<96x128xf32, #tpu.memory_space<vmem>>) offsets(%arg9 : memref<96xi32, #tpu.memory_space<vmem>>) semaphore(%arg21 : memref<!tpu.dma_semaphore, #tpu.memory_space<semaphore_mem>>)
      %dma_wait3A_141 = arith.constant 0 : i32
      %dma_wait3A_142 = arith.constant 0 : i32
      %dma_wait3A_143 = tpu.memref_slice %arg2[%dma_wait3A_141, %dma_wait3A_142] : memref<10000x128xf32, #tpu.memory_space<hbm>> -> memref<10000x128xf32, #tpu.memory_space<hbm>>
      tpu.wait_indirect_dma semaphore(%arg20 : memref<!tpu.dma_semaphore, #tpu.memory_space<semaphore_mem>>) src(%dma_wait3A_143 : memref<10000x128xf32, #tpu.memory_space<hbm>>) dst(%arg16 : memref<96x128xf32, #tpu.memory_space<vmem>>)
      %dma_wait3A_144 = arith.constant 0 : i32
      %dma_wait3A_145 = arith.constant 0 : i32
      %dma_wait3A_146 = tpu.memref_slice %arg27[%dma_wait3A_144, %dma_wait3A_145] : memref<10112x128xf32, #tpu.memory_space<vmem_shared>> -> memref<10112x128xf32, #tpu.memory_space<vmem_shared>>
      tpu.wait_indirect_dma semaphore(%arg26 : memref<!tpu.dma_semaphore, #tpu.memory_space<semaphore_mem>>) src(%arg18 : memref<96x128xf32, #tpu.memory_space<vmem>>) dst(%dma_wait3A_146 : memref<10112x128xf32, #tpu.memory_space<vmem_shared>>)
      %dma_start3A_147 = arith.constant 0 : i32
      %dma_start3A_148 = arith.constant 0 : i32
      %dma_start3A_149 = tpu.memref_slice %arg27[%dma_start3A_147, %dma_start3A_148] : memref<10112x128xf32, #tpu.memory_space<vmem_shared>> -> memref<10112x128xf32, #tpu.memory_space<vmem_shared>>
      tpu.enqueue_indirect_dma source(%arg16 : memref<96x128xf32, #tpu.memory_space<vmem>>) target(%dma_start3A_149 : memref<10112x128xf32, #tpu.memory_space<vmem_shared>>) offsets(%arg12 : memref<96xi32, #tpu.memory_space<vmem>>) semaphore(%arg24 : memref<!tpu.dma_semaphore, #tpu.memory_space<semaphore_mem>>) {add = true}
      %add3A_150 = arith.constant 3 : i32
      %add3A_151 = arith.addi %add3A_75, %add3A_150 : i32
      %add3A_152 = arith.constant 2 : i32
      %add3A_153 = arith.addi %add3A_151, %add3A_152 : i32
      %min3A_154 = arith.constant 104 : i32
      %min3A_155 = arith.minsi %add3A_153, %min3A_154 : i32
      %add3A_156 = arith.addi %mul3A_4, %min3A_155 : i32
      %mul3A_157 = arith.constant 96 : i32
      %mul3A_158 = arith.muli %add3A_156, %mul3A_157 : i32
      %multiple_of3A_159 = tpu.assume_multiple %mul3A_158, 8 : i32
      "tpu.region"() ({
        %run_scoped3A = tpu.sem_alloc : memref<!tpu.dma_semaphore, #tpu.memory_space<semaphore_mem>>
        %dma_start3A_163 = tpu.memref_slice %arg3[%multiple_of3A_159] : memref<327680xi32, #tpu.memory_space<hbm>> -> memref<96xi32, #tpu.memory_space<hbm>>
        %dma_start3A_164 = tpu.memref_slice %arg3[%multiple_of3A_159] : memref<327680xi32, #tpu.memory_space<hbm>> -> memref<96xi32, #tpu.memory_space<hbm>>
        tpu.enqueue_dma source(%dma_start3A_164 : memref<96xi32, #tpu.memory_space<hbm>>) target(%arg10 : memref<96xi32, #tpu.memory_space<vmem>>) target_semaphore(%run_scoped3A : memref<!tpu.dma_semaphore, #tpu.memory_space<semaphore_mem>>)
        %dma_wait3A_165 = tpu.memref_slice %arg3[%multiple_of3A_159] : memref<327680xi32, #tpu.memory_space<hbm>> -> memref<96xi32, #tpu.memory_space<hbm>>
        %dma_wait3A_166 = tpu.memref_slice %arg3[%multiple_of3A_159] : memref<327680xi32, #tpu.memory_space<hbm>> -> memref<96xi32, #tpu.memory_space<hbm>>
        tpu.wait_dma2 semaphore(%run_scoped3A : memref<!tpu.dma_semaphore, #tpu.memory_space<semaphore_mem>>) src(%dma_wait3A_166 : memref<96xi32, #tpu.memory_space<hbm>>) dst(%arg10 : memref<96xi32, #tpu.memory_space<vmem>>)
        tpu.yield
      }) : () -> ()
      "tpu.region"() ({
        %run_scoped3A = tpu.sem_alloc : memref<!tpu.dma_semaphore, #tpu.memory_space<semaphore_mem>>
        %dma_start3A_163 = tpu.memref_slice %arg4[%multiple_of3A_159] : memref<327680xi32, #tpu.memory_space<hbm>> -> memref<96xi32, #tpu.memory_space<hbm>>
        %dma_start3A_164 = tpu.memref_slice %arg4[%multiple_of3A_159] : memref<327680xi32, #tpu.memory_space<hbm>> -> memref<96xi32, #tpu.memory_space<hbm>>
        tpu.enqueue_dma source(%dma_start3A_164 : memref<96xi32, #tpu.memory_space<hbm>>) target(%arg14 : memref<96xi32, #tpu.memory_space<vmem>>) target_semaphore(%run_scoped3A : memref<!tpu.dma_semaphore, #tpu.memory_space<semaphore_mem>>)
        %dma_wait3A_165 = tpu.memref_slice %arg4[%multiple_of3A_159] : memref<327680xi32, #tpu.memory_space<hbm>> -> memref<96xi32, #tpu.memory_space<hbm>>
        %dma_wait3A_166 = tpu.memref_slice %arg4[%multiple_of3A_159] : memref<327680xi32, #tpu.memory_space<hbm>> -> memref<96xi32, #tpu.memory_space<hbm>>
        tpu.wait_dma2 semaphore(%run_scoped3A : memref<!tpu.dma_semaphore, #tpu.memory_space<semaphore_mem>>) src(%dma_wait3A_166 : memref<96xi32, #tpu.memory_space<hbm>>) dst(%arg14 : memref<96xi32, #tpu.memory_space<vmem>>)
        tpu.yield
      }) : () -> ()
      %dma_start3A_160 = arith.constant 0 : i32
      %dma_start3A_161 = arith.constant 0 : i32
      %dma_start3A_162 = tpu.memref_slice %arg2[%dma_start3A_160, %dma_start3A_161] : memref<10000x128xf32, #tpu.memory_space<hbm>> -> memref<10000x128xf32, #tpu.memory_space<hbm>>
      tpu.enqueue_indirect_dma source(%dma_start3A_162 : memref<10000x128xf32, #tpu.memory_space<hbm>>) target(%arg18 : memref<96x128xf32, #tpu.memory_space<vmem>>) offsets(%arg10 : memref<96xi32, #tpu.memory_space<vmem>>) semaphore(%arg22 : memref<!tpu.dma_semaphore, #tpu.memory_space<semaphore_mem>>)
    }
    %scan3A_51 = arith.constant 25 : i32
    %dma_wait3A_52 = arith.constant 0 : i32
    %dma_wait3A_53 = arith.constant 0 : i32
    %dma_wait3A_54 = tpu.memref_slice %arg27[%dma_wait3A_52, %dma_wait3A_53] : memref<10112x128xf32, #tpu.memory_space<vmem_shared>> -> memref<10112x128xf32, #tpu.memory_space<vmem_shared>>
    tpu.wait_indirect_dma semaphore(%arg23 : memref<!tpu.dma_semaphore, #tpu.memory_space<semaphore_mem>>) src(%arg15 : memref<96x128xf32, #tpu.memory_space<vmem>>) dst(%dma_wait3A_54 : memref<10112x128xf32, #tpu.memory_space<vmem_shared>>)
    %dma_wait3A_55 = arith.constant 0 : i32
    %dma_wait3A_56 = arith.constant 0 : i32
    %dma_wait3A_57 = tpu.memref_slice %arg27[%dma_wait3A_55, %dma_wait3A_56] : memref<10112x128xf32, #tpu.memory_space<vmem_shared>> -> memref<10112x128xf32, #tpu.memory_space<vmem_shared>>
    tpu.wait_indirect_dma semaphore(%arg24 : memref<!tpu.dma_semaphore, #tpu.memory_space<semaphore_mem>>) src(%arg16 : memref<96x128xf32, #tpu.memory_space<vmem>>) dst(%dma_wait3A_57 : memref<10112x128xf32, #tpu.memory_space<vmem_shared>>)
    %dma_wait3A_58 = arith.constant 0 : i32
    %dma_wait3A_59 = arith.constant 0 : i32
    %dma_wait3A_60 = tpu.memref_slice %arg2[%dma_wait3A_58, %dma_wait3A_59] : memref<10000x128xf32, #tpu.memory_space<hbm>> -> memref<10000x128xf32, #tpu.memory_space<hbm>>
    tpu.wait_indirect_dma semaphore(%arg21 : memref<!tpu.dma_semaphore, #tpu.memory_space<semaphore_mem>>) src(%dma_wait3A_60 : memref<10000x128xf32, #tpu.memory_space<hbm>>) dst(%arg17 : memref<96x128xf32, #tpu.memory_space<vmem>>)
    %dma_wait3A_61 = arith.constant 0 : i32
    %dma_wait3A_62 = arith.constant 0 : i32
    %dma_wait3A_63 = tpu.memref_slice %arg2[%dma_wait3A_61, %dma_wait3A_62] : memref<10000x128xf32, #tpu.memory_space<hbm>> -> memref<10000x128xf32, #tpu.memory_space<hbm>>
    tpu.wait_indirect_dma semaphore(%arg22 : memref<!tpu.dma_semaphore, #tpu.memory_space<semaphore_mem>>) src(%dma_wait3A_63 : memref<10000x128xf32, #tpu.memory_space<hbm>>) dst(%arg18 : memref<96x128xf32, #tpu.memory_space<vmem>>)
    %scan3A_64 = arith.constant 0 : i32
    %scan3A_65 = arith.constant 102 : i32
    %scan3A_66 = arith.constant 3 : i32
    %scan3A_67 = arith.addi %scan3A_65, %scan3A_66 : i32
    %scan3A_68 = arith.constant 1 : i32
    scf.for %scan3A_71 = %scan3A_65 to %scan3A_67 step %scan3A_68  : i32 {
      %add3A_72 = arith.addi %mul3A_4, %scan3A_71 : i32
      %mul3A_73 = arith.constant 96 : i32
      %mul3A_74 = arith.muli %add3A_72, %mul3A_73 : i32
      %multiple_of3A_75 = tpu.assume_multiple %mul3A_74, 8 : i32
      "tpu.region"() ({
        %run_scoped3A = tpu.sem_alloc : memref<!tpu.dma_semaphore, #tpu.memory_space<semaphore_mem>>
        %dma_start3A_88 = tpu.memref_slice %arg3[%multiple_of3A_75] : memref<327680xi32, #tpu.memory_space<hbm>> -> memref<96xi32, #tpu.memory_space<hbm>>
        %dma_start3A_89 = tpu.memref_slice %arg3[%multiple_of3A_75] : memref<327680xi32, #tpu.memory_space<hbm>> -> memref<96xi32, #tpu.memory_space<hbm>>
        tpu.enqueue_dma source(%dma_start3A_89 : memref<96xi32, #tpu.memory_space<hbm>>) target(%arg9 : memref<96xi32, #tpu.memory_space<vmem>>) target_semaphore(%run_scoped3A : memref<!tpu.dma_semaphore, #tpu.memory_space<semaphore_mem>>)
        %dma_wait3A_90 = tpu.memref_slice %arg3[%multiple_of3A_75] : memref<327680xi32, #tpu.memory_space<hbm>> -> memref<96xi32, #tpu.memory_space<hbm>>
        %dma_wait3A_91 = tpu.memref_slice %arg3[%multiple_of3A_75] : memref<327680xi32, #tpu.memory_space<hbm>> -> memref<96xi32, #tpu.memory_space<hbm>>
        tpu.wait_dma2 semaphore(%run_scoped3A : memref<!tpu.dma_semaphore, #tpu.memory_space<semaphore_mem>>) src(%dma_wait3A_91 : memref<96xi32, #tpu.memory_space<hbm>>) dst(%arg9 : memref<96xi32, #tpu.memory_space<vmem>>)
        tpu.yield
      }) : () -> ()
      "tpu.region"() ({
        %run_scoped3A = tpu.sem_alloc : memref<!tpu.dma_semaphore, #tpu.memory_space<semaphore_mem>>
        %dma_start3A_88 = tpu.memref_slice %arg4[%multiple_of3A_75] : memref<327680xi32, #tpu.memory_space<hbm>> -> memref<96xi32, #tpu.memory_space<hbm>>
        %dma_start3A_89 = tpu.memref_slice %arg4[%multiple_of3A_75] : memref<327680xi32, #tpu.memory_space<hbm>> -> memref<96xi32, #tpu.memory_space<hbm>>
        tpu.enqueue_dma source(%dma_start3A_89 : memref<96xi32, #tpu.memory_space<hbm>>) target(%arg13 : memref<96xi32, #tpu.memory_space<vmem>>) target_semaphore(%run_scoped3A : memref<!tpu.dma_semaphore, #tpu.memory_space<semaphore_mem>>)
        %dma_wait3A_90 = tpu.memref_slice %arg4[%multiple_of3A_75] : memref<327680xi32, #tpu.memory_space<hbm>> -> memref<96xi32, #tpu.memory_space<hbm>>
        %dma_wait3A_91 = tpu.memref_slice %arg4[%multiple_of3A_75] : memref<327680xi32, #tpu.memory_space<hbm>> -> memref<96xi32, #tpu.memory_space<hbm>>
        tpu.wait_dma2 semaphore(%run_scoped3A : memref<!tpu.dma_semaphore, #tpu.memory_space<semaphore_mem>>) src(%dma_wait3A_91 : memref<96xi32, #tpu.memory_space<hbm>>) dst(%arg13 : memref<96xi32, #tpu.memory_space<vmem>>)
        tpu.yield
      }) : () -> ()
      %dma_start3A_76 = arith.constant 0 : i32
      %dma_start3A_77 = arith.constant 0 : i32
      %dma_start3A_78 = tpu.memref_slice %arg2[%dma_start3A_76, %dma_start3A_77] : memref<10000x128xf32, #tpu.memory_space<hbm>> -> memref<10000x128xf32, #tpu.memory_space<hbm>>
      tpu.enqueue_indirect_dma source(%dma_start3A_78 : memref<10000x128xf32, #tpu.memory_space<hbm>>) target(%arg17 : memref<96x128xf32, #tpu.memory_space<vmem>>) offsets(%arg9 : memref<96xi32, #tpu.memory_space<vmem>>) semaphore(%arg21 : memref<!tpu.dma_semaphore, #tpu.memory_space<semaphore_mem>>)
      %dma_wait3A_79 = arith.constant 0 : i32
      %dma_wait3A_80 = arith.constant 0 : i32
      %dma_wait3A_81 = tpu.memref_slice %arg2[%dma_wait3A_79, %dma_wait3A_80] : memref<10000x128xf32, #tpu.memory_space<hbm>> -> memref<10000x128xf32, #tpu.memory_space<hbm>>
      tpu.wait_indirect_dma semaphore(%arg21 : memref<!tpu.dma_semaphore, #tpu.memory_space<semaphore_mem>>) src(%dma_wait3A_81 : memref<10000x128xf32, #tpu.memory_space<hbm>>) dst(%arg17 : memref<96x128xf32, #tpu.memory_space<vmem>>)
      %dma_start3A_82 = arith.constant 0 : i32
      %dma_start3A_83 = arith.constant 0 : i32
      %dma_start3A_84 = tpu.memref_slice %arg27[%dma_start3A_82, %dma_start3A_83] : memref<10112x128xf32, #tpu.memory_space<vmem_shared>> -> memref<10112x128xf32, #tpu.memory_space<vmem_shared>>
      tpu.enqueue_indirect_dma source(%arg17 : memref<96x128xf32, #tpu.memory_space<vmem>>) target(%dma_start3A_84 : memref<10112x128xf32, #tpu.memory_space<vmem_shared>>) offsets(%arg13 : memref<96xi32, #tpu.memory_space<vmem>>) semaphore(%arg25 : memref<!tpu.dma_semaphore, #tpu.memory_space<semaphore_mem>>) {add = true}
      %dma_wait3A_85 = arith.constant 0 : i32
      %dma_wait3A_86 = arith.constant 0 : i32
      %dma_wait3A_87 = tpu.memref_slice %arg27[%dma_wait3A_85, %dma_wait3A_86] : memref<10112x128xf32, #tpu.memory_space<vmem_shared>> -> memref<10112x128xf32, #tpu.memory_space<vmem_shared>>
      tpu.wait_indirect_dma semaphore(%arg25 : memref<!tpu.dma_semaphore, #tpu.memory_space<semaphore_mem>>) src(%arg17 : memref<96x128xf32, #tpu.memory_space<vmem>>) dst(%dma_wait3A_87 : memref<10112x128xf32, #tpu.memory_space<vmem_shared>>)
    }
    %scan3A_69 = arith.constant 3 : i32
    %barrier3A_70 = arith.constant 0 : index
    tpu.barrier barrier_id(%barrier3A_70)
    "tpu.region"() ({
      %run_scoped3A = tpu.sem_alloc : memref<!tpu.dma_semaphore, #tpu.memory_space<semaphore_mem>>
      %dma_start3A_71 = arith.constant 0 : i32
      %dma_start3A_72 = tpu.memref_slice %arg6[%arg0, %multiple_of3A, %dma_start3A_71] : memref<2x10112x128xf32, #tpu.memory_space<hbm>> -> memref<1x632x128xf32, #tpu.memory_space<hbm>>
      %dma_start3A_73 = tpu.memref_squeeze %dma_start3A_72 : memref<1x632x128xf32, #tpu.memory_space<hbm>> -> memref<632x128xf32, #tpu.memory_space<hbm>>
      %dma_start3A_74 = arith.constant 0 : i32
      %dma_start3A_75 = tpu.memref_slice %arg27[%multiple_of3A, %dma_start3A_74] : memref<10112x128xf32, #tpu.memory_space<vmem_shared>> -> memref<632x128xf32, #tpu.memory_space<vmem_shared>>
      tpu.enqueue_dma source(%dma_start3A_75 : memref<632x128xf32, #tpu.memory_space<vmem_shared>>) target(%dma_start3A_73 : memref<632x128xf32, #tpu.memory_space<hbm>>) target_semaphore(%run_scoped3A : memref<!tpu.dma_semaphore, #tpu.memory_space<semaphore_mem>>)
      %dma_wait3A_76 = arith.constant 0 : i32
      %dma_wait3A_77 = tpu.memref_slice %arg6[%arg0, %multiple_of3A, %dma_wait3A_76] : memref<2x10112x128xf32, #tpu.memory_space<hbm>> -> memref<1x632x128xf32, #tpu.memory_space<hbm>>
      %dma_wait3A_78 = tpu.memref_squeeze %dma_wait3A_77 : memref<1x632x128xf32, #tpu.memory_space<hbm>> -> memref<632x128xf32, #tpu.memory_space<hbm>>
      %dma_wait3A_79 = arith.constant 0 : i32
      %dma_wait3A_80 = tpu.memref_slice %arg27[%multiple_of3A, %dma_wait3A_79] : memref<10112x128xf32, #tpu.memory_space<vmem_shared>> -> memref<632x128xf32, #tpu.memory_space<vmem_shared>>
      tpu.wait_dma2 semaphore(%run_scoped3A : memref<!tpu.dma_semaphore, #tpu.memory_space<semaphore_mem>>) src(%dma_wait3A_80 : memref<632x128xf32, #tpu.memory_space<vmem_shared>>) dst(%dma_wait3A_78 : memref<632x128xf32, #tpu.memory_space<hbm>>)
      tpu.yield
    }) : () -> ()
    return
  }
}

#map = affine_map<(d0, d1) -> (0, 0)>
#map1 = affine_map<(d0, d1) -> (0)>
#map2 = affine_map<(d0, d1) -> (0, 0, 0)>
module attributes {stable_mosaic.version = 14 : i64} {
  func.func @_edge_scatter_body(%arg0: i32, %arg1: i32, %arg2: memref<10000x128xf32, #tpu.memory_space<hbm>>, %arg3: memref<327680xi32, #tpu.memory_space<hbm>>, %arg4: memref<327680xi32, #tpu.memory_space<hbm>>, %arg5: memref<10112x128xf32, #tpu.memory_space<hbm>>, %arg6: memref<2x10112x128xf32, #tpu.memory_space<hbm>>, %arg7: memref<96xi32, #tpu.memory_space<vmem>>, %arg8: memref<96xi32, #tpu.memory_space<vmem>>, %arg9: memref<96xi32, #tpu.memory_space<vmem>>, %arg10: memref<96xi32, #tpu.memory_space<vmem>>, %arg11: memref<96xi32, #tpu.memory_space<vmem>>, %arg12: memref<96xi32, #tpu.memory_space<vmem>>, %arg13: memref<96xi32, #tpu.memory_space<vmem>>, %arg14: memref<96xi32, #tpu.memory_space<vmem>>, %arg15: memref<96x128xf32, #tpu.memory_space<vmem>>, %arg16: memref<96x128xf32, #tpu.memory_space<vmem>>, %arg17: memref<96x128xf32, #tpu.memory_space<vmem>>, %arg18: memref<96x128xf32, #tpu.memory_space<vmem>>, %arg19: memref<!tpu.dma_semaphore, #tpu.memory_space<semaphore_mem>>, %arg20: memref<!tpu.dma_semaphore, #tpu.memory_space<semaphore_mem>>, %arg21: memref<!tpu.dma_semaphore, #tpu.memory_space<semaphore_mem>>, %arg22: memref<!tpu.dma_semaphore, #tpu.memory_space<semaphore_mem>>, %arg23: memref<!tpu.dma_semaphore, #tpu.memory_space<semaphore_mem>>, %arg24: memref<!tpu.dma_semaphore, #tpu.memory_space<semaphore_mem>>, %arg25: memref<!tpu.dma_semaphore, #tpu.memory_space<semaphore_mem>>, %arg26: memref<!tpu.dma_semaphore, #tpu.memory_space<semaphore_mem>>, %arg27: memref<10112x128xf32, #tpu.memory_space<vmem_shared>>) attributes {dimension_semantics = [#tpu.dimension_semantics<core_parallel>, #tpu.dimension_semantics<subcore_parallel>], iteration_bounds = array<i64: 2, 16>, scalar_prefetch = 0 : i64, scratch_operands = 21 : i64, tpu.core_type = #tpu.core_type<sc_vector_subcore>, window_params = [{transform_indices = #map}, {transform_indices = #map1}, {transform_indices = #map1}, {transform_indices = #map}, {transform_indices = #map2}]} {
    %mul3A = arith.constant 632 : i32
    %mul3A_0 = arith.muli %arg1, %mul3A : i32
    %multiple_of3A = tpu.assume_multiple %mul3A_0, 8 : i32
    "tpu.region"() ({
      %run_scoped3A = tpu.sem_alloc : memref<!tpu.dma_semaphore, #tpu.memory_space<semaphore_mem>>
      %dma_start3A_71 = arith.constant 0 : i32
      %dma_start3A_72 = tpu.memref_slice %arg27[%multiple_of3A, %dma_start3A_71] : memref<10112x128xf32, #tpu.memory_space<vmem_shared>> -> memref<632x128xf32, #tpu.memory_space<vmem_shared>>
      %dma_start3A_73 = arith.constant 0 : i32
      %dma_start3A_74 = tpu.memref_slice %arg5[%multiple_of3A, %dma_start3A_73] : memref<10112x128xf32, #tpu.memory_space<hbm>> -> memref<632x128xf32, #tpu.memory_space<hbm>>
      tpu.enqueue_dma source(%dma_start3A_74 : memref<632x128xf32, #tpu.memory_space<hbm>>) target(%dma_start3A_72 : memref<632x128xf32, #tpu.memory_space<vmem_shared>>) target_semaphore(%run_scoped3A : memref<!tpu.dma_semaphore, #tpu.memory_space<semaphore_mem>>)
      %dma_wait3A_75 = arith.constant 0 : i32
      %dma_wait3A_76 = tpu.memref_slice %arg27[%multiple_of3A, %dma_wait3A_75] : memref<10112x128xf32, #tpu.memory_space<vmem_shared>> -> memref<632x128xf32, #tpu.memory_space<vmem_shared>>
      %dma_wait3A_77 = arith.constant 0 : i32
      %dma_wait3A_78 = tpu.memref_slice %arg5[%multiple_of3A, %dma_wait3A_77] : memref<10112x128xf32, #tpu.memory_space<hbm>> -> memref<632x128xf32, #tpu.memory_space<hbm>>
      tpu.wait_dma2 semaphore(%run_scoped3A : memref<!tpu.dma_semaphore, #tpu.memory_space<semaphore_mem>>) src(%dma_wait3A_78 : memref<632x128xf32, #tpu.memory_space<hbm>>) dst(%dma_wait3A_76 : memref<632x128xf32, #tpu.memory_space<vmem_shared>>)
      tpu.yield
    }) : () -> ()
    %barrier3A = arith.constant 0 : index
    tpu.barrier barrier_id(%barrier3A)
    %mul3A_1 = arith.constant 16 : i32
    %mul3A_2 = arith.muli %arg0, %mul3A_1 : i32
    %add3A = arith.addi %mul3A_2, %arg1 : i32
    %mul3A_3 = arith.constant 105 : i32
    %mul3A_4 = arith.muli %add3A, %mul3A_3 : i32
    %add3A_5 = arith.constant 0 : i32
    %add3A_6 = arith.addi %mul3A_4, %add3A_5 : i32
    %mul3A_7 = arith.constant 96 : i32
    %mul3A_8 = arith.muli %add3A_6, %mul3A_7 : i32
    %multiple_of3A_9 = tpu.assume_multiple %mul3A_8, 8 : i32
    "tpu.region"() ({
      %run_scoped3A = tpu.sem_alloc : memref<!tpu.dma_semaphore, #tpu.memory_space<semaphore_mem>>
      %dma_start3A_71 = tpu.memref_slice %arg3[%multiple_of3A_9] : memref<327680xi32, #tpu.memory_space<hbm>> -> memref<96xi32, #tpu.memory_space<hbm>>
      %dma_start3A_72 = tpu.memref_slice %arg3[%multiple_of3A_9] : memref<327680xi32, #tpu.memory_space<hbm>> -> memref<96xi32, #tpu.memory_space<hbm>>
      tpu.enqueue_dma source(%dma_start3A_72 : memref<96xi32, #tpu.memory_space<hbm>>) target(%arg7 : memref<96xi32, #tpu.memory_space<vmem>>) target_semaphore(%run_scoped3A : memref<!tpu.dma_semaphore, #tpu.memory_space<semaphore_mem>>)
      %dma_wait3A_73 = tpu.memref_slice %arg3[%multiple_of3A_9] : memref<327680xi32, #tpu.memory_space<hbm>> -> memref<96xi32, #tpu.memory_space<hbm>>
      %dma_wait3A_74 = tpu.memref_slice %arg3[%multiple_of3A_9] : memref<327680xi32, #tpu.memory_space<hbm>> -> memref<96xi32, #tpu.memory_space<hbm>>
      tpu.wait_dma2 semaphore(%run_scoped3A : memref<!tpu.dma_semaphore, #tpu.memory_space<semaphore_mem>>) src(%dma_wait3A_74 : memref<96xi32, #tpu.memory_space<hbm>>) dst(%arg7 : memref<96xi32, #tpu.memory_space<vmem>>)
      tpu.yield
    }) : () -> ()
    "tpu.region"() ({
      %run_scoped3A = tpu.sem_alloc : memref<!tpu.dma_semaphore, #tpu.memory_space<semaphore_mem>>
      %dma_start3A_71 = tpu.memref_slice %arg4[%multiple_of3A_9] : memref<327680xi32, #tpu.memory_space<hbm>> -> memref<96xi32, #tpu.memory_space<hbm>>
      %dma_start3A_72 = tpu.memref_slice %arg4[%multiple_of3A_9] : memref<327680xi32, #tpu.memory_space<hbm>> -> memref<96xi32, #tpu.memory_space<hbm>>
      tpu.enqueue_dma source(%dma_start3A_72 : memref<96xi32, #tpu.memory_space<hbm>>) target(%arg11 : memref<96xi32, #tpu.memory_space<vmem>>) target_semaphore(%run_scoped3A : memref<!tpu.dma_semaphore, #tpu.memory_space<semaphore_mem>>)
      %dma_wait3A_73 = tpu.memref_slice %arg4[%multiple_of3A_9] : memref<327680xi32, #tpu.memory_space<hbm>> -> memref<96xi32, #tpu.memory_space<hbm>>
      %dma_wait3A_74 = tpu.memref_slice %arg4[%multiple_of3A_9] : memref<327680xi32, #tpu.memory_space<hbm>> -> memref<96xi32, #tpu.memory_space<hbm>>
      tpu.wait_dma2 semaphore(%run_scoped3A : memref<!tpu.dma_semaphore, #tpu.memory_space<semaphore_mem>>) src(%dma_wait3A_74 : memref<96xi32, #tpu.memory_space<hbm>>) dst(%arg11 : memref<96xi32, #tpu.memory_space<vmem>>)
      tpu.yield
    }) : () -> ()
    %dma_start3A = arith.constant 0 : i32
    %dma_start3A_10 = arith.constant 0 : i32
    %dma_start3A_11 = tpu.memref_slice %arg2[%dma_start3A, %dma_start3A_10] : memref<10000x128xf32, #tpu.memory_space<hbm>> -> memref<10000x128xf32, #tpu.memory_space<hbm>>
    tpu.enqueue_indirect_dma source(%dma_start3A_11 : memref<10000x128xf32, #tpu.memory_space<hbm>>) target(%arg15 : memref<96x128xf32, #tpu.memory_space<vmem>>) offsets(%arg7 : memref<96xi32, #tpu.memory_space<vmem>>) semaphore(%arg19 : memref<!tpu.dma_semaphore, #tpu.memory_space<semaphore_mem>>)
    %add3A_12 = arith.constant 1 : i32
    %add3A_13 = arith.addi %mul3A_4, %add3A_12 : i32
    %mul3A_14 = arith.constant 96 : i32
    %mul3A_15 = arith.muli %add3A_13, %mul3A_14 : i32
    %multiple_of3A_16 = tpu.assume_multiple %mul3A_15, 8 : i32
    "tpu.region"() ({
      %run_scoped3A = tpu.sem_alloc : memref<!tpu.dma_semaphore, #tpu.memory_space<semaphore_mem>>
      %dma_start3A_71 = tpu.memref_slice %arg3[%multiple_of3A_16] : memref<327680xi32, #tpu.memory_space<hbm>> -> memref<96xi32, #tpu.memory_space<hbm>>
      %dma_start3A_72 = tpu.memref_slice %arg3[%multiple_of3A_16] : memref<327680xi32, #tpu.memory_space<hbm>> -> memref<96xi32, #tpu.memory_space<hbm>>
      tpu.enqueue_dma source(%dma_start3A_72 : memref<96xi32, #tpu.memory_space<hbm>>) target(%arg8 : memref<96xi32, #tpu.memory_space<vmem>>) target_semaphore(%run_scoped3A : memref<!tpu.dma_semaphore, #tpu.memory_space<semaphore_mem>>)
      %dma_wait3A_73 = tpu.memref_slice %arg3[%multiple_of3A_16] : memref<327680xi32, #tpu.memory_space<hbm>> -> memref<96xi32, #tpu.memory_space<hbm>>
      %dma_wait3A_74 = tpu.memref_slice %arg3[%multiple_of3A_16] : memref<327680xi32, #tpu.memory_space<hbm>> -> memref<96xi32, #tpu.memory_space<hbm>>
      tpu.wait_dma2 semaphore(%run_scoped3A : memref<!tpu.dma_semaphore, #tpu.memory_space<semaphore_mem>>) src(%dma_wait3A_74 : memref<96xi32, #tpu.memory_space<hbm>>) dst(%arg8 : memref<96xi32, #tpu.memory_space<vmem>>)
      tpu.yield
    }) : () -> ()
    "tpu.region"() ({
      %run_scoped3A = tpu.sem_alloc : memref<!tpu.dma_semaphore, #tpu.memory_space<semaphore_mem>>
      %dma_start3A_71 = tpu.memref_slice %arg4[%multiple_of3A_16] : memref<327680xi32, #tpu.memory_space<hbm>> -> memref<96xi32, #tpu.memory_space<hbm>>
      %dma_start3A_72 = tpu.memref_slice %arg4[%multiple_of3A_16] : memref<327680xi32, #tpu.memory_space<hbm>> -> memref<96xi32, #tpu.memory_space<hbm>>
      tpu.enqueue_dma source(%dma_start3A_72 : memref<96xi32, #tpu.memory_space<hbm>>) target(%arg12 : memref<96xi32, #tpu.memory_space<vmem>>) target_semaphore(%run_scoped3A : memref<!tpu.dma_semaphore, #tpu.memory_space<semaphore_mem>>)
      %dma_wait3A_73 = tpu.memref_slice %arg4[%multiple_of3A_16] : memref<327680xi32, #tpu.memory_space<hbm>> -> memref<96xi32, #tpu.memory_space<hbm>>
      %dma_wait3A_74 = tpu.memref_slice %arg4[%multiple_of3A_16] : memref<327680xi32, #tpu.memory_space<hbm>> -> memref<96xi32, #tpu.memory_space<hbm>>
      tpu.wait_dma2 semaphore(%run_scoped3A : memref<!tpu.dma_semaphore, #tpu.memory_space<semaphore_mem>>) src(%dma_wait3A_74 : memref<96xi32, #tpu.memory_space<hbm>>) dst(%arg12 : memref<96xi32, #tpu.memory_space<vmem>>)
      tpu.yield
    }) : () -> ()
    %dma_start3A_17 = arith.constant 0 : i32
    %dma_start3A_18 = arith.constant 0 : i32
    %dma_start3A_19 = tpu.memref_slice %arg2[%dma_start3A_17, %dma_start3A_18] : memref<10000x128xf32, #tpu.memory_space<hbm>> -> memref<10000x128xf32, #tpu.memory_space<hbm>>
    tpu.enqueue_indirect_dma source(%dma_start3A_19 : memref<10000x128xf32, #tpu.memory_space<hbm>>) target(%arg16 : memref<96x128xf32, #tpu.memory_space<vmem>>) offsets(%arg8 : memref<96xi32, #tpu.memory_space<vmem>>) semaphore(%arg20 : memref<!tpu.dma_semaphore, #tpu.memory_space<semaphore_mem>>)
    %dma_wait3A = arith.constant 0 : i32
    %dma_wait3A_20 = arith.constant 0 : i32
    %dma_wait3A_21 = tpu.memref_slice %arg2[%dma_wait3A, %dma_wait3A_20] : memref<10000x128xf32, #tpu.memory_space<hbm>> -> memref<10000x128xf32, #tpu.memory_space<hbm>>
    tpu.wait_indirect_dma semaphore(%arg19 : memref<!tpu.dma_semaphore, #tpu.memory_space<semaphore_mem>>) src(%dma_wait3A_21 : memref<10000x128xf32, #tpu.memory_space<hbm>>) dst(%arg15 : memref<96x128xf32, #tpu.memory_space<vmem>>)
    %dma_start3A_22 = arith.constant 0 : i32
    %dma_start3A_23 = arith.constant 0 : i32
    %dma_start3A_24 = tpu.memref_slice %arg27[%dma_start3A_22, %dma_start3A_23] : memref<10112x128xf32, #tpu.memory_space<vmem_shared>> -> memref<10112x128xf32, #tpu.memory_space<vmem_shared>>
    tpu.enqueue_indirect_dma source(%arg15 : memref<96x128xf32, #tpu.memory_space<vmem>>) target(%dma_start3A_24 : memref<10112x128xf32, #tpu.memory_space<vmem_shared>>) offsets(%arg11 : memref<96xi32, #tpu.memory_space<vmem>>) semaphore(%arg23 : memref<!tpu.dma_semaphore, #tpu.memory_space<semaphore_mem>>) {add = true}
    %add3A_25 = arith.constant 2 : i32
    %add3A_26 = arith.addi %mul3A_4, %add3A_25 : i32
    %mul3A_27 = arith.constant 96 : i32
    %mul3A_28 = arith.muli %add3A_26, %mul3A_27 : i32
    %multiple_of3A_29 = tpu.assume_multiple %mul3A_28, 8 : i32
    "tpu.region"() ({
      %run_scoped3A = tpu.sem_alloc : memref<!tpu.dma_semaphore, #tpu.memory_space<semaphore_mem>>
      %dma_start3A_71 = tpu.memref_slice %arg3[%multiple_of3A_29] : memref<327680xi32, #tpu.memory_space<hbm>> -> memref<96xi32, #tpu.memory_space<hbm>>
      %dma_start3A_72 = tpu.memref_slice %arg3[%multiple_of3A_29] : memref<327680xi32, #tpu.memory_space<hbm>> -> memref<96xi32, #tpu.memory_space<hbm>>
      tpu.enqueue_dma source(%dma_start3A_72 : memref<96xi32, #tpu.memory_space<hbm>>) target(%arg9 : memref<96xi32, #tpu.memory_space<vmem>>) target_semaphore(%run_scoped3A : memref<!tpu.dma_semaphore, #tpu.memory_space<semaphore_mem>>)
      %dma_wait3A_73 = tpu.memref_slice %arg3[%multiple_of3A_29] : memref<327680xi32, #tpu.memory_space<hbm>> -> memref<96xi32, #tpu.memory_space<hbm>>
      %dma_wait3A_74 = tpu.memref_slice %arg3[%multiple_of3A_29] : memref<327680xi32, #tpu.memory_space<hbm>> -> memref<96xi32, #tpu.memory_space<hbm>>
      tpu.wait_dma2 semaphore(%run_scoped3A : memref<!tpu.dma_semaphore, #tpu.memory_space<semaphore_mem>>) src(%dma_wait3A_74 : memref<96xi32, #tpu.memory_space<hbm>>) dst(%arg9 : memref<96xi32, #tpu.memory_space<vmem>>)
      tpu.yield
    }) : () -> ()
    "tpu.region"() ({
      %run_scoped3A = tpu.sem_alloc : memref<!tpu.dma_semaphore, #tpu.memory_space<semaphore_mem>>
      %dma_start3A_71 = tpu.memref_slice %arg4[%multiple_of3A_29] : memref<327680xi32, #tpu.memory_space<hbm>> -> memref<96xi32, #tpu.memory_space<hbm>>
      %dma_start3A_72 = tpu.memref_slice %arg4[%multiple_of3A_29] : memref<327680xi32, #tpu.memory_space<hbm>> -> memref<96xi32, #tpu.memory_space<hbm>>
      tpu.enqueue_dma source(%dma_start3A_72 : memref<96xi32, #tpu.memory_space<hbm>>) target(%arg13 : memref<96xi32, #tpu.memory_space<vmem>>) target_semaphore(%run_scoped3A : memref<!tpu.dma_semaphore, #tpu.memory_space<semaphore_mem>>)
      %dma_wait3A_73 = tpu.memref_slice %arg4[%multiple_of3A_29] : memref<327680xi32, #tpu.memory_space<hbm>> -> memref<96xi32, #tpu.memory_space<hbm>>
      %dma_wait3A_74 = tpu.memref_slice %arg4[%multiple_of3A_29] : memref<327680xi32, #tpu.memory_space<hbm>> -> memref<96xi32, #tpu.memory_space<hbm>>
      tpu.wait_dma2 semaphore(%run_scoped3A : memref<!tpu.dma_semaphore, #tpu.memory_space<semaphore_mem>>) src(%dma_wait3A_74 : memref<96xi32, #tpu.memory_space<hbm>>) dst(%arg13 : memref<96xi32, #tpu.memory_space<vmem>>)
      tpu.yield
    }) : () -> ()
    %dma_start3A_30 = arith.constant 0 : i32
    %dma_start3A_31 = arith.constant 0 : i32
    %dma_start3A_32 = tpu.memref_slice %arg2[%dma_start3A_30, %dma_start3A_31] : memref<10000x128xf32, #tpu.memory_space<hbm>> -> memref<10000x128xf32, #tpu.memory_space<hbm>>
    tpu.enqueue_indirect_dma source(%dma_start3A_32 : memref<10000x128xf32, #tpu.memory_space<hbm>>) target(%arg17 : memref<96x128xf32, #tpu.memory_space<vmem>>) offsets(%arg9 : memref<96xi32, #tpu.memory_space<vmem>>) semaphore(%arg21 : memref<!tpu.dma_semaphore, #tpu.memory_space<semaphore_mem>>)
    %dma_wait3A_33 = arith.constant 0 : i32
    %dma_wait3A_34 = arith.constant 0 : i32
    %dma_wait3A_35 = tpu.memref_slice %arg2[%dma_wait3A_33, %dma_wait3A_34] : memref<10000x128xf32, #tpu.memory_space<hbm>> -> memref<10000x128xf32, #tpu.memory_space<hbm>>
    tpu.wait_indirect_dma semaphore(%arg20 : memref<!tpu.dma_semaphore, #tpu.memory_space<semaphore_mem>>) src(%dma_wait3A_35 : memref<10000x128xf32, #tpu.memory_space<hbm>>) dst(%arg16 : memref<96x128xf32, #tpu.memory_space<vmem>>)
    %dma_start3A_36 = arith.constant 0 : i32
    %dma_start3A_37 = arith.constant 0 : i32
    %dma_start3A_38 = tpu.memref_slice %arg27[%dma_start3A_36, %dma_start3A_37] : memref<10112x128xf32, #tpu.memory_space<vmem_shared>> -> memref<10112x128xf32, #tpu.memory_space<vmem_shared>>
    tpu.enqueue_indirect_dma source(%arg16 : memref<96x128xf32, #tpu.memory_space<vmem>>) target(%dma_start3A_38 : memref<10112x128xf32, #tpu.memory_space<vmem_shared>>) offsets(%arg12 : memref<96xi32, #tpu.memory_space<vmem>>) semaphore(%arg24 : memref<!tpu.dma_semaphore, #tpu.memory_space<semaphore_mem>>) {add = true}
    %add3A_39 = arith.constant 3 : i32
    %add3A_40 = arith.addi %mul3A_4, %add3A_39 : i32
    %mul3A_41 = arith.constant 96 : i32
    %mul3A_42 = arith.muli %add3A_40, %mul3A_41 : i32
    %multiple_of3A_43 = tpu.assume_multiple %mul3A_42, 8 : i32
    "tpu.region"() ({
      %run_scoped3A = tpu.sem_alloc : memref<!tpu.dma_semaphore, #tpu.memory_space<semaphore_mem>>
      %dma_start3A_71 = tpu.memref_slice %arg3[%multiple_of3A_43] : memref<327680xi32, #tpu.memory_space<hbm>> -> memref<96xi32, #tpu.memory_space<hbm>>
      %dma_start3A_72 = tpu.memref_slice %arg3[%multiple_of3A_43] : memref<327680xi32, #tpu.memory_space<hbm>> -> memref<96xi32, #tpu.memory_space<hbm>>
      tpu.enqueue_dma source(%dma_start3A_72 : memref<96xi32, #tpu.memory_space<hbm>>) target(%arg10 : memref<96xi32, #tpu.memory_space<vmem>>) target_semaphore(%run_scoped3A : memref<!tpu.dma_semaphore, #tpu.memory_space<semaphore_mem>>)
      %dma_wait3A_73 = tpu.memref_slice %arg3[%multiple_of3A_43] : memref<327680xi32, #tpu.memory_space<hbm>> -> memref<96xi32, #tpu.memory_space<hbm>>
      %dma_wait3A_74 = tpu.memref_slice %arg3[%multiple_of3A_43] : memref<327680xi32, #tpu.memory_space<hbm>> -> memref<96xi32, #tpu.memory_space<hbm>>
      tpu.wait_dma2 semaphore(%run_scoped3A : memref<!tpu.dma_semaphore, #tpu.memory_space<semaphore_mem>>) src(%dma_wait3A_74 : memref<96xi32, #tpu.memory_space<hbm>>) dst(%arg10 : memref<96xi32, #tpu.memory_space<vmem>>)
      tpu.yield
    }) : () -> ()
    "tpu.region"() ({
      %run_scoped3A = tpu.sem_alloc : memref<!tpu.dma_semaphore, #tpu.memory_space<semaphore_mem>>
      %dma_start3A_71 = tpu.memref_slice %arg4[%multiple_of3A_43] : memref<327680xi32, #tpu.memory_space<hbm>> -> memref<96xi32, #tpu.memory_space<hbm>>
      %dma_start3A_72 = tpu.memref_slice %arg4[%multiple_of3A_43] : memref<327680xi32, #tpu.memory_space<hbm>> -> memref<96xi32, #tpu.memory_space<hbm>>
      tpu.enqueue_dma source(%dma_start3A_72 : memref<96xi32, #tpu.memory_space<hbm>>) target(%arg14 : memref<96xi32, #tpu.memory_space<vmem>>) target_semaphore(%run_scoped3A : memref<!tpu.dma_semaphore, #tpu.memory_space<semaphore_mem>>)
      %dma_wait3A_73 = tpu.memref_slice %arg4[%multiple_of3A_43] : memref<327680xi32, #tpu.memory_space<hbm>> -> memref<96xi32, #tpu.memory_space<hbm>>
      %dma_wait3A_74 = tpu.memref_slice %arg4[%multiple_of3A_43] : memref<327680xi32, #tpu.memory_space<hbm>> -> memref<96xi32, #tpu.memory_space<hbm>>
      tpu.wait_dma2 semaphore(%run_scoped3A : memref<!tpu.dma_semaphore, #tpu.memory_space<semaphore_mem>>) src(%dma_wait3A_74 : memref<96xi32, #tpu.memory_space<hbm>>) dst(%arg14 : memref<96xi32, #tpu.memory_space<vmem>>)
      tpu.yield
    }) : () -> ()
    %dma_start3A_44 = arith.constant 0 : i32
    %dma_start3A_45 = arith.constant 0 : i32
    %dma_start3A_46 = tpu.memref_slice %arg2[%dma_start3A_44, %dma_start3A_45] : memref<10000x128xf32, #tpu.memory_space<hbm>> -> memref<10000x128xf32, #tpu.memory_space<hbm>>
    tpu.enqueue_indirect_dma source(%dma_start3A_46 : memref<10000x128xf32, #tpu.memory_space<hbm>>) target(%arg18 : memref<96x128xf32, #tpu.memory_space<vmem>>) offsets(%arg10 : memref<96xi32, #tpu.memory_space<vmem>>) semaphore(%arg22 : memref<!tpu.dma_semaphore, #tpu.memory_space<semaphore_mem>>)
    %scan3A = arith.constant 0 : i32
    %scan3A_47 = arith.constant 0 : i32
    %scan3A_48 = arith.constant 25 : i32
    %scan3A_49 = arith.addi %scan3A_47, %scan3A_48 : i32
    %scan3A_50 = arith.constant 1 : i32
    scf.for %scan3A_71 = %scan3A_47 to %scan3A_49 step %scan3A_50  : i32 {
      %mul3A_72 = arith.constant 4 : i32
      %mul3A_73 = arith.muli %mul3A_72, %scan3A_71 : i32
      %add3A_74 = arith.constant 2 : i32
      %add3A_75 = arith.addi %add3A_74, %mul3A_73 : i32
      %dma_wait3A_76 = arith.constant 0 : i32
      %dma_wait3A_77 = arith.constant 0 : i32
      %dma_wait3A_78 = tpu.memref_slice %arg2[%dma_wait3A_76, %dma_wait3A_77] : memref<10000x128xf32, #tpu.memory_space<hbm>> -> memref<10000x128xf32, #tpu.memory_space<hbm>>
      tpu.wait_indirect_dma semaphore(%arg21 : memref<!tpu.dma_semaphore, #tpu.memory_space<semaphore_mem>>) src(%dma_wait3A_78 : memref<10000x128xf32, #tpu.memory_space<hbm>>) dst(%arg17 : memref<96x128xf32, #tpu.memory_space<vmem>>)
      %dma_wait3A_79 = arith.constant 0 : i32
      %dma_wait3A_80 = arith.constant 0 : i32
      %dma_wait3A_81 = tpu.memref_slice %arg27[%dma_wait3A_79, %dma_wait3A_80] : memref<10112x128xf32, #tpu.memory_space<vmem_shared>> -> memref<10112x128xf32, #tpu.memory_space<vmem_shared>>
      tpu.wait_indirect_dma semaphore(%arg23 : memref<!tpu.dma_semaphore, #tpu.memory_space<semaphore_mem>>) src(%arg15 : memref<96x128xf32, #tpu.memory_space<vmem>>) dst(%dma_wait3A_81 : memref<10112x128xf32, #tpu.memory_space<vmem_shared>>)
      %dma_start3A_82 = arith.constant 0 : i32
      %dma_start3A_83 = arith.constant 0 : i32
      %dma_start3A_84 = tpu.memref_slice %arg27[%dma_start3A_82, %dma_start3A_83] : memref<10112x128xf32, #tpu.memory_space<vmem_shared>> -> memref<10112x128xf32, #tpu.memory_space<vmem_shared>>
      tpu.enqueue_indirect_dma source(%arg17 : memref<96x128xf32, #tpu.memory_space<vmem>>) target(%dma_start3A_84 : memref<10112x128xf32, #tpu.memory_space<vmem_shared>>) offsets(%arg13 : memref<96xi32, #tpu.memory_space<vmem>>) semaphore(%arg25 : memref<!tpu.dma_semaphore, #tpu.memory_space<semaphore_mem>>) {add = true}
      %add3A_85 = arith.constant 0 : i32
      %add3A_86 = arith.addi %add3A_75, %add3A_85 : i32
      %add3A_87 = arith.constant 2 : i32
      %add3A_88 = arith.addi %add3A_86, %add3A_87 : i32
      %min3A = arith.constant 104 : i32
      %min3A_89 = arith.minsi %add3A_88, %min3A : i32
      %add3A_90 = arith.addi %mul3A_4, %min3A_89 : i32
      %mul3A_91 = arith.constant 96 : i32
      %mul3A_92 = arith.muli %add3A_90, %mul3A_91 : i32
      %multiple_of3A_93 = tpu.assume_multiple %mul3A_92, 8 : i32
      "tpu.region"() ({
        %run_scoped3A = tpu.sem_alloc : memref<!tpu.dma_semaphore, #tpu.memory_space<semaphore_mem>>
        %dma_start3A_163 = tpu.memref_slice %arg3[%multiple_of3A_93] : memref<327680xi32, #tpu.memory_space<hbm>> -> memref<96xi32, #tpu.memory_space<hbm>>
        %dma_start3A_164 = tpu.memref_slice %arg3[%multiple_of3A_93] : memref<327680xi32, #tpu.memory_space<hbm>> -> memref<96xi32, #tpu.memory_space<hbm>>
        tpu.enqueue_dma source(%dma_start3A_164 : memref<96xi32, #tpu.memory_space<hbm>>) target(%arg7 : memref<96xi32, #tpu.memory_space<vmem>>) target_semaphore(%run_scoped3A : memref<!tpu.dma_semaphore, #tpu.memory_space<semaphore_mem>>)
        %dma_wait3A_165 = tpu.memref_slice %arg3[%multiple_of3A_93] : memref<327680xi32, #tpu.memory_space<hbm>> -> memref<96xi32, #tpu.memory_space<hbm>>
        %dma_wait3A_166 = tpu.memref_slice %arg3[%multiple_of3A_93] : memref<327680xi32, #tpu.memory_space<hbm>> -> memref<96xi32, #tpu.memory_space<hbm>>
        tpu.wait_dma2 semaphore(%run_scoped3A : memref<!tpu.dma_semaphore, #tpu.memory_space<semaphore_mem>>) src(%dma_wait3A_166 : memref<96xi32, #tpu.memory_space<hbm>>) dst(%arg7 : memref<96xi32, #tpu.memory_space<vmem>>)
        tpu.yield
      }) : () -> ()
      "tpu.region"() ({
        %run_scoped3A = tpu.sem_alloc : memref<!tpu.dma_semaphore, #tpu.memory_space<semaphore_mem>>
        %dma_start3A_163 = tpu.memref_slice %arg4[%multiple_of3A_93] : memref<327680xi32, #tpu.memory_space<hbm>> -> memref<96xi32, #tpu.memory_space<hbm>>
        %dma_start3A_164 = tpu.memref_slice %arg4[%multiple_of3A_93] : memref<327680xi32, #tpu.memory_space<hbm>> -> memref<96xi32, #tpu.memory_space<hbm>>
        tpu.enqueue_dma source(%dma_start3A_164 : memref<96xi32, #tpu.memory_space<hbm>>) target(%arg11 : memref<96xi32, #tpu.memory_space<vmem>>) target_semaphore(%run_scoped3A : memref<!tpu.dma_semaphore, #tpu.memory_space<semaphore_mem>>)
        %dma_wait3A_165 = tpu.memref_slice %arg4[%multiple_of3A_93] : memref<327680xi32, #tpu.memory_space<hbm>> -> memref<96xi32, #tpu.memory_space<hbm>>
        %dma_wait3A_166 = tpu.memref_slice %arg4[%multiple_of3A_93] : memref<327680xi32, #tpu.memory_space<hbm>> -> memref<96xi32, #tpu.memory_space<hbm>>
        tpu.wait_dma2 semaphore(%run_scoped3A : memref<!tpu.dma_semaphore, #tpu.memory_space<semaphore_mem>>) src(%dma_wait3A_166 : memref<96xi32, #tpu.memory_space<hbm>>) dst(%arg11 : memref<96xi32, #tpu.memory_space<vmem>>)
        tpu.yield
      }) : () -> ()
      %dma_start3A_94 = arith.constant 0 : i32
      %dma_start3A_95 = arith.constant 0 : i32
      %dma_start3A_96 = tpu.memref_slice %arg2[%dma_start3A_94, %dma_start3A_95] : memref<10000x128xf32, #tpu.memory_space<hbm>> -> memref<10000x128xf32, #tpu.memory_space<hbm>>
      tpu.enqueue_indirect_dma source(%dma_start3A_96 : memref<10000x128xf32, #tpu.memory_space<hbm>>) target(%arg15 : memref<96x128xf32, #tpu.memory_space<vmem>>) offsets(%arg7 : memref<96xi32, #tpu.memory_space<vmem>>) semaphore(%arg19 : memref<!tpu.dma_semaphore, #tpu.memory_space<semaphore_mem>>)
      %dma_wait3A_97 = arith.constant 0 : i32
      %dma_wait3A_98 = arith.constant 0 : i32
      %dma_wait3A_99 = tpu.memref_slice %arg2[%dma_wait3A_97, %dma_wait3A_98] : memref<10000x128xf32, #tpu.memory_space<hbm>> -> memref<10000x128xf32, #tpu.memory_space<hbm>>
      tpu.wait_indirect_dma semaphore(%arg22 : memref<!tpu.dma_semaphore, #tpu.memory_space<semaphore_mem>>) src(%dma_wait3A_99 : memref<10000x128xf32, #tpu.memory_space<hbm>>) dst(%arg18 : memref<96x128xf32, #tpu.memory_space<vmem>>)
      %dma_wait3A_100 = arith.constant 0 : i32
      %dma_wait3A_101 = arith.constant 0 : i32
      %dma_wait3A_102 = tpu.memref_slice %arg27[%dma_wait3A_100, %dma_wait3A_101] : memref<10112x128xf32, #tpu.memory_space<vmem_shared>> -> memref<10112x128xf32, #tpu.memory_space<vmem_shared>>
      tpu.wait_indirect_dma semaphore(%arg24 : memref<!tpu.dma_semaphore, #tpu.memory_space<semaphore_mem>>) src(%arg16 : memref<96x128xf32, #tpu.memory_space<vmem>>) dst(%dma_wait3A_102 : memref<10112x128xf32, #tpu.memory_space<vmem_shared>>)
      %dma_start3A_103 = arith.constant 0 : i32
      %dma_start3A_104 = arith.constant 0 : i32
      %dma_start3A_105 = tpu.memref_slice %arg27[%dma_start3A_103, %dma_start3A_104] : memref<10112x128xf32, #tpu.memory_space<vmem_shared>> -> memref<10112x128xf32, #tpu.memory_space<vmem_shared>>
      tpu.enqueue_indirect_dma source(%arg18 : memref<96x128xf32, #tpu.memory_space<vmem>>) target(%dma_start3A_105 : memref<10112x128xf32, #tpu.memory_space<vmem_shared>>) offsets(%arg14 : memref<96xi32, #tpu.memory_space<vmem>>) semaphore(%arg26 : memref<!tpu.dma_semaphore, #tpu.memory_space<semaphore_mem>>) {add = true}
      %add3A_106 = arith.constant 1 : i32
      %add3A_107 = arith.addi %add3A_75, %add3A_106 : i32
      %add3A_108 = arith.constant 2 : i32
      %add3A_109 = arith.addi %add3A_107, %add3A_108 : i32
      %min3A_110 = arith.constant 104 : i32
      %min3A_111 = arith.minsi %add3A_109, %min3A_110 : i32
      %add3A_112 = arith.addi %mul3A_4, %min3A_111 : i32
      %mul3A_113 = arith.constant 96 : i32
      %mul3A_114 = arith.muli %add3A_112, %mul3A_113 : i32
      %multiple_of3A_115 = tpu.assume_multiple %mul3A_114, 8 : i32
      "tpu.region"() ({
        %run_scoped3A = tpu.sem_alloc : memref<!tpu.dma_semaphore, #tpu.memory_space<semaphore_mem>>
        %dma_start3A_163 = tpu.memref_slice %arg3[%multiple_of3A_115] : memref<327680xi32, #tpu.memory_space<hbm>> -> memref<96xi32, #tpu.memory_space<hbm>>
        %dma_start3A_164 = tpu.memref_slice %arg3[%multiple_of3A_115] : memref<327680xi32, #tpu.memory_space<hbm>> -> memref<96xi32, #tpu.memory_space<hbm>>
        tpu.enqueue_dma source(%dma_start3A_164 : memref<96xi32, #tpu.memory_space<hbm>>) target(%arg8 : memref<96xi32, #tpu.memory_space<vmem>>) target_semaphore(%run_scoped3A : memref<!tpu.dma_semaphore, #tpu.memory_space<semaphore_mem>>)
        %dma_wait3A_165 = tpu.memref_slice %arg3[%multiple_of3A_115] : memref<327680xi32, #tpu.memory_space<hbm>> -> memref<96xi32, #tpu.memory_space<hbm>>
        %dma_wait3A_166 = tpu.memref_slice %arg3[%multiple_of3A_115] : memref<327680xi32, #tpu.memory_space<hbm>> -> memref<96xi32, #tpu.memory_space<hbm>>
        tpu.wait_dma2 semaphore(%run_scoped3A : memref<!tpu.dma_semaphore, #tpu.memory_space<semaphore_mem>>) src(%dma_wait3A_166 : memref<96xi32, #tpu.memory_space<hbm>>) dst(%arg8 : memref<96xi32, #tpu.memory_space<vmem>>)
        tpu.yield
      }) : () -> ()
      "tpu.region"() ({
        %run_scoped3A = tpu.sem_alloc : memref<!tpu.dma_semaphore, #tpu.memory_space<semaphore_mem>>
        %dma_start3A_163 = tpu.memref_slice %arg4[%multiple_of3A_115] : memref<327680xi32, #tpu.memory_space<hbm>> -> memref<96xi32, #tpu.memory_space<hbm>>
        %dma_start3A_164 = tpu.memref_slice %arg4[%multiple_of3A_115] : memref<327680xi32, #tpu.memory_space<hbm>> -> memref<96xi32, #tpu.memory_space<hbm>>
        tpu.enqueue_dma source(%dma_start3A_164 : memref<96xi32, #tpu.memory_space<hbm>>) target(%arg12 : memref<96xi32, #tpu.memory_space<vmem>>) target_semaphore(%run_scoped3A : memref<!tpu.dma_semaphore, #tpu.memory_space<semaphore_mem>>)
        %dma_wait3A_165 = tpu.memref_slice %arg4[%multiple_of3A_115] : memref<327680xi32, #tpu.memory_space<hbm>> -> memref<96xi32, #tpu.memory_space<hbm>>
        %dma_wait3A_166 = tpu.memref_slice %arg4[%multiple_of3A_115] : memref<327680xi32, #tpu.memory_space<hbm>> -> memref<96xi32, #tpu.memory_space<hbm>>
        tpu.wait_dma2 semaphore(%run_scoped3A : memref<!tpu.dma_semaphore, #tpu.memory_space<semaphore_mem>>) src(%dma_wait3A_166 : memref<96xi32, #tpu.memory_space<hbm>>) dst(%arg12 : memref<96xi32, #tpu.memory_space<vmem>>)
        tpu.yield
      }) : () -> ()
      %dma_start3A_116 = arith.constant 0 : i32
      %dma_start3A_117 = arith.constant 0 : i32
      %dma_start3A_118 = tpu.memref_slice %arg2[%dma_start3A_116, %dma_start3A_117] : memref<10000x128xf32, #tpu.memory_space<hbm>> -> memref<10000x128xf32, #tpu.memory_space<hbm>>
      tpu.enqueue_indirect_dma source(%dma_start3A_118 : memref<10000x128xf32, #tpu.memory_space<hbm>>) target(%arg16 : memref<96x128xf32, #tpu.memory_space<vmem>>) offsets(%arg8 : memref<96xi32, #tpu.memory_space<vmem>>) semaphore(%arg20 : memref<!tpu.dma_semaphore, #tpu.memory_space<semaphore_mem>>)
      %dma_wait3A_119 = arith.constant 0 : i32
      %dma_wait3A_120 = arith.constant 0 : i32
      %dma_wait3A_121 = tpu.memref_slice %arg2[%dma_wait3A_119, %dma_wait3A_120] : memref<10000x128xf32, #tpu.memory_space<hbm>> -> memref<10000x128xf32, #tpu.memory_space<hbm>>
      tpu.wait_indirect_dma semaphore(%arg19 : memref<!tpu.dma_semaphore, #tpu.memory_space<semaphore_mem>>) src(%dma_wait3A_121 : memref<10000x128xf32, #tpu.memory_space<hbm>>) dst(%arg15 : memref<96x128xf32, #tpu.memory_space<vmem>>)
      %dma_wait3A_122 = arith.constant 0 : i32
      %dma_wait3A_123 = arith.constant 0 : i32
      %dma_wait3A_124 = tpu.memref_slice %arg27[%dma_wait3A_122, %dma_wait3A_123] : memref<10112x128xf32, #tpu.memory_space<vmem_shared>> -> memref<10112x128xf32, #tpu.memory_space<vmem_shared>>
      tpu.wait_indirect_dma semaphore(%arg25 : memref<!tpu.dma_semaphore, #tpu.memory_space<semaphore_mem>>) src(%arg17 : memref<96x128xf32, #tpu.memory_space<vmem>>) dst(%dma_wait3A_124 : memref<10112x128xf32, #tpu.memory_space<vmem_shared>>)
      %dma_start3A_125 = arith.constant 0 : i32
      %dma_start3A_126 = arith.constant 0 : i32
      %dma_start3A_127 = tpu.memref_slice %arg27[%dma_start3A_125, %dma_start3A_126] : memref<10112x128xf32, #tpu.memory_space<vmem_shared>> -> memref<10112x128xf32, #tpu.memory_space<vmem_shared>>
      tpu.enqueue_indirect_dma source(%arg15 : memref<96x128xf32, #tpu.memory_space<vmem>>) target(%dma_start3A_127 : memref<10112x128xf32, #tpu.memory_space<vmem_shared>>) offsets(%arg11 : memref<96xi32, #tpu.memory_space<vmem>>) semaphore(%arg23 : memref<!tpu.dma_semaphore, #tpu.memory_space<semaphore_mem>>) {add = true}
      %add3A_128 = arith.constant 2 : i32
      %add3A_129 = arith.addi %add3A_75, %add3A_128 : i32
      %add3A_130 = arith.constant 2 : i32
      %add3A_131 = arith.addi %add3A_129, %add3A_130 : i32
      %min3A_132 = arith.constant 104 : i32
      %min3A_133 = arith.minsi %add3A_131, %min3A_132 : i32
      %add3A_134 = arith.addi %mul3A_4, %min3A_133 : i32
      %mul3A_135 = arith.constant 96 : i32
      %mul3A_136 = arith.muli %add3A_134, %mul3A_135 : i32
      %multiple_of3A_137 = tpu.assume_multiple %mul3A_136, 8 : i32
      "tpu.region"() ({
        %run_scoped3A = tpu.sem_alloc : memref<!tpu.dma_semaphore, #tpu.memory_space<semaphore_mem>>
        %dma_start3A_163 = tpu.memref_slice %arg3[%multiple_of3A_137] : memref<327680xi32, #tpu.memory_space<hbm>> -> memref<96xi32, #tpu.memory_space<hbm>>
        %dma_start3A_164 = tpu.memref_slice %arg3[%multiple_of3A_137] : memref<327680xi32, #tpu.memory_space<hbm>> -> memref<96xi32, #tpu.memory_space<hbm>>
        tpu.enqueue_dma source(%dma_start3A_164 : memref<96xi32, #tpu.memory_space<hbm>>) target(%arg9 : memref<96xi32, #tpu.memory_space<vmem>>) target_semaphore(%run_scoped3A : memref<!tpu.dma_semaphore, #tpu.memory_space<semaphore_mem>>)
        %dma_wait3A_165 = tpu.memref_slice %arg3[%multiple_of3A_137] : memref<327680xi32, #tpu.memory_space<hbm>> -> memref<96xi32, #tpu.memory_space<hbm>>
        %dma_wait3A_166 = tpu.memref_slice %arg3[%multiple_of3A_137] : memref<327680xi32, #tpu.memory_space<hbm>> -> memref<96xi32, #tpu.memory_space<hbm>>
        tpu.wait_dma2 semaphore(%run_scoped3A : memref<!tpu.dma_semaphore, #tpu.memory_space<semaphore_mem>>) src(%dma_wait3A_166 : memref<96xi32, #tpu.memory_space<hbm>>) dst(%arg9 : memref<96xi32, #tpu.memory_space<vmem>>)
        tpu.yield
      }) : () -> ()
      "tpu.region"() ({
        %run_scoped3A = tpu.sem_alloc : memref<!tpu.dma_semaphore, #tpu.memory_space<semaphore_mem>>
        %dma_start3A_163 = tpu.memref_slice %arg4[%multiple_of3A_137] : memref<327680xi32, #tpu.memory_space<hbm>> -> memref<96xi32, #tpu.memory_space<hbm>>
        %dma_start3A_164 = tpu.memref_slice %arg4[%multiple_of3A_137] : memref<327680xi32, #tpu.memory_space<hbm>> -> memref<96xi32, #tpu.memory_space<hbm>>
        tpu.enqueue_dma source(%dma_start3A_164 : memref<96xi32, #tpu.memory_space<hbm>>) target(%arg13 : memref<96xi32, #tpu.memory_space<vmem>>) target_semaphore(%run_scoped3A : memref<!tpu.dma_semaphore, #tpu.memory_space<semaphore_mem>>)
        %dma_wait3A_165 = tpu.memref_slice %arg4[%multiple_of3A_137] : memref<327680xi32, #tpu.memory_space<hbm>> -> memref<96xi32, #tpu.memory_space<hbm>>
        %dma_wait3A_166 = tpu.memref_slice %arg4[%multiple_of3A_137] : memref<327680xi32, #tpu.memory_space<hbm>> -> memref<96xi32, #tpu.memory_space<hbm>>
        tpu.wait_dma2 semaphore(%run_scoped3A : memref<!tpu.dma_semaphore, #tpu.memory_space<semaphore_mem>>) src(%dma_wait3A_166 : memref<96xi32, #tpu.memory_space<hbm>>) dst(%arg13 : memref<96xi32, #tpu.memory_space<vmem>>)
        tpu.yield
      }) : () -> ()
      %dma_start3A_138 = arith.constant 0 : i32
      %dma_start3A_139 = arith.constant 0 : i32
      %dma_start3A_140 = tpu.memref_slice %arg2[%dma_start3A_138, %dma_start3A_139] : memref<10000x128xf32, #tpu.memory_space<hbm>> -> memref<10000x128xf32, #tpu.memory_space<hbm>>
      tpu.enqueue_indirect_dma source(%dma_start3A_140 : memref<10000x128xf32, #tpu.memory_space<hbm>>) target(%arg17 : memref<96x128xf32, #tpu.memory_space<vmem>>) offsets(%arg9 : memref<96xi32, #tpu.memory_space<vmem>>) semaphore(%arg21 : memref<!tpu.dma_semaphore, #tpu.memory_space<semaphore_mem>>)
      %dma_wait3A_141 = arith.constant 0 : i32
      %dma_wait3A_142 = arith.constant 0 : i32
      %dma_wait3A_143 = tpu.memref_slice %arg2[%dma_wait3A_141, %dma_wait3A_142] : memref<10000x128xf32, #tpu.memory_space<hbm>> -> memref<10000x128xf32, #tpu.memory_space<hbm>>
      tpu.wait_indirect_dma semaphore(%arg20 : memref<!tpu.dma_semaphore, #tpu.memory_space<semaphore_mem>>) src(%dma_wait3A_143 : memref<10000x128xf32, #tpu.memory_space<hbm>>) dst(%arg16 : memref<96x128xf32, #tpu.memory_space<vmem>>)
      %dma_wait3A_144 = arith.constant 0 : i32
      %dma_wait3A_145 = arith.constant 0 : i32
      %dma_wait3A_146 = tpu.memref_slice %arg27[%dma_wait3A_144, %dma_wait3A_145] : memref<10112x128xf32, #tpu.memory_space<vmem_shared>> -> memref<10112x128xf32, #tpu.memory_space<vmem_shared>>
      tpu.wait_indirect_dma semaphore(%arg26 : memref<!tpu.dma_semaphore, #tpu.memory_space<semaphore_mem>>) src(%arg18 : memref<96x128xf32, #tpu.memory_space<vmem>>) dst(%dma_wait3A_146 : memref<10112x128xf32, #tpu.memory_space<vmem_shared>>)
      %dma_start3A_147 = arith.constant 0 : i32
      %dma_start3A_148 = arith.constant 0 : i32
      %dma_start3A_149 = tpu.memref_slice %arg27[%dma_start3A_147, %dma_start3A_148] : memref<10112x128xf32, #tpu.memory_space<vmem_shared>> -> memref<10112x128xf32, #tpu.memory_space<vmem_shared>>
      tpu.enqueue_indirect_dma source(%arg16 : memref<96x128xf32, #tpu.memory_space<vmem>>) target(%dma_start3A_149 : memref<10112x128xf32, #tpu.memory_space<vmem_shared>>) offsets(%arg12 : memref<96xi32, #tpu.memory_space<vmem>>) semaphore(%arg24 : memref<!tpu.dma_semaphore, #tpu.memory_space<semaphore_mem>>) {add = true}
      %add3A_150 = arith.constant 3 : i32
      %add3A_151 = arith.addi %add3A_75, %add3A_150 : i32
      %add3A_152 = arith.constant 2 : i32
      %add3A_153 = arith.addi %add3A_151, %add3A_152 : i32
      %min3A_154 = arith.constant 104 : i32
      %min3A_155 = arith.minsi %add3A_153, %min3A_154 : i32
      %add3A_156 = arith.addi %mul3A_4, %min3A_155 : i32
      %mul3A_157 = arith.constant 96 : i32
      %mul3A_158 = arith.muli %add3A_156, %mul3A_157 : i32
      %multiple_of3A_159 = tpu.assume_multiple %mul3A_158, 8 : i32
      "tpu.region"() ({
        %run_scoped3A = tpu.sem_alloc : memref<!tpu.dma_semaphore, #tpu.memory_space<semaphore_mem>>
        %dma_start3A_163 = tpu.memref_slice %arg3[%multiple_of3A_159] : memref<327680xi32, #tpu.memory_space<hbm>> -> memref<96xi32, #tpu.memory_space<hbm>>
        %dma_start3A_164 = tpu.memref_slice %arg3[%multiple_of3A_159] : memref<327680xi32, #tpu.memory_space<hbm>> -> memref<96xi32, #tpu.memory_space<hbm>>
        tpu.enqueue_dma source(%dma_start3A_164 : memref<96xi32, #tpu.memory_space<hbm>>) target(%arg10 : memref<96xi32, #tpu.memory_space<vmem>>) target_semaphore(%run_scoped3A : memref<!tpu.dma_semaphore, #tpu.memory_space<semaphore_mem>>)
        %dma_wait3A_165 = tpu.memref_slice %arg3[%multiple_of3A_159] : memref<327680xi32, #tpu.memory_space<hbm>> -> memref<96xi32, #tpu.memory_space<hbm>>
        %dma_wait3A_166 = tpu.memref_slice %arg3[%multiple_of3A_159] : memref<327680xi32, #tpu.memory_space<hbm>> -> memref<96xi32, #tpu.memory_space<hbm>>
        tpu.wait_dma2 semaphore(%run_scoped3A : memref<!tpu.dma_semaphore, #tpu.memory_space<semaphore_mem>>) src(%dma_wait3A_166 : memref<96xi32, #tpu.memory_space<hbm>>) dst(%arg10 : memref<96xi32, #tpu.memory_space<vmem>>)
        tpu.yield
      }) : () -> ()
      "tpu.region"() ({
        %run_scoped3A = tpu.sem_alloc : memref<!tpu.dma_semaphore, #tpu.memory_space<semaphore_mem>>
        %dma_start3A_163 = tpu.memref_slice %arg4[%multiple_of3A_159] : memref<327680xi32, #tpu.memory_space<hbm>> -> memref<96xi32, #tpu.memory_space<hbm>>
        %dma_start3A_164 = tpu.memref_slice %arg4[%multiple_of3A_159] : memref<327680xi32, #tpu.memory_space<hbm>> -> memref<96xi32, #tpu.memory_space<hbm>>
        tpu.enqueue_dma source(%dma_start3A_164 : memref<96xi32, #tpu.memory_space<hbm>>) target(%arg14 : memref<96xi32, #tpu.memory_space<vmem>>) target_semaphore(%run_scoped3A : memref<!tpu.dma_semaphore, #tpu.memory_space<semaphore_mem>>)
        %dma_wait3A_165 = tpu.memref_slice %arg4[%multiple_of3A_159] : memref<327680xi32, #tpu.memory_space<hbm>> -> memref<96xi32, #tpu.memory_space<hbm>>
        %dma_wait3A_166 = tpu.memref_slice %arg4[%multiple_of3A_159] : memref<327680xi32, #tpu.memory_space<hbm>> -> memref<96xi32, #tpu.memory_space<hbm>>
        tpu.wait_dma2 semaphore(%run_scoped3A : memref<!tpu.dma_semaphore, #tpu.memory_space<semaphore_mem>>) src(%dma_wait3A_166 : memref<96xi32, #tpu.memory_space<hbm>>) dst(%arg14 : memref<96xi32, #tpu.memory_space<vmem>>)
        tpu.yield
      }) : () -> ()
      %dma_start3A_160 = arith.constant 0 : i32
      %dma_start3A_161 = arith.constant 0 : i32
      %dma_start3A_162 = tpu.memref_slice %arg2[%dma_start3A_160, %dma_start3A_161] : memref<10000x128xf32, #tpu.memory_space<hbm>> -> memref<10000x128xf32, #tpu.memory_space<hbm>>
      tpu.enqueue_indirect_dma source(%dma_start3A_162 : memref<10000x128xf32, #tpu.memory_space<hbm>>) target(%arg18 : memref<96x128xf32, #tpu.memory_space<vmem>>) offsets(%arg10 : memref<96xi32, #tpu.memory_space<vmem>>) semaphore(%arg22 : memref<!tpu.dma_semaphore, #tpu.memory_space<semaphore_mem>>)
    }
    %scan3A_51 = arith.constant 25 : i32
    %dma_wait3A_52 = arith.constant 0 : i32
    %dma_wait3A_53 = arith.constant 0 : i32
    %dma_wait3A_54 = tpu.memref_slice %arg27[%dma_wait3A_52, %dma_wait3A_53] : memref<10112x128xf32, #tpu.memory_space<vmem_shared>> -> memref<10112x128xf32, #tpu.memory_space<vmem_shared>>
    tpu.wait_indirect_dma semaphore(%arg23 : memref<!tpu.dma_semaphore, #tpu.memory_space<semaphore_mem>>) src(%arg15 : memref<96x128xf32, #tpu.memory_space<vmem>>) dst(%dma_wait3A_54 : memref<10112x128xf32, #tpu.memory_space<vmem_shared>>)
    %dma_wait3A_55 = arith.constant 0 : i32
    %dma_wait3A_56 = arith.constant 0 : i32
    %dma_wait3A_57 = tpu.memref_slice %arg27[%dma_wait3A_55, %dma_wait3A_56] : memref<10112x128xf32, #tpu.memory_space<vmem_shared>> -> memref<10112x128xf32, #tpu.memory_space<vmem_shared>>
    tpu.wait_indirect_dma semaphore(%arg24 : memref<!tpu.dma_semaphore, #tpu.memory_space<semaphore_mem>>) src(%arg16 : memref<96x128xf32, #tpu.memory_space<vmem>>) dst(%dma_wait3A_57 : memref<10112x128xf32, #tpu.memory_space<vmem_shared>>)
    %dma_wait3A_58 = arith.constant 0 : i32
    %dma_wait3A_59 = arith.constant 0 : i32
    %dma_wait3A_60 = tpu.memref_slice %arg2[%dma_wait3A_58, %dma_wait3A_59] : memref<10000x128xf32, #tpu.memory_space<hbm>> -> memref<10000x128xf32, #tpu.memory_space<hbm>>
    tpu.wait_indirect_dma semaphore(%arg21 : memref<!tpu.dma_semaphore, #tpu.memory_space<semaphore_mem>>) src(%dma_wait3A_60 : memref<10000x128xf32, #tpu.memory_space<hbm>>) dst(%arg17 : memref<96x128xf32, #tpu.memory_space<vmem>>)
    %dma_wait3A_61 = arith.constant 0 : i32
    %dma_wait3A_62 = arith.constant 0 : i32
    %dma_wait3A_63 = tpu.memref_slice %arg2[%dma_wait3A_61, %dma_wait3A_62] : memref<10000x128xf32, #tpu.memory_space<hbm>> -> memref<10000x128xf32, #tpu.memory_space<hbm>>
    tpu.wait_indirect_dma semaphore(%arg22 : memref<!tpu.dma_semaphore, #tpu.memory_space<semaphore_mem>>) src(%dma_wait3A_63 : memref<10000x128xf32, #tpu.memory_space<hbm>>) dst(%arg18 : memref<96x128xf32, #tpu.memory_space<vmem>>)
    %scan3A_64 = arith.constant 0 : i32
    %scan3A_65 = arith.constant 102 : i32
    %scan3A_66 = arith.constant 3 : i32
    %scan3A_67 = arith.addi %scan3A_65, %scan3A_66 : i32
    %scan3A_68 = arith.constant 1 : i32
    scf.for %scan3A_71 = %scan3A_65 to %scan3A_67 step %scan3A_68  : i32 {
      %add3A_72 = arith.addi %mul3A_4, %scan3A_71 : i32
      %mul3A_73 = arith.constant 96 : i32
      %mul3A_74 = arith.muli %add3A_72, %mul3A_73 : i32
      %multiple_of3A_75 = tpu.assume_multiple %mul3A_74, 8 : i32
      "tpu.region"() ({
        %run_scoped3A = tpu.sem_alloc : memref<!tpu.dma_semaphore, #tpu.memory_space<semaphore_mem>>
        %dma_start3A_88 = tpu.memref_slice %arg3[%multiple_of3A_75] : memref<327680xi32, #tpu.memory_space<hbm>> -> memref<96xi32, #tpu.memory_space<hbm>>
        %dma_start3A_89 = tpu.memref_slice %arg3[%multiple_of3A_75] : memref<327680xi32, #tpu.memory_space<hbm>> -> memref<96xi32, #tpu.memory_space<hbm>>
        tpu.enqueue_dma source(%dma_start3A_89 : memref<96xi32, #tpu.memory_space<hbm>>) target(%arg9 : memref<96xi32, #tpu.memory_space<vmem>>) target_semaphore(%run_scoped3A : memref<!tpu.dma_semaphore, #tpu.memory_space<semaphore_mem>>)
        %dma_wait3A_90 = tpu.memref_slice %arg3[%multiple_of3A_75] : memref<327680xi32, #tpu.memory_space<hbm>> -> memref<96xi32, #tpu.memory_space<hbm>>
        %dma_wait3A_91 = tpu.memref_slice %arg3[%multiple_of3A_75] : memref<327680xi32, #tpu.memory_space<hbm>> -> memref<96xi32, #tpu.memory_space<hbm>>
        tpu.wait_dma2 semaphore(%run_scoped3A : memref<!tpu.dma_semaphore, #tpu.memory_space<semaphore_mem>>) src(%dma_wait3A_91 : memref<96xi32, #tpu.memory_space<hbm>>) dst(%arg9 : memref<96xi32, #tpu.memory_space<vmem>>)
        tpu.yield
      }) : () -> ()
      "tpu.region"() ({
        %run_scoped3A = tpu.sem_alloc : memref<!tpu.dma_semaphore, #tpu.memory_space<semaphore_mem>>
        %dma_start3A_88 = tpu.memref_slice %arg4[%multiple_of3A_75] : memref<327680xi32, #tpu.memory_space<hbm>> -> memref<96xi32, #tpu.memory_space<hbm>>
        %dma_start3A_89 = tpu.memref_slice %arg4[%multiple_of3A_75] : memref<327680xi32, #tpu.memory_space<hbm>> -> memref<96xi32, #tpu.memory_space<hbm>>
        tpu.enqueue_dma source(%dma_start3A_89 : memref<96xi32, #tpu.memory_space<hbm>>) target(%arg13 : memref<96xi32, #tpu.memory_space<vmem>>) target_semaphore(%run_scoped3A : memref<!tpu.dma_semaphore, #tpu.memory_space<semaphore_mem>>)
        %dma_wait3A_90 = tpu.memref_slice %arg4[%multiple_of3A_75] : memref<327680xi32, #tpu.memory_space<hbm>> -> memref<96xi32, #tpu.memory_space<hbm>>
        %dma_wait3A_91 = tpu.memref_slice %arg4[%multiple_of3A_75] : memref<327680xi32, #tpu.memory_space<hbm>> -> memref<96xi32, #tpu.memory_space<hbm>>
        tpu.wait_dma2 semaphore(%run_scoped3A : memref<!tpu.dma_semaphore, #tpu.memory_space<semaphore_mem>>) src(%dma_wait3A_91 : memref<96xi32, #tpu.memory_space<hbm>>) dst(%arg13 : memref<96xi32, #tpu.memory_space<vmem>>)
        tpu.yield
      }) : () -> ()
      %dma_start3A_76 = arith.constant 0 : i32
      %dma_start3A_77 = arith.constant 0 : i32
      %dma_start3A_78 = tpu.memref_slice %arg2[%dma_start3A_76, %dma_start3A_77] : memref<10000x128xf32, #tpu.memory_space<hbm>> -> memref<10000x128xf32, #tpu.memory_space<hbm>>
      tpu.enqueue_indirect_dma source(%dma_start3A_78 : memref<10000x128xf32, #tpu.memory_space<hbm>>) target(%arg17 : memref<96x128xf32, #tpu.memory_space<vmem>>) offsets(%arg9 : memref<96xi32, #tpu.memory_space<vmem>>) semaphore(%arg21 : memref<!tpu.dma_semaphore, #tpu.memory_space<semaphore_mem>>)
      %dma_wait3A_79 = arith.constant 0 : i32
      %dma_wait3A_80 = arith.constant 0 : i32
      %dma_wait3A_81 = tpu.memref_slice %arg2[%dma_wait3A_79, %dma_wait3A_80] : memref<10000x128xf32, #tpu.memory_space<hbm>> -> memref<10000x128xf32, #tpu.memory_space<hbm>>
      tpu.wait_indirect_dma semaphore(%arg21 : memref<!tpu.dma_semaphore, #tpu.memory_space<semaphore_mem>>) src(%dma_wait3A_81 : memref<10000x128xf32, #tpu.memory_space<hbm>>) dst(%arg17 : memref<96x128xf32, #tpu.memory_space<vmem>>)
      %dma_start3A_82 = arith.constant 0 : i32
      %dma_start3A_83 = arith.constant 0 : i32
      %dma_start3A_84 = tpu.memref_slice %arg27[%dma_start3A_82, %dma_start3A_83] : memref<10112x128xf32, #tpu.memory_space<vmem_shared>> -> memref<10112x128xf32, #tpu.memory_space<vmem_shared>>
      tpu.enqueue_indirect_dma source(%arg17 : memref<96x128xf32, #tpu.memory_space<vmem>>) target(%dma_start3A_84 : memref<10112x128xf32, #tpu.memory_space<vmem_shared>>) offsets(%arg13 : memref<96xi32, #tpu.memory_space<vmem>>) semaphore(%arg25 : memref<!tpu.dma_semaphore, #tpu.memory_space<semaphore_mem>>) {add = true}
      %dma_wait3A_85 = arith.constant 0 : i32
      %dma_wait3A_86 = arith.constant 0 : i32
      %dma_wait3A_87 = tpu.memref_slice %arg27[%dma_wait3A_85, %dma_wait3A_86] : memref<10112x128xf32, #tpu.memory_space<vmem_shared>> -> memref<10112x128xf32, #tpu.memory_space<vmem_shared>>
      tpu.wait_indirect_dma semaphore(%arg25 : memref<!tpu.dma_semaphore, #tpu.memory_space<semaphore_mem>>) src(%arg17 : memref<96x128xf32, #tpu.memory_space<vmem>>) dst(%dma_wait3A_87 : memref<10112x128xf32, #tpu.memory_space<vmem_shared>>)
    }
    %scan3A_69 = arith.constant 3 : i32
    %barrier3A_70 = arith.constant 0 : index
    tpu.barrier barrier_id(%barrier3A_70)
    "tpu.region"() ({
      %run_scoped3A = tpu.sem_alloc : memref<!tpu.dma_semaphore, #tpu.memory_space<semaphore_mem>>
      %dma_start3A_71 = arith.constant 0 : i32
      %dma_start3A_72 = tpu.memref_slice %arg6[%arg0, %multiple_of3A, %dma_start3A_71] : memref<2x10112x128xf32, #tpu.memory_space<hbm>> -> memref<1x632x128xf32, #tpu.memory_space<hbm>>
      %dma_start3A_73 = tpu.memref_squeeze %dma_start3A_72 : memref<1x632x128xf32, #tpu.memory_space<hbm>> -> memref<632x128xf32, #tpu.memory_space<hbm>>
      %dma_start3A_74 = arith.constant 0 : i32
      %dma_start3A_75 = tpu.memref_slice %arg27[%multiple_of3A, %dma_start3A_74] : memref<10112x128xf32, #tpu.memory_space<vmem_shared>> -> memref<632x128xf32, #tpu.memory_space<vmem_shared>>
      tpu.enqueue_dma source(%dma_start3A_75 : memref<632x128xf32, #tpu.memory_space<vmem_shared>>) target(%dma_start3A_73 : memref<632x128xf32, #tpu.memory_space<hbm>>) target_semaphore(%run_scoped3A : memref<!tpu.dma_semaphore, #tpu.memory_space<semaphore_mem>>)
      %dma_wait3A_76 = arith.constant 0 : i32
      %dma_wait3A_77 = tpu.memref_slice %arg6[%arg0, %multiple_of3A, %dma_wait3A_76] : memref<2x10112x128xf32, #tpu.memory_space<hbm>> -> memref<1x632x128xf32, #tpu.memory_space<hbm>>
      %dma_wait3A_78 = tpu.memref_squeeze %dma_wait3A_77 : memref<1x632x128xf32, #tpu.memory_space<hbm>> -> memref<632x128xf32, #tpu.memory_space<hbm>>
      %dma_wait3A_79 = arith.constant 0 : i32
      %dma_wait3A_80 = tpu.memref_slice %arg27[%multiple_of3A, %dma_wait3A_79] : memref<10112x128xf32, #tpu.memory_space<vmem_shared>> -> memref<632x128xf32, #tpu.memory_space<vmem_shared>>
      tpu.wait_dma2 semaphore(%run_scoped3A : memref<!tpu.dma_semaphore, #tpu.memory_space<semaphore_mem>>) src(%dma_wait3A_80 : memref<632x128xf32, #tpu.memory_space<vmem_shared>>) dst(%dma_wait3A_78 : memref<632x128xf32, #tpu.memory_space<hbm>>)
      tpu.yield
    }) : () -> ()
    return
  }
}

module attributes {stable_mosaic.version = 14 : i64} {
  func.func @_layer1_body(%arg0: i32, %arg1: memref<2x2000x128xf32, #tpu.memory_space<vmem>>, %arg2: memref<2000x128xf32, #tpu.memory_space<vmem>>, %arg3: memref<128x128xf32, #tpu.memory_space<vmem>>, %arg4: memref<1x128xf32, #tpu.memory_space<vmem>>, %arg5: memref<2000x128xf32, #tpu.memory_space<vmem>>, %arg6: memref<2000x16xf32, #tpu.memory_space<vmem>>) attributes {dimension_semantics = [#tpu.dimension_semantics<arbitrary>], iteration_bounds = array<i64: 5>, scalar_prefetch = 0 : i64, scratch_operands = 0 : i64, tpu.core_type = #tpu.core_type<tc>, window_params = [{transform_indices = @transform_0, window_bounds = array<i64: 2, 2000, 128>}, {transform_indices = @transform_1, window_bounds = array<i64: 2000, 128>}, {pipeline_mode = #tpu.pipeline_mode<synchronous>, transform_indices = @transform_2, window_bounds = array<i64: 128, 128>}, {pipeline_mode = #tpu.pipeline_mode<synchronous>, transform_indices = @transform_3, window_bounds = array<i64: 1, 128>}, {transform_indices = @transform_4, window_bounds = array<i64: 2000, 128>}, {transform_indices = @transform_5, window_bounds = array<i64: 2000, 16>}]} {
    %get3A = arith.constant 0 : index
    %get3A_0 = arith.constant 0 : index
    %get3A_1 = arith.constant 0 : index
    %get3A_2 = vector.load %arg1[%get3A, %get3A_0, %get3A_1] : memref<2x2000x128xf32, #tpu.memory_space<vmem>>, vector<1x2000x128xf32>
    %get3A_3 = vector.shape_cast %get3A_2 : vector<1x2000x128xf32> to vector<2000x128xf32>
    %get3A_4 = arith.constant 1 : index
    %get3A_5 = arith.constant 0 : index
    %get3A_6 = arith.constant 0 : index
    %get3A_7 = vector.load %arg1[%get3A_4, %get3A_5, %get3A_6] : memref<2x2000x128xf32, #tpu.memory_space<vmem>>, vector<1x2000x128xf32>
    %get3A_8 = vector.shape_cast %get3A_7 : vector<1x2000x128xf32> to vector<2000x128xf32>
    %add3A = arith.addf %get3A_3, %get3A_8 : vector<2000x128xf32>
    %gt3A = arith.constant 0.000000e+00 : f32
    %gt3A_9 = vector.broadcast %gt3A : f32 to vector<2000x128xf32>
    %gt3A_10 = arith.cmpf ogt, %add3A, %gt3A_9 : vector<2000x128xf32>
    %rsqrt3A = math.rsqrt %add3A : vector<2000x128xf32>
    %jit3A = arith.constant 0.000000e+00 : f32
    %broadcast_in_dim3A = vector.broadcast %jit3A : f32 to vector<2000x128xf32>
    %select_n3A = arith.select %gt3A_10, %rsqrt3A, %broadcast_in_dim3A : vector<2000x128xi1>, vector<2000x128xf32>
    %get3A_11 = arith.constant 0 : index
    %get3A_12 = arith.constant 0 : index
    %get3A_13 = vector.load %arg2[%get3A_11, %get3A_12] : memref<2000x128xf32, #tpu.memory_space<vmem>>, vector<2000x128xf32>
    %get3A_14 = arith.constant 0 : index
    %get3A_15 = arith.constant 0 : index
    %get3A_16 = vector.load %arg3[%get3A_14, %get3A_15] : memref<128x128xf32, #tpu.memory_space<vmem>>, vector<128x128xf32>
    %dot_general3A = arith.constant dense<0.000000e+00> : vector<2000x128xf32>
    %dot_general3A_17 = tpu.matmul %get3A_13, %get3A_16, %dot_general3A {dimension_numbers = #tpu.dot_dimension_numbers<[1], [1], [0], [0], [0, 0, 1, 0], [], []>, transpose_lhs_hint = false} : vector<2000x128xf32>, vector<128x128xf32>, vector<2000x128xf32> -> vector<2000x128xf32>
    %get3A_18 = arith.constant 0 : index
    %get3A_19 = arith.constant 0 : index
    %get3A_20 = vector.load %arg4[%get3A_18, %get3A_19] : memref<1x128xf32, #tpu.memory_space<vmem>>, vector<1x128xf32>
    %add3A_21 = vector.broadcast %get3A_20 : vector<1x128xf32> to vector<2000x128xf32>
    %add3A_22 = arith.addf %dot_general3A_17, %add3A_21 : vector<2000x128xf32>
    %slice3A = vector.extract_strided_slice %select_n3A {offsets = [0, 0], sizes = [2000, 1], strides = [1, 1]} : vector<2000x128xf32> to vector<2000x1xf32>
    %mul3A = vector.broadcast %slice3A : vector<2000x1xf32> to vector<2000x128xf32>
    %mul3A_23 = arith.mulf %add3A_22, %mul3A : vector<2000x128xf32>
    %swap3A = arith.constant 0 : index
    %swap3A_24 = arith.constant 0 : index
    %swap3A_25 = vector.load %arg5[%swap3A, %swap3A_24] : memref<2000x128xf32, #tpu.memory_space<vmem>>, vector<2000x128xf32>
    tpu.vector_store %arg5[%swap3A, %swap3A_24], %mul3A_23 {strides = array<i32>} : memref<2000x128xf32, #tpu.memory_space<vmem>>, vector<2000x128xf32>,
    %slice3A_26 = vector.extract_strided_slice %select_n3A {offsets = [0, 0], sizes = [2000, 16], strides = [1, 1]} : vector<2000x128xf32> to vector<2000x16xf32>
    %swap3A_27 = arith.constant 0 : index
    %swap3A_28 = arith.constant 0 : index
    %swap3A_29 = vector.load %arg6[%swap3A_27, %swap3A_28] : memref<2000x16xf32, #tpu.memory_space<vmem>>, vector<2000x16xf32>
    tpu.vector_store %arg6[%swap3A_27, %swap3A_28], %slice3A_26 {strides = array<i32>} : memref<2000x16xf32, #tpu.memory_space<vmem>>, vector<2000x16xf32>,
    return
  }
  func.func @transform_0(%arg0: i32) -> (i32, i32, i32) {
    %c0_i32 = arith.constant 0 : i32
    %c0_i32_0 = arith.constant 0 : i32
    %c0_i32_1 = arith.constant 0 : i32
    return %c0_i32, %arg0, %c0_i32_0 : i32, i32, i32
  }
  func.func @transform_1(%arg0: i32) -> (i32, i32) {
    %c0_i32 = arith.constant 0 : i32
    %c0_i32_0 = arith.constant 0 : i32
    return %arg0, %c0_i32 : i32, i32
  }
  func.func @transform_2(%arg0: i32) -> (i32, i32) {
    %c0_i32 = arith.constant 0 : i32
    %c0_i32_0 = arith.constant 0 : i32
    %c0_i32_1 = arith.constant 0 : i32
    return %c0_i32, %c0_i32_0 : i32, i32
  }
  func.func @transform_3(%arg0: i32) -> (i32, i32) {
    %c0_i32 = arith.constant 0 : i32
    %c0_i32_0 = arith.constant 0 : i32
    %c0_i32_1 = arith.constant 0 : i32
    return %c0_i32, %c0_i32_0 : i32, i32
  }
  func.func @transform_4(%arg0: i32) -> (i32, i32) {
    %c0_i32 = arith.constant 0 : i32
    %c0_i32_0 = arith.constant 0 : i32
    return %arg0, %c0_i32 : i32, i32
  }
  func.func @transform_5(%arg0: i32) -> (i32, i32) {
    %c0_i32 = arith.constant 0 : i32
    %c0_i32_0 = arith.constant 0 : i32
    return %arg0, %c0_i32 : i32, i32
  }
}

module attributes {stable_mosaic.version = 14 : i64} {
  func.func @_layer2_body(%arg0: i32, %arg1: memref<2x2000x128xf32, #tpu.memory_space<vmem>>, %arg2: memref<2000x16xf32, #tpu.memory_space<vmem>>, %arg3: memref<128x128xf32, #tpu.memory_space<vmem>>, %arg4: memref<1x128xf32, #tpu.memory_space<vmem>>, %arg5: memref<2000x128xf32, #tpu.memory_space<vmem>>) attributes {dimension_semantics = [#tpu.dimension_semantics<arbitrary>], iteration_bounds = array<i64: 5>, scalar_prefetch = 0 : i64, scratch_operands = 0 : i64, tpu.core_type = #tpu.core_type<tc>, window_params = [{transform_indices = @transform_0, window_bounds = array<i64: 2, 2000, 128>}, {transform_indices = @transform_1, window_bounds = array<i64: 2000, 16>}, {pipeline_mode = #tpu.pipeline_mode<synchronous>, transform_indices = @transform_2, window_bounds = array<i64: 128, 128>}, {pipeline_mode = #tpu.pipeline_mode<synchronous>, transform_indices = @transform_3, window_bounds = array<i64: 1, 128>}, {transform_indices = @transform_4, window_bounds = array<i64: 2000, 128>}]} {
    %get3A = arith.constant 0 : index
    %get3A_0 = arith.constant 0 : index
    %get3A_1 = arith.constant 0 : index
    %get3A_2 = vector.load %arg1[%get3A, %get3A_0, %get3A_1] : memref<2x2000x128xf32, #tpu.memory_space<vmem>>, vector<1x2000x128xf32>
    %get3A_3 = vector.shape_cast %get3A_2 : vector<1x2000x128xf32> to vector<2000x128xf32>
    %get3A_4 = arith.constant 1 : index
    %get3A_5 = arith.constant 0 : index
    %get3A_6 = arith.constant 0 : index
    %get3A_7 = vector.load %arg1[%get3A_4, %get3A_5, %get3A_6] : memref<2x2000x128xf32, #tpu.memory_space<vmem>>, vector<1x2000x128xf32>
    %get3A_8 = vector.shape_cast %get3A_7 : vector<1x2000x128xf32> to vector<2000x128xf32>
    %add3A = arith.addf %get3A_3, %get3A_8 : vector<2000x128xf32>
    %get3A_9 = arith.constant 0 : index
    %get3A_10 = arith.constant 0 : index
    %get3A_11 = vector.load %arg2[%get3A_9, %get3A_10] : memref<2000x16xf32, #tpu.memory_space<vmem>>, vector<2000x16xf32>
    %slice3A = vector.extract_strided_slice %get3A_11 {offsets = [0, 0], sizes = [2000, 1], strides = [1, 1]} : vector<2000x16xf32> to vector<2000x1xf32>
    %mul3A = vector.broadcast %slice3A : vector<2000x1xf32> to vector<2000x128xf32>
    %mul3A_12 = arith.mulf %add3A, %mul3A : vector<2000x128xf32>
    %max3A = arith.constant 0.000000e+00 : f32
    %max3A_13 = vector.broadcast %max3A : f32 to vector<2000x128xf32>
    %max3A_14 = arith.maximumf %mul3A_12, %max3A_13 : vector<2000x128xf32>
    %get3A_15 = arith.constant 0 : index
    %get3A_16 = arith.constant 0 : index
    %get3A_17 = vector.load %arg3[%get3A_15, %get3A_16] : memref<128x128xf32, #tpu.memory_space<vmem>>, vector<128x128xf32>
    %dot_general3A = arith.constant dense<0.000000e+00> : vector<2000x128xf32>
    %dot_general3A_18 = tpu.matmul %max3A_14, %get3A_17, %dot_general3A {dimension_numbers = #tpu.dot_dimension_numbers<[1], [1], [0], [0], [0, 0, 1, 0], [], []>, transpose_lhs_hint = false} : vector<2000x128xf32>, vector<128x128xf32>, vector<2000x128xf32> -> vector<2000x128xf32>
    %get3A_19 = arith.constant 0 : index
    %get3A_20 = arith.constant 0 : index
    %get3A_21 = vector.load %arg4[%get3A_19, %get3A_20] : memref<1x128xf32, #tpu.memory_space<vmem>>, vector<1x128xf32>
    %add3A_22 = vector.broadcast %get3A_21 : vector<1x128xf32> to vector<2000x128xf32>
    %add3A_23 = arith.addf %dot_general3A_18, %add3A_22 : vector<2000x128xf32>
    %get3A_24 = arith.constant 0 : index
    %get3A_25 = arith.constant 0 : index
    %get3A_26 = vector.load %arg2[%get3A_24, %get3A_25] : memref<2000x16xf32, #tpu.memory_space<vmem>>, vector<2000x16xf32>
    %slice3A_27 = vector.extract_strided_slice %get3A_26 {offsets = [0, 0], sizes = [2000, 1], strides = [1, 1]} : vector<2000x16xf32> to vector<2000x1xf32>
    %mul3A_28 = vector.broadcast %slice3A_27 : vector<2000x1xf32> to vector<2000x128xf32>
    %mul3A_29 = arith.mulf %add3A_23, %mul3A_28 : vector<2000x128xf32>
    %swap3A = arith.constant 0 : index
    %swap3A_30 = arith.constant 0 : index
    %swap3A_31 = vector.load %arg5[%swap3A, %swap3A_30] : memref<2000x128xf32, #tpu.memory_space<vmem>>, vector<2000x128xf32>
    tpu.vector_store %arg5[%swap3A, %swap3A_30], %mul3A_29 {strides = array<i32>} : memref<2000x128xf32, #tpu.memory_space<vmem>>, vector<2000x128xf32>,
    return
  }
  func.func @transform_0(%arg0: i32) -> (i32, i32, i32) {
    %c0_i32 = arith.constant 0 : i32
    %c0_i32_0 = arith.constant 0 : i32
    %c0_i32_1 = arith.constant 0 : i32
    return %c0_i32, %arg0, %c0_i32_0 : i32, i32, i32
  }
  func.func @transform_1(%arg0: i32) -> (i32, i32) {
    %c0_i32 = arith.constant 0 : i32
    %c0_i32_0 = arith.constant 0 : i32
    return %arg0, %c0_i32 : i32, i32
  }
  func.func @transform_2(%arg0: i32) -> (i32, i32) {
    %c0_i32 = arith.constant 0 : i32
    %c0_i32_0 = arith.constant 0 : i32
    %c0_i32_1 = arith.constant 0 : i32
    return %c0_i32, %c0_i32_0 : i32, i32
  }
  func.func @transform_3(%arg0: i32) -> (i32, i32) {
    %c0_i32 = arith.constant 0 : i32
    %c0_i32_0 = arith.constant 0 : i32
    %c0_i32_1 = arith.constant 0 : i32
    return %c0_i32, %c0_i32_0 : i32, i32
  }
  func.func @transform_4(%arg0: i32) -> (i32, i32) {
    %c0_i32 = arith.constant 0 : i32
    %c0_i32_0 = arith.constant 0 : i32
    return %arg0, %c0_i32 : i32, i32
  }
}

module attributes {stable_mosaic.version = 14 : i64} {
  func.func @_finish_body(%arg0: i32, %arg1: memref<2x2000x128xf32, #tpu.memory_space<vmem>>, %arg2: memref<2000x16xf32, #tpu.memory_space<vmem>>, %arg3: memref<2000x128xf32, #tpu.memory_space<vmem>>) attributes {dimension_semantics = [#tpu.dimension_semantics<arbitrary>], iteration_bounds = array<i64: 5>, scalar_prefetch = 0 : i64, scratch_operands = 0 : i64, tpu.core_type = #tpu.core_type<tc>, window_params = [{transform_indices = @transform_0, window_bounds = array<i64: 2, 2000, 128>}, {transform_indices = @transform_1, window_bounds = array<i64: 2000, 16>}, {transform_indices = @transform_2, window_bounds = array<i64: 2000, 128>}]} {
    %get3A = arith.constant 0 : index
    %get3A_0 = arith.constant 0 : index
    %get3A_1 = arith.constant 0 : index
    %get3A_2 = vector.load %arg1[%get3A, %get3A_0, %get3A_1] : memref<2x2000x128xf32, #tpu.memory_space<vmem>>, vector<1x2000x128xf32>
    %get3A_3 = vector.shape_cast %get3A_2 : vector<1x2000x128xf32> to vector<2000x128xf32>
    %get3A_4 = arith.constant 1 : index
    %get3A_5 = arith.constant 0 : index
    %get3A_6 = arith.constant 0 : index
    %get3A_7 = vector.load %arg1[%get3A_4, %get3A_5, %get3A_6] : memref<2x2000x128xf32, #tpu.memory_space<vmem>>, vector<1x2000x128xf32>
    %get3A_8 = vector.shape_cast %get3A_7 : vector<1x2000x128xf32> to vector<2000x128xf32>
    %add3A = arith.addf %get3A_3, %get3A_8 : vector<2000x128xf32>
    %get3A_9 = arith.constant 0 : index
    %get3A_10 = arith.constant 0 : index
    %get3A_11 = vector.load %arg2[%get3A_9, %get3A_10] : memref<2000x16xf32, #tpu.memory_space<vmem>>, vector<2000x16xf32>
    %slice3A = vector.extract_strided_slice %get3A_11 {offsets = [0, 0], sizes = [2000, 1], strides = [1, 1]} : vector<2000x16xf32> to vector<2000x1xf32>
    %mul3A = vector.broadcast %slice3A : vector<2000x1xf32> to vector<2000x128xf32>
    %mul3A_12 = arith.mulf %add3A, %mul3A : vector<2000x128xf32>
    %swap3A = arith.constant 0 : index
    %swap3A_13 = arith.constant 0 : index
    %swap3A_14 = vector.load %arg3[%swap3A, %swap3A_13] : memref<2000x128xf32, #tpu.memory_space<vmem>>, vector<2000x128xf32>
    tpu.vector_store %arg3[%swap3A, %swap3A_13], %mul3A_12 {strides = array<i32>} : memref<2000x128xf32, #tpu.memory_space<vmem>>, vector<2000x128xf32>,
    return
  }
  func.func @transform_0(%arg0: i32) -> (i32, i32, i32) {
    %c0_i32 = arith.constant 0 : i32
    %c0_i32_0 = arith.constant 0 : i32
    %c0_i32_1 = arith.constant 0 : i32
    return %c0_i32, %arg0, %c0_i32_0 : i32, i32, i32
  }
  func.func @transform_1(%arg0: i32) -> (i32, i32) {
    %c0_i32 = arith.constant 0 : i32
    %c0_i32_0 = arith.constant 0 : i32
    return %arg0, %c0_i32 : i32, i32
  }
  func.func @transform_2(%arg0: i32) -> (i32, i32) {
    %c0_i32 = arith.constant 0 : i32
    %c0_i32_0 = arith.constant 0 : i32
    return %arg0, %c0_i32 : i32, i32
  }
}

</mosaic_0001>

<sc_bundles>
// kernel: kernel.11.cloned.1.call-start
scs
__scs_entry_jumppad:
0x0: {  	(pc) =	sbr.rel $0x88, $3  }
0x1: {  	(tag) =	ssettag $0x0;
	lr =	simm.s32 $0x1  }
0x2: {  	[smem:$0x3F9B] =	sst lr;
	_ =	strace $0xD0000000  }
0x3: {  	_ = 	snop  }
0x4: {  	_ = 	snop  }
0x5: {  	_ = 	snop  }
0x6: {  	_ = 	snop  }
0x7: {  	_ = 	snop  }
__scs_overlays_trampoline_lowered:
0x8: {  	[smem:$0x3FAA] =	sst s0  }
0x9: {  	[smem:$0x3FAB] =	sst s1  }
0xa: {  	[smem:$0x3FAC] =	sst s2  }
0xb: {  	[smem:$0x3FAD] =	sst s3  }
0xc: {  	[smem:$0x3FAE] =	sst s4  }
0xd: {  	[smem:$0x3FAF] =	sst s5  }
0xe: {  	[smem:$0x3FB0] =	sst s6  }
0xf: {  	[smem:$0x3FB1] =	sst s7  }
0x10: {  	[smem:$0x3FB2] =	sst s8  }
0x11: {  	[smem:$0x3FB3] =	sst s9;
	s0 =	simm.s32 @!p0 $0x0  }
0x12: {  	s1 =	sld [smem:$0x3F99];
	s0 =	simm.s32 @p0 $0x1  }
0x13: {  	[smem:$0x3FB4] =	sst s0;
	s0 =	simm.s32 @!p1 $0x0  }
0x14: {  	s2 =	sld [smem:$0x3F98];
	s0 =	simm.s32 @p1 $0x1  }
0x15: {  	[smem:$0x3FB5] =	sst s0;
	s0 =	simm.s32 @!p2 $0x0  }
0x16: {  	s3 =	sld [smem:$0x3FDB];
	s0 =	simm.s32 @p2 $0x1  }
0x17: {  	s4 =	simm.s32 $0x1BF5;
	[smem:$0x3FB7] =	sst s0  }
0x18: {  	s0 =	sld [smem:$0x3F9A];
	_ =	swait.ge [sflag:s4], $0x0  }
0x19: {  	s7 =	sld [smem:$0x3F9B]  }
0x1a: {  	s8 =	sadd.s32 $0xFFFFE003, lr  }
0x1b: {  	s9 =	sadd.s32 $0xFFFFFEF7, lr;
	s5 =	simm.s32 $0xFFFFFFFF;
	p2 =	slt.u32 s8, $0xFFFFF086  }
0x1c: {  	p1 =	slt.u32 s9, $0xF7A;
	s5 =	simm.s32 @!p2 $0x0  }
0x1d: {  	s5 =	simm.s32 @p1 $0x1;
	p0 =	seq.s32 s7, s2  }
0x1e: {  	s7 =	smul.u32 @!p0 $0xF7A, s2;
	p2 =	seq.s32 @!p0 s5, $0x0  }
0x1f: {  	s9 =	smul.u32 $0xF7A, s1;
	s8 =	simm.s32 @!p0 $0x1BF5;
	p2 =	por !p2, p0  }
0x20: {  	[sflag:s8] =	ssyncset.s32 @!p0 $0xFFFFF086;
	s6 =	sadd.s32 @!p0 s3, s7;
	s7 =	simm.s32 @!p0 $0x108  }
0x21: {  	s3 =	sadd.s32 s3, s9;
	s6 =	sadd.s32 @!p0 $0x88, s6;
	s7 =	simm.s32 @p2 $0x1082  }
0x22: {  	[simem:s7], [sflag:s8] =	dma.local @!p0 [hbm:s6], $0xF7A  }
0x23: {  	s9 =	sor.u32 $0xD0000000, s2;
	s6 =	simm.s32 $0x108;
	_ =	swait.ge @!p0 [sflag:s8], $0x0  }
0x24: {  	s3 =	sadd.s32 $0x88, s3;
	s6 =	simm.s32 @!p1 $0x1082;
	[sflag:s4] =	ssyncset.s32 $0xFFFFF086  }
0x25: {  	[simem:s6], [sflag:s4] =	dma.local [hbm:s3], $0xF7A  }
0x26: {  	[smem:$0x3F9B] =	sst s1;
	(tag) =	ssettag s2;
	_ =	strace s9  }
0x27: {  	s1 =	sld [smem:$0x3FAB]  }
0x28: {  	s2 =	sld [smem:$0x3FAC]  }
0x29: {  	s4 =	sld [smem:$0x3FAE]  }
0x2a: {  	p0 =	seq.s32 s5, $0x0;
	s5 =	sld [smem:$0x3FAF]  }
0x2b: {  	s6 =	sld [smem:$0x3FB0]  }
0x2c: {  	s7 =	sld [smem:$0x3FB1]  }
0x2d: {  	s3 =	simm.s32 $0x108;
	s8 =	sld [smem:$0x3FB2]  }
0x2e: {  	s3 =	simm.s32 @!p0 $0x1082;
	s9 =	sld [smem:$0x3FB3]  }
0x2f: {  	lr =	sadd.s32 s0, s3;
	s0 =	sld [smem:$0x3FAA]  }
0x30: {  	s3 =	sld [smem:$0x3FAD]  }
0x31: {  	[smem:$0x3FB6] =	sst s10  }
0x32: {  	s10 =	sld [smem:$0x3FB4];
	_ =	sdelay $0x3  }
0x33: {  	p0 =	seq.s32 s10, $0x1;
	s10 =	sld [smem:$0x3FB6];
	_ =	sdelay $0x3  }
0x34: {  	[smem:$0x3FB6] =	sst s10  }
0x35: {  	s10 =	sld [smem:$0x3FB5];
	_ =	sdelay $0x3  }
0x36: {  	p1 =	seq.s32 s10, $0x1;
	s10 =	sld [smem:$0x3FB6];
	_ =	sdelay $0x3  }
0x37: {  	[smem:$0x3FB6] =	sst s10  }
0x38: {  	s10 =	sld [smem:$0x3FB7]  }
0x39: {  	_ = 	snop;
	(pc) =	sbr.ind lr, $3  }
0x3a: {  	_ = 	snop  }
0x3b: {  	_ = 	snop  }
0x3c: {  	p2 =	seq.s32 s10, $0x1;
	s10 =	sld [smem:$0x3FB6]  }
0x3d: {  	_ =	shalt  }
0x3e: {  	_ =	shalt  }
0x3f: {  	_ =	shalt  }
0x40: {  	_ =	shalt  }
0x41: {  	_ =	shalt  }
0x42: {  	_ =	shalt  }
0x43: {  	_ =	shalt  }
0x44: {  	_ =	shalt  }
0x45: {  	_ =	shalt  }
0x46: {  	_ =	shalt  }
0x47: {  	_ =	shalt  }
0x48: {  	_ =	shalt  }
0x49: {  	_ =	shalt  }
0x4a: {  	_ =	shalt  }
0x4b: {  	_ =	shalt  }
0x4c: {  	_ =	shalt  }
0x4d: {  	_ =	shalt  }
0x4e: {  	_ =	shalt  }
0x4f: {  	_ =	shalt  }
0x50: {  	_ =	shalt  }
0x51: {  	_ =	shalt  }
0x52: {  	_ =	shalt  }
0x53: {  	_ =	shalt  }
0x54: {  	_ =	shalt  }
0x55: {  	_ =	shalt  }
0x56: {  	_ =	shalt  }
0x57: {  	_ =	shalt  }
0x58: {  	_ =	shalt  }
0x59: {  	_ =	shalt  }
0x5a: {  	_ =	shalt  }
0x5b: {  	_ =	shalt  }
0x5c: {  	_ =	shalt  }
0x5d: {  	_ =	shalt  }
0x5e: {  	_ =	shalt  }
0x5f: {  	_ =	shalt  }
0x60: {  	_ =	shalt  }
0x61: {  	_ =	shalt  }
0x62: {  	_ =	shalt  }
0x63: {  	_ =	shalt  }
0x64: {  	_ =	shalt  }
0x65: {  	_ =	shalt  }
0x66: {  	_ =	shalt  }
0x67: {  	_ =	shalt  }
0x68: {  	_ =	shalt  }
0x69: {  	_ =	shalt  }
0x6a: {  	_ =	shalt  }
0x6b: {  	_ =	shalt  }
0x6c: {  	_ =	shalt  }
0x6d: {  	_ =	shalt  }
0x6e: {  	_ =	shalt  }
0x6f: {  	_ =	shalt  }
0x70: {  	_ =	shalt  }
0x71: {  	_ =	shalt  }
0x72: {  	_ =	shalt  }
0x73: {  	_ =	shalt  }
0x74: {  	_ =	shalt  }
0x75: {  	_ =	shalt  }
0x76: {  	_ =	shalt  }
0x77: {  	_ =	shalt  }
0x78: {  	_ =	shalt  }
0x79: {  	_ =	shalt  }
0x7a: {  	_ =	shalt  }
0x7b: {  	_ =	shalt  }
0x7c: {  	_ =	shalt  }
0x7d: {  	_ =	shalt  }
0x7e: {  	_ =	shalt  }
0x7f: {  	_ =	shalt  }
0x80: {  	_ =	shalt  }
0x81: {  	_ =	shalt  }
0x82: {  	_ =	shalt  }
0x83: {  	_ =	shalt  }
0x84: {  	_ =	shalt  }
0x85: {  	_ =	shalt  }
0x86: {  	_ =	shalt  }
0x87: {  	_ =	shalt  }
.Lfunc_end0:
.L_simem_size_0:
called_computation.1_lowered:
.L_overlay_start_0:
0x88: {  	s2 =	sld [smem:$0x3FD9]  }
0x89: {  	s3 =	sld [smem:$0x3FFE];
	_ =	sdelay $0x1  }
0x8a: {  	s1 =	srdreg.scid  }
0x8b: {  	s0 =	sand.u32 $0x1, s1  }
0x8c: {  	s17 =	sshll.u32 s0, $0xA;
	s2 =	sadd.s32 s3, s2  }
0x8d: {  	s2 =	sadd.s32 s2, s17  }
0x8e: {  	[smem:$0x3FC2] =	sst s2  }
0x8f: {  	_ = 	snop  }
0x90: {  	s2 =	sld [smem:$0x3FD0];
	(tm) =	ssettm $0x1  }
0x91: {  	s18 =	sld [smem:$0x3FFB];
	_ =	sdelay $0x3  }
0x92: {  	_ =	strace s18  }
0x93: {  	s3 =	sld [smem:$0x3FFC];
	_ =	sdelay $0x3  }
0x94: {  	_ =	strace s3  }
0x95: {  	s3 =	sld [smem:$0x3FFD];
	_ =	sdelay $0x3  }
0x96: {  	_ =	strace s3  }
0x97: {  	_ =	strace $0x8FFFFFFF  }
0x98: {  	s19 =	sld [smem:$0x3FDB];
	_ =	sdelay $0x1  }
0x99: {  	s4 =	simm.s32 $_scs_section_size  }
0x9a: {  	s5 =	simm.s32 $_size__tile_overlayer_lowered;
	s6 =	simm.s32 $_tile_overlayer_lowered  }
0x9b: {  	s22 =	simm.s32 $0x1BFF;
	s21 =	sshll.u32 s6, $0x1;
	s3 =	sadd.s32 s4, s19  }
0x9c: {  	s7 =	simm.s32 $0x0;
	s20 =	sshll.u32 s5, $0x1;
	s5 =	sadd.s32 s21, s3  }
0x9d: {  	[timem:s7], [sflag:s22] =	dma.local [hbm:s5], s20  }
0x9e: {  	_ =	swait.ge [sflag:s22], s20  }
0x9f: {  	s4 =	ssub.s32 $0x0, s20;
	[sflag:s22] =	ssyncset.done $0x0  }
0xa0: {  	[sflag:s22] =	ssyncadd.s32 s4;
	_ =	sdelay $0x1  }
0xa1: {  	s23 =	simm.s32 $0x1B8B  }
0xa2: {  	_ =	swait.ge [sflag:s23], $0x1  }
0xa3: {  	[sflag:s23] =	ssyncset.done $0x0  }
0xa4: {  	s25 =	simm.s32 $0x1B8E;
	s24 =	sld [smem:$0x3FFE];
	[sflag:s23] =	ssyncadd.s32 $0xFFFFFFFF  }
0xa5: {  	s26 =	simm.s32 $execute0_lowered;
	[smem:$0x3FD2] =	sst s25  }
0xa6: {  	s5 =	sshll.u32 s26, $0x1;
	_ =	strace $0x80000049;
	[dreg:$0x1] =	wrdreg $0xFFFFFFFF  }
0xa7: {  	s28 =	simm.s32 $_size_execute0_lowered;
	s3 =	sadd.s32 s3, s5;
	[dreg:$0x0] =	wrdreg $0x0  }
0xa8: {  	s5 =	sshll.u32 s28, $0x1;
	[dreg:$0x2] =	wrdreg s3  }
0xa9: {  	[dreg:$0x3] =	wrdreg s5  }
0xaa: {  	[dreg:$0x4] =	wrdreg $0xC0  }
0xab: {  	_ =	task [dreg:s7], $0x5FFFF  }
0xac: {  	[dreg:$0x1] =	wrdreg $0xFFFFFFFF  }
0xad: {  	[dreg:$0x0] =	wrdreg $0x60  }
0xae: {  	[dreg:$0x2] =	wrdreg s2  }
0xaf: {  	[dreg:$0x3] =	wrdreg s24  }
0xb0: {  	[dreg:$0x4] =	wrdreg $0xC4000  }
0xb1: {  	[dreg:$0x5] =	wrdreg $0x9  }
0xb2: {  	_ =	task.clear_ibuf [dreg:s7], $0x6FFFF;
	_ =	strace $0x90000049  }
0xb3: {  	s29 =	simm.s32 $0x9;
	_ =	strace $0x8000004B  }
0xb4: {  	_ =	swait.ge [sflag:s29], $0x1  }
0xb5: {  	[sflag:s29] =	ssyncadd.s32 $0xFFFFFFFF  }
0xb6: {  	_ =	strace $0x9000004B  }
0xb7: {  	_ =	sfence  }
0xb8: {  	s30 =	sld [smem:$0x0];
	_ =	sdelay $0x2  }
0xb9: {  	s31 =	sshll.u32 s1, $0xD;
	s1 =	sshrl.u32 s1, $0x2  }
0xba: {  	s3 =	sand.u32 $0x4000, s31;
	s1 =	sadd.s32 s1, s30  }
0xbb: {  	s0 =	sor.u32 s3, s0;
	s1 =	sshll.u32 s1, $0x11  }
0xbc: {  	s0 =	sor.u32 s1, s0  }
0xbd: {  	s0 =	sadd.s32 $0x8F2B, s0  }
0xbe: {  	[sflag:s0] =	ssyncadd.remote.s32 $0x1  }
0xbf: {  	_ =	sfence.sel $0xFFFF  }
0xc0: {  	[dreg:$0x0] =	wrdreg $0xFFFFFFFF;
	(pc) =	sbr.abs _section_cstart, $3  }
0xc1: {  	[dreg:$0x1] =	wrdreg $0xFFFFFFFF  }
0xc2: {  	_ =	task.clear_ibuf [dreg:s7], $0x2FFFF;
	_ =	strace $0x9FFFFFFF  }
0xc3: {  	(tm) =	ssettm $0x7FFFFFFF  }
tec
execute0_lowered:
.L_overlay_start_1:
0x0: {  	(tag) =	ssettag $0x1  }
0x1: {  	s2 =	rddreg [dreg:$0x0]  }
0x2: {  	s0 =	rddreg [dreg:$0x1]  }
0x3: {  	s3 =	rddreg [dreg:$0x2]  }
0x4: {  	s13 =	stileid.u32;
	s1 =	srdreg.scid;
	s4 =	simm.s32 $0x0  }
0x5: {  	s28 =	simm.s32 $0x400;
	s29 =	simm.s32 $0x80;
	s30 =	simm.s32 $0x280  }
0x6: {  	s31 =	simm.s32 $0x3400;
	s5 =	smul.u32 $0x13C00, s13;
	s1 =	sand.u32 $0x1, s1  }
0x7: {  	[smem:$0x7FF] =	sst s4;
	s8 =	sadd.s32 $0xC000, s0;
	s11 =	smul.u32 $0x4F000, s13  }
0x8: {  	s9 =	sadd.s32 $0x2000, s0;
	s21 =	sshll.u32 s13, $0x6;
	s6 =	smul.u32 $0x13C000, s1  }
0x9: {  	_ =	strace $0x8000004A;
	s16 =	sshll.u32 s1, $0x4;
	s10 =	ssub.s32 $0x2, s1  }
0xa: {  	s1 =	smul.u32 $0x4EC0, s1;
	s7 =	sshrl.u32 s5, $0x3;
	s17 =	sshrl.u32 s10, $0x1  }
0xb: {  	s18 =	sshrl.u32 s11, $0x2;
	s5 =	sadd.s32 s5, s6;
	s15 =	sadd.s32 s7, s0  }
0xc: {  	s7 =	sor.u32 s13, s16;
	s20 =	sadd.s32 s18, s3;
	s16 =	smul.u32 $0x4EC, s13  }
0xd: {  	s18 =	sadd.s32 s1, s8;
	s13 =	simm.s32 $0x5;
	s12 =	smul.u32 $0x4EC, s7  }
0xe: {  	s5 =	sshrl.u32 s5, $0x3;
	s19 =	smul.u32 $0x2760, s7;
	[dreg:$0x6] =	wrdreg s20  }
0xf: {  	s6 =	sadd.s32 $0x16000, s15;
	s7 =	sor.u32 $0x1C09, s21;
	s21 =	sadd.s32 s1, s9  }
0x10: {  	s0 =	sadd.s32 s5, s0;
	[dreg:$0x7] =	wrdreg s6;
	s20 =	sadd.s32 s16, s18  }
0x11: {  	s5 =	ssub.s32 s10, s17;
	s22 =	sadd.s32 s8, s12;
	[dreg:$0x4] =	wrdreg s20  }
0x12: {  	s18 =	simm.s32 $0x0;
	s24 =	sadd.s32 s9, s12;
	[dreg:$0x8] =	wrdreg s22  }
0x13: {  	s23 =	sshrl.u32 s19, $0x3;
	s0 =	sadd.s32 $0x3D800, s0;
	[dreg:$0x9] =	wrdreg s24  }
0x14: {  	s17 =	sadd.s32 $0x4C8, s12;
	s5 =	smax.u32 s5, $0x1;
	[dreg:$0x10] =	wrdreg s0  }
0x15: {  	s25 =	sadd.s32 $0xC, s23;
	s19 =	sadd.s32 s8, s17;
	[dreg:$0x12] =	wrdreg s5  }
0x16: {  	s11 =	sadd.s32 $0x18, s23;
	s0 =	sadd.s32 s9, s17;
	[dreg:$0x11] =	wrdreg s19  }
0x17: {  	s6 =	sadd.s32 $0x24, s23;
	s14 =	sadd.s32 s8, s25;
	[dreg:$0x13] =	wrdreg s0  }
0x18: {  	s22 =	sadd.s32 $0x4D4, s12;
	s10 =	sadd.s32 s9, s25;
	[dreg:$0xa] =	wrdreg s14  }
0x19: {  	s23 =	sadd.s32 $0x4E0, s12;
	s26 =	sadd.s32 s8, s11;
	[dreg:$0xb] =	wrdreg s10  }
0x1a: {  	s5 =	simm.s32 $0x300;
	s15 =	sadd.s32 s8, s6;
	[dreg:$0xc] =	wrdreg s26  }
0x1b: {  	s12 =	simm.s32 $0x3;
	s6 =	sadd.s32 s9, s6;
	[dreg:$0xe] =	wrdreg s15  }
0x1c: {  	s17 =	simm.s32 $0x8;
	s24 =	sadd.s32 s8, s22;
	[dreg:$0xf] =	wrdreg s6  }
0x1d: {  	s0 =	sadd.s32 s16, s21;
	s1 =	sadd.s32 s9, s22;
	[dreg:$0x14] =	wrdreg s24  }
0x1e: {  	s25 =	sadd.s32 s8, s23;
	s8 =	simm.s32 $0x2;
	[dreg:$0x15] =	wrdreg s1  }
0x1f: {  	s16 =	simm.s32 $0x7;
	s14 =	sadd.s32 s9, s11;
	[dreg:$0x16] =	wrdreg s25  }
0x20: {  	s26 =	sadd.s32 s9, s23;
	[dreg:$0x5] =	wrdreg s0;
	s24 =	simm.s32 $0x9  }
0x21: {  	s25 =	simm.s32 $0x200;
	s0 =	simm.s32 $0x1;
	s1 =	simm.s32 $0x100  }
0x22: {  	s6 =	simm.s32 $0x6400;
	s9 =	simm.s32 $0x180;
	s10 =	simm.s32 $0x380  }
0x23: {  	s11 =	simm.s32 $0x9400;
	s15 =	simm.s32 $0x6;
	[dreg:$0xd] =	wrdreg s14  }
0x24: {  	[dreg:$0x17] =	wrdreg s26;
	s26 =	simm.s32 $0x60;
	s14 =	simm.s32 $0x4  }
.LBB2_1:
0x25: {  	s19 =	rddreg [dreg:$0x6]  }
0x26: {  	s20 =	rddreg [dreg:$0x7];
	s19 =	sshrl.u32 s19, $0x3  }
0x27: {  	[spmem:s19], [sflag:s7] =	dma.local [hbm:s20], $0x2780  }
0x28: {  	_ =	swait.ge [sflag:s24], $0x2780  }
0x29: {  	[sflag:s24] =	ssyncset.done $0x0  }
0x2a: {  	[sflag:s24] =	ssyncadd.s32 $0xFFFFD880  }
0x2b: {  	[bflag:$0x0] =	sbarrier.arrive $0xFFFF  }
0x2c: {  	s22 =	rddreg [dreg:$0x8]  }
0x2d: {  	[tilespmem:s4], [sflag:$0x9] =	stream.linear.gather [hbm4b:s22+s4], $0x60, $0x38;
	v63 =	vld [tilespmem:$0x0]  }
0x2e: {  	_ =	swait.ge [sflag:s24], $0x60  }
0x2f: {  	[sflag:s24] =	ssyncset.done $0x0  }
0x30: {  	s23 =	rddreg [dreg:$0x9];
	[sflag:s24] =	ssyncadd.s32 $0xFFFFFFA0  }
0x31: {  	[tilespmem:s25], [sflag:$0x9] =	stream.linear.gather [hbm4b:s23+s4], $0x60, $0x38;
	v63 =	vld [tilespmem:$0x0]  }
0x32: {  	_ =	swait.ge [sflag:s24], $0x60  }
0x33: {  	[sflag:s24] =	ssyncset.done $0x0  }
0x34: {  	[sflag:s24] =	ssyncadd.s32 $0xFFFFFFA0  }
0x35: {  	[tilespmem:s28], [sflag:$0x1] =	stream.indirect.gather [hbm4b:s2+s26], $0x80, s4, s26, $0xb8;
	v63 =	vld [tilespmem:$0x0]  }
0x36: {  	s21 =	rddreg [dreg:$0xa]  }
0x37: {  	[tilespmem:s29], [sflag:$0x9] =	stream.linear.gather [hbm4b:s21+s4], $0x60, $0x38;
	v63 =	vld [tilespmem:$0x0]  }
0x38: {  	_ =	swait.ge [sflag:s24], $0x60  }
0x39: {  	[sflag:s24] =	ssyncset.done $0x0  }
0x3a: {  	s22 =	rddreg [dreg:$0xb];
	[sflag:s24] =	ssyncadd.s32 $0xFFFFFFA0  }
0x3b: {  	[tilespmem:s30], [sflag:$0x9] =	stream.linear.gather [hbm4b:s22+s4], $0x60, $0x38;
	v63 =	vld [tilespmem:$0x0]  }
0x3c: {  	_ =	swait.ge [sflag:s24], $0x60  }
0x3d: {  	[sflag:s24] =	ssyncset.done $0x0  }
0x3e: {  	[sflag:s24] =	ssyncadd.s32 $0xFFFFFFA0  }
0x3f: {  	[tilespmem:s31], [sflag:$0x2] =	stream.indirect.gather [hbm4b:s2+s26], $0x80, s29, s26, $0xb8;
	v63 =	vld [tilespmem:$0x0]  }
0x40: {  	_ =	swait.ge [sflag:s0], $0x3000  }
0x41: {  	[sflag:s0] =	ssyncset.done $0x0  }
0x42: {  	[sflag:s0] =	ssyncadd.s32 $0xFFFFD000  }
0x43: {  	[spmem:s3] =	stream.indirect.scatter.add.f32 [tilespmem:s28], [sflag:$0x5], $0x80, s25, s26, $0xb8;
	v63 =	vld [tilespmem:$0x0]  }
0x44: {  	s23 =	rddreg [dreg:$0xc]  }
0x45: {  	[tilespmem:s1], [sflag:$0x9] =	stream.linear.gather [hbm4b:s23+s4], $0x60, $0x38;
	v63 =	vld [tilespmem:$0x0]  }
0x46: {  	_ =	swait.ge [sflag:s24], $0x60  }
0x47: {  	[sflag:s24] =	ssyncset.done $0x0  }
0x48: {  	s21 =	rddreg [dreg:$0xd];
	[sflag:s24] =	ssyncadd.s32 $0xFFFFFFA0  }
0x49: {  	[tilespmem:s5], [sflag:$0x9] =	stream.linear.gather [hbm4b:s21+s4], $0x60, $0x38;
	v63 =	vld [tilespmem:$0x0]  }
0x4a: {  	_ =	swait.ge [sflag:s24], $0x60  }
0x4b: {  	[sflag:s24] =	ssyncset.done $0x0  }
0x4c: {  	[sflag:s24] =	ssyncadd.s32 $0xFFFFFFA0  }
0x4d: {  	[tilespmem:s6], [sflag:$0x3] =	stream.indirect.gather [hbm4b:s2+s26], $0x80, s1, s26, $0xb8;
	v63 =	vld [tilespmem:$0x0]  }
0x4e: {  	_ =	swait.ge [sflag:s8], $0x3000  }
0x4f: {  	[sflag:s8] =	ssyncset.done $0x0  }
0x50: {  	[sflag:s8] =	ssyncadd.s32 $0xFFFFD000  }
0x51: {  	[spmem:s3] =	stream.indirect.scatter.add.f32 [tilespmem:s31], [sflag:$0x6], $0x80, s30, s26, $0xb8;
	v63 =	vld [tilespmem:$0x0]  }
0x52: {  	s22 =	rddreg [dreg:$0xe]  }
0x53: {  	[tilespmem:s9], [sflag:$0x9] =	stream.linear.gather [hbm4b:s22+s4], $0x60, $0x38;
	v63 =	vld [tilespmem:$0x0]  }
0x54: {  	_ =	swait.ge [sflag:s24], $0x60  }
0x55: {  	[sflag:s24] =	ssyncset.done $0x0  }
0x56: {  	s23 =	rddreg [dreg:$0xf];
	[sflag:s24] =	ssyncadd.s32 $0xFFFFFFA0  }
0x57: {  	[tilespmem:s10], [sflag:$0x9] =	stream.linear.gather [hbm4b:s23+s4], $0x60, $0x38;
	v63 =	vld [tilespmem:$0x0]  }
0x58: {  	_ =	swait.ge [sflag:s24], $0x60  }
0x59: {  	[sflag:s24] =	ssyncset.done $0x0  }
0x5a: {  	[sflag:s24] =	ssyncadd.s32 $0xFFFFFFA0  }
0x5b: {  	[tilespmem:s11], [sflag:$0x4] =	stream.indirect.gather [hbm4b:s2+s26], $0x80, s9, s26, $0xb8;
	v63 =	vld [tilespmem:$0x0]  }
0x5c: {  	_ =	swait.ge [sflag:s12], $0x3000  }
0x5d: {  	[sflag:s12] =	ssyncset.done $0x0  }
0x5e: {  	[sflag:s12] =	ssyncadd.s32 $0xFFFFD000  }
0x5f: {  	_ =	swait.ge [sflag:s13], $0x3000  }
0x60: {  	[sflag:s13] =	ssyncset.done $0x0;
	s21 =	rddreg [dreg:$0x4]  }
0x61: {  	[sflag:s13] =	ssyncadd.s32 $0xFFFFD000;
	s20 =	sadd.s32 $0x0, s21  }
0x62: {  	[spmem:s3] =	stream.indirect.scatter.add.f32 [tilespmem:s6], [sflag:$0x7], $0x80, s5, s26, $0xb8;
	v63 =	vld [tilespmem:$0x0]  }
0x63: {  	s21 =	sadd.s32 $0x30, s20  }
0x64: {  	[tilespmem:s4], [sflag:$0x9] =	stream.linear.gather [hbm4b:s21+s4], $0x60, $0x38;
	v63 =	vld [tilespmem:$0x0]  }
0x65: {  	_ =	swait.ge [sflag:s24], $0x60  }
0x66: {  	s22 =	rddreg [dreg:$0x5]  }
0x67: {  	[sflag:s24] =	ssyncset.done $0x0;
	s21 =	sadd.s32 $0x0, s22  }
0x68: {  	[sflag:s24] =	ssyncadd.s32 $0xFFFFFFA0;
	s22 =	sadd.s32 $0x30, s21  }
0x69: {  	[tilespmem:s25], [sflag:$0x9] =	stream.linear.gather [hbm4b:s22+s4], $0x60, $0x38;
	v63 =	vld [tilespmem:$0x0]  }
0x6a: {  	_ =	swait.ge [sflag:s24], $0x60  }
0x6b: {  	[sflag:s24] =	ssyncset.done $0x0  }
0x6c: {  	[sflag:s24] =	ssyncadd.s32 $0xFFFFFFA0  }
0x6d: {  	[tilespmem:s28], [sflag:$0x1] =	stream.indirect.gather [hbm4b:s2+s26], $0x80, s4, s26, $0xb8;
	v63 =	vld [tilespmem:$0x0]  }
0x6e: {  	_ =	swait.ge [sflag:s14], $0x3000  }
0x6f: {  	[sflag:s14] =	ssyncset.done $0x0  }
0x70: {  	[sflag:s14] =	ssyncadd.s32 $0xFFFFD000  }
0x71: {  	_ =	swait.ge [sflag:s15], $0x3000  }
0x72: {  	[sflag:s15] =	ssyncset.done $0x0  }
0x73: {  	[sflag:s15] =	ssyncadd.s32 $0xFFFFD000  }
0x74: {  	[spmem:s3] =	stream.indirect.scatter.add.f32 [tilespmem:s11], [sflag:$0x8], $0x80, s10, s26, $0xb8;
	v63 =	vld [tilespmem:$0x0]  }
0x75: {  	s23 =	sadd.s32 $0x3C, s20  }
0x76: {  	[tilespmem:s29], [sflag:$0x9] =	stream.linear.gather [hbm4b:s23+s4], $0x60, $0x38;
	v63 =	vld [tilespmem:$0x0]  }
0x77: {  	_ =	swait.ge [sflag:s24], $0x60  }
0x78: {  	[sflag:s24] =	ssyncset.done $0x0  }
0x79: {  	s23 =	sadd.s32 $0x3C, s21;
	[sflag:s24] =	ssyncadd.s32 $0xFFFFFFA0  }
0x7a: {  	[tilespmem:s30], [sflag:$0x9] =	stream.linear.gather [hbm4b:s23+s4], $0x60, $0x38;
	v63 =	vld [tilespmem:$0x0]  }
0x7b: {  	_ =	swait.ge [sflag:s24], $0x60  }
0x7c: {  	[sflag:s24] =	ssyncset.done $0x0  }
0x7d: {  	[sflag:s24] =	ssyncadd.s32 $0xFFFFFFA0  }
0x7e: {  	[tilespmem:s31], [sflag:$0x2] =	stream.indirect.gather [hbm4b:s2+s26], $0x80, s29, s26, $0xb8;
	v63 =	vld [tilespmem:$0x0]  }
0x7f: {  	_ =	swait.ge [sflag:s0], $0x3000  }
0x80: {  	[sflag:s0] =	ssyncset.done $0x0  }
0x81: {  	[sflag:s0] =	ssyncadd.s32 $0xFFFFD000  }
0x82: {  	_ =	swait.ge [sflag:s16], $0x3000  }
0x83: {  	[sflag:s16] =	ssyncset.done $0x0  }
0x84: {  	[sflag:s16] =	ssyncadd.s32 $0xFFFFD000  }
0x85: {  	[spmem:s3] =	stream.indirect.scatter.add.f32 [tilespmem:s28], [sflag:$0x5], $0x80, s25, s26, $0xb8;
	v63 =	vld [tilespmem:$0x0]  }
0x86: {  	s23 =	sadd.s32 $0x48, s20  }
0x87: {  	[tilespmem:s1], [sflag:$0x9] =	stream.linear.gather [hbm4b:s23+s4], $0x60, $0x38;
	v63 =	vld [tilespmem:$0x0]  }
0x88: {  	_ =	swait.ge [sflag:s24], $0x60  }
0x89: {  	[sflag:s24] =	ssyncset.done $0x0  }
0x8a: {  	s23 =	sadd.s32 $0x48, s21;
	[sflag:s24] =	ssyncadd.s32 $0xFFFFFFA0  }
0x8b: {  	[tilespmem:s5], [sflag:$0x9] =	stream.linear.gather [hbm4b:s23+s4], $0x60, $0x38;
	v63 =	vld [tilespmem:$0x0]  }
0x8c: {  	_ =	swait.ge [sflag:s24], $0x60  }
0x8d: {  	[sflag:s24] =	ssyncset.done $0x0  }
0x8e: {  	[sflag:s24] =	ssyncadd.s32 $0xFFFFFFA0  }
0x8f: {  	[tilespmem:s6], [sflag:$0x3] =	stream.indirect.gather [hbm4b:s2+s26], $0x80, s1, s26, $0xb8;
	v63 =	vld [tilespmem:$0x0]  }
0x90: {  	_ =	swait.ge [sflag:s8], $0x3000  }
0x91: {  	[sflag:s8] =	ssyncset.done $0x0  }
0x92: {  	[sflag:s8] =	ssyncadd.s32 $0xFFFFD000  }
0x93: {  	_ =	swait.ge [sflag:s17], $0x3000  }
0x94: {  	[sflag:s17] =	ssyncset.done $0x0  }
0x95: {  	[sflag:s17] =	ssyncadd.s32 $0xFFFFD000  }
0x96: {  	[spmem:s3] =	stream.indirect.scatter.add.f32 [tilespmem:s31], [sflag:$0x6], $0x80, s30, s26, $0xb8;
	v63 =	vld [tilespmem:$0x0]  }
0x97: {  	s20 =	sadd.s32 $0x54, s20  }
0x98: {  	[tilespmem:s9], [sflag:$0x9] =	stream.linear.gather [hbm4b:s20+s4], $0x60, $0x38;
	v63 =	vld [tilespmem:$0x0]  }
0x99: {  	_ =	swait.ge [sflag:s24], $0x60  }
0x9a: {  	[sflag:s24] =	ssyncset.done $0x0  }
0x9b: {  	s23 =	sadd.s32 $0x54, s21;
	[sflag:s24] =	ssyncadd.s32 $0xFFFFFFA0  }
0x9c: {  	[tilespmem:s10], [sflag:$0x9] =	stream.linear.gather [hbm4b:s23+s4], $0x60, $0x38;
	v63 =	vld [tilespmem:$0x0]  }
0x9d: {  	_ =	swait.ge [sflag:s24], $0x60  }
0x9e: {  	s20 =	simm.s32 $0x30;
	[sflag:s24] =	ssyncset.done $0x0  }
.LBB2_2:
0x9f: {  	[sflag:s24] =	ssyncadd.s32 $0xFFFFFFA0  }
0xa0: {  	[tilespmem:s11], [sflag:$0x4] =	stream.indirect.gather [hbm4b:s2+s26], $0x80, s9, s26, $0xb8;
	v63 =	vld [tilespmem:$0x0]  }
0xa1: {  	_ =	swait.ge [sflag:s12], $0x3000  }
0xa2: {  	[sflag:s12] =	ssyncset.done $0x0  }
0xa3: {  	[sflag:s12] =	ssyncadd.s32 $0xFFFFD000  }
0xa4: {  	_ =	swait.ge [sflag:s13], $0x3000  }
0xa5: {  	s22 =	smov.u32 s20;
	[sflag:s13] =	ssyncset.done $0x0;
	s21 =	rddreg [dreg:$0x4]  }
0xa6: {  	[sflag:s13] =	ssyncadd.s32 $0xFFFFD000;
	s21 =	sadd.s32 s22, s21  }
0xa7: {  	[spmem:s3] =	stream.indirect.scatter.add.f32 [tilespmem:s6], [sflag:$0x7], $0x80, s5, s26, $0xb8;
	v63 =	vld [tilespmem:$0x0]  }
0xa8: {  	s23 =	sadd.s32 $0x30, s21  }
0xa9: {  	[tilespmem:s4], [sflag:$0x9] =	stream.linear.gather [hbm4b:s23+s4], $0x60, $0x38;
	v63 =	vld [tilespmem:$0x0]  }
0xaa: {  	_ =	swait.ge [sflag:s24], $0x60  }
0xab: {  	s23 =	rddreg [dreg:$0x5]  }
0xac: {  	[sflag:s24] =	ssyncset.done $0x0;
	s22 =	sadd.s32 s22, s23  }
0xad: {  	[sflag:s24] =	ssyncadd.s32 $0xFFFFFFA0;
	s23 =	sadd.s32 $0x30, s22  }
0xae: {  	[tilespmem:s25], [sflag:$0x9] =	stream.linear.gather [hbm4b:s23+s4], $0x60, $0x38;
	v63 =	vld [tilespmem:$0x0]  }
0xaf: {  	_ =	swait.ge [sflag:s24], $0x60  }
0xb0: {  	[sflag:s24] =	ssyncset.done $0x0  }
0xb1: {  	[sflag:s24] =	ssyncadd.s32 $0xFFFFFFA0  }
0xb2: {  	[tilespmem:s28], [sflag:$0x1] =	stream.indirect.gather [hbm4b:s2+s26], $0x80, s4, s26, $0xb8;
	v63 =	vld [tilespmem:$0x0]  }
0xb3: {  	_ =	swait.ge [sflag:s14], $0x3000  }
0xb4: {  	[sflag:s14] =	ssyncset.done $0x0  }
0xb5: {  	[sflag:s14] =	ssyncadd.s32 $0xFFFFD000  }
0xb6: {  	_ =	swait.ge [sflag:s15], $0x3000  }
0xb7: {  	[sflag:s15] =	ssyncset.done $0x0  }
0xb8: {  	[sflag:s15] =	ssyncadd.s32 $0xFFFFD000  }
0xb9: {  	[spmem:s3] =	stream.indirect.scatter.add.f32 [tilespmem:s11], [sflag:$0x8], $0x80, s10, s26, $0xb8;
	v63 =	vld [tilespmem:$0x0]  }
0xba: {  	s23 =	sadd.s32 $0x3C, s21  }
0xbb: {  	[tilespmem:s29], [sflag:$0x9] =	stream.linear.gather [hbm4b:s23+s4], $0x60, $0x38;
	v63 =	vld [tilespmem:$0x0]  }
0xbc: {  	_ =	swait.ge [sflag:s24], $0x60  }
0xbd: {  	[sflag:s24] =	ssyncset.done $0x0  }
0xbe: {  	s23 =	sadd.s32 $0x3C, s22;
	[sflag:s24] =	ssyncadd.s32 $0xFFFFFFA0  }
0xbf: {  	[tilespmem:s30], [sflag:$0x9] =	stream.linear.gather [hbm4b:s23+s4], $0x60, $0x38;
	v63 =	vld [tilespmem:$0x0]  }
0xc0: {  	_ =	swait.ge [sflag:s24], $0x60  }
0xc1: {  	[sflag:s24] =	ssyncset.done $0x0  }
0xc2: {  	[sflag:s24] =	ssyncadd.s32 $0xFFFFFFA0  }
0xc3: {  	[tilespmem:s31], [sflag:$0x2] =	stream.indirect.gather [hbm4b:s2+s26], $0x80, s29, s26, $0xb8;
	v63 =	vld [tilespmem:$0x0]  }
0xc4: {  	_ =	swait.ge [sflag:s0], $0x3000  }
0xc5: {  	[sflag:s0] =	ssyncset.done $0x0  }
0xc6: {  	[sflag:s0] =	ssyncadd.s32 $0xFFFFD000  }
0xc7: {  	_ =	swait.ge [sflag:s16], $0x3000  }
0xc8: {  	[sflag:s16] =	ssyncset.done $0x0  }
0xc9: {  	[sflag:s16] =	ssyncadd.s32 $0xFFFFD000  }
0xca: {  	[spmem:s3] =	stream.indirect.scatter.add.f32 [tilespmem:s28], [sflag:$0x5], $0x80, s25, s26, $0xb8;
	v63 =	vld [tilespmem:$0x0]  }
0xcb: {  	s23 =	sadd.s32 $0x48, s21  }
0xcc: {  	[tilespmem:s1], [sflag:$0x9] =	stream.linear.gather [hbm4b:s23+s4], $0x60, $0x38;
	v63 =	vld [tilespmem:$0x0]  }
0xcd: {  	_ =	swait.ge [sflag:s24], $0x60  }
0xce: {  	[sflag:s24] =	ssyncset.done $0x0  }
0xcf: {  	s23 =	sadd.s32 $0x48, s22;
	[sflag:s24] =	ssyncadd.s32 $0xFFFFFFA0  }
0xd0: {  	[tilespmem:s5], [sflag:$0x9] =	stream.linear.gather [hbm4b:s23+s4], $0x60, $0x38;
	v63 =	vld [tilespmem:$0x0]  }
0xd1: {  	_ =	swait.ge [sflag:s24], $0x60  }
0xd2: {  	[sflag:s24] =	ssyncset.done $0x0  }
0xd3: {  	[sflag:s24] =	ssyncadd.s32 $0xFFFFFFA0  }
0xd4: {  	[tilespmem:s6], [sflag:$0x3] =	stream.indirect.gather [hbm4b:s2+s26], $0x80, s1, s26, $0xb8;
	v63 =	vld [tilespmem:$0x0]  }
0xd5: {  	_ =	swait.ge [sflag:s8], $0x3000  }
0xd6: {  	[sflag:s8] =	ssyncset.done $0x0  }
0xd7: {  	[sflag:s8] =	ssyncadd.s32 $0xFFFFD000  }
0xd8: {  	_ =	swait.ge [sflag:s17], $0x3000  }
0xd9: {  	[sflag:s17] =	ssyncset.done $0x0  }
0xda: {  	[sflag:s17] =	ssyncadd.s32 $0xFFFFD000  }
0xdb: {  	[spmem:s3] =	stream.indirect.scatter.add.f32 [tilespmem:s31], [sflag:$0x6], $0x80, s30, s26, $0xb8;
	v63 =	vld [tilespmem:$0x0]  }
0xdc: {  	s21 =	sadd.s32 $0x54, s21  }
0xdd: {  	[tilespmem:s9], [sflag:$0x9] =	stream.linear.gather [hbm4b:s21+s4], $0x60, $0x38;
	v63 =	vld [tilespmem:$0x0]  }
0xde: {  	p0 =	sne.s32 s20, $0x480;
	_ =	swait.ge [sflag:s24], $0x60  }
.Ltmp0:
0xdf: {  	[sflag:s24] =	ssyncset.done $0x0;
	(pc) =	sbr.rel @p0 .LBB2_2-.Ltmp0, $4  }
0xe0: {  	s23 =	sadd.s32 $0x54, s22;
	[sflag:s24] =	ssyncadd.s32 $0xFFFFFFA0  }
0xe1: {  	[tilespmem:s10], [sflag:$0x9] =	stream.linear.gather [hbm4b:s23+s4], $0x60, $0x38;
	v63 =	vld [tilespmem:$0x0]  }
0xe2: {  	_ =	swait.ge [sflag:s24], $0x60  }
0xe3: {  	s20 =	sadd.s32 $0x30, s20;
	[sflag:s24] =	ssyncset.done $0x0  }
0xe4: {  	[sflag:s24] =	ssyncadd.s32 $0xFFFFFFA0  }
0xe5: {  	[tilespmem:s11], [sflag:$0x4] =	stream.indirect.gather [hbm4b:s2+s26], $0x80, s9, s26, $0xb8;
	v63 =	vld [tilespmem:$0x0]  }
0xe6: {  	_ =	swait.ge [sflag:s13], $0x3000  }
0xe7: {  	[sflag:s13] =	ssyncset.done $0x0  }
0xe8: {  	[sflag:s13] =	ssyncadd.s32 $0xFFFFD000  }
0xe9: {  	_ =	swait.ge [sflag:s15], $0x3000  }
0xea: {  	[sflag:s15] =	ssyncset.done $0x0  }
0xeb: {  	[sflag:s15] =	ssyncadd.s32 $0xFFFFD000  }
0xec: {  	_ =	swait.ge [sflag:s12], $0x3000  }
0xed: {  	[sflag:s12] =	ssyncset.done $0x0  }
0xee: {  	[sflag:s12] =	ssyncadd.s32 $0xFFFFD000  }
0xef: {  	_ =	swait.ge [sflag:s14], $0x3000  }
0xf0: {  	[sflag:s14] =	ssyncset.done $0x0  }
0xf1: {  	s20 =	rddreg [dreg:$0x11];
	[sflag:s14] =	ssyncadd.s32 $0xFFFFD000  }
0xf2: {  	[tilespmem:s1], [sflag:$0x9] =	stream.linear.gather [hbm4b:s20+s4], $0x60, $0x38;
	v63 =	vld [tilespmem:$0x0]  }
0xf3: {  	_ =	swait.ge [sflag:s24], $0x60  }
0xf4: {  	[sflag:s24] =	ssyncset.done $0x0  }
0xf5: {  	s23 =	rddreg [dreg:$0x13];
	[sflag:s24] =	ssyncadd.s32 $0xFFFFFFA0  }
0xf6: {  	[tilespmem:s5], [sflag:$0x9] =	stream.linear.gather [hbm4b:s23+s4], $0x60, $0x38;
	v63 =	vld [tilespmem:$0x0]  }
0xf7: {  	_ =	swait.ge [sflag:s24], $0x60  }
0xf8: {  	[sflag:s24] =	ssyncset.done $0x0  }
0xf9: {  	[sflag:s24] =	ssyncadd.s32 $0xFFFFFFA0  }
0xfa: {  	[tilespmem:s6], [sflag:$0x3] =	stream.indirect.gather [hbm4b:s2+s26], $0x80, s1, s26, $0xb8;
	v63 =	vld [tilespmem:$0x0]  }
0xfb: {  	_ =	swait.ge [sflag:s12], $0x3000  }
0xfc: {  	[sflag:s12] =	ssyncset.done $0x0  }
0xfd: {  	[sflag:s12] =	ssyncadd.s32 $0xFFFFD000  }
0xfe: {  	[spmem:s3] =	stream.indirect.scatter.add.f32 [tilespmem:s6], [sflag:$0x7], $0x80, s5, s26, $0xb8;
	v63 =	vld [tilespmem:$0x0]  }
0xff: {  	_ =	swait.ge [sflag:s16], $0x3000  }
0x100: {  	[sflag:s16] =	ssyncset.done $0x0  }
0x101: {  	s21 =	rddreg [dreg:$0x14];
	[sflag:s16] =	ssyncadd.s32 $0xFFFFD000  }
0x102: {  	[tilespmem:s1], [sflag:$0x9] =	stream.linear.gather [hbm4b:s21+s4], $0x60, $0x38;
	v63 =	vld [tilespmem:$0x0]  }
0x103: {  	_ =	swait.ge [sflag:s24], $0x60  }
0x104: {  	[sflag:s24] =	ssyncset.done $0x0  }
0x105: {  	s22 =	rddreg [dreg:$0x15];
	[sflag:s24] =	ssyncadd.s32 $0xFFFFFFA0  }
0x106: {  	[tilespmem:s5], [sflag:$0x9] =	stream.linear.gather [hbm4b:s22+s4], $0x60, $0x38;
	v63 =	vld [tilespmem:$0x0]  }
0x107: {  	_ =	swait.ge [sflag:s24], $0x60  }
0x108: {  	[sflag:s24] =	ssyncset.done $0x0  }
0x109: {  	[sflag:s24] =	ssyncadd.s32 $0xFFFFFFA0  }
0x10a: {  	[tilespmem:s6], [sflag:$0x3] =	stream.indirect.gather [hbm4b:s2+s26], $0x80, s1, s26, $0xb8;
	v63 =	vld [tilespmem:$0x0]  }
0x10b: {  	_ =	swait.ge [sflag:s12], $0x3000  }
0x10c: {  	[sflag:s12] =	ssyncset.done $0x0  }
0x10d: {  	[sflag:s12] =	ssyncadd.s32 $0xFFFFD000  }
0x10e: {  	[spmem:s3] =	stream.indirect.scatter.add.f32 [tilespmem:s6], [sflag:$0x7], $0x80, s5, s26, $0xb8;
	v63 =	vld [tilespmem:$0x0]  }
0x10f: {  	_ =	swait.ge [sflag:s16], $0x3000  }
0x110: {  	[sflag:s16] =	ssyncset.done $0x0  }
0x111: {  	s23 =	rddreg [dreg:$0x16];
	[sflag:s16] =	ssyncadd.s32 $0xFFFFD000  }
0x112: {  	[tilespmem:s1], [sflag:$0x9] =	stream.linear.gather [hbm4b:s23+s4], $0x60, $0x38;
	v63 =	vld [tilespmem:$0x0]  }
0x113: {  	_ =	swait.ge [sflag:s24], $0x60  }
0x114: {  	[sflag:s24] =	ssyncset.done $0x0  }
0x115: {  	s21 =	rddreg [dreg:$0x17];
	[sflag:s24] =	ssyncadd.s32 $0xFFFFFFA0  }
0x116: {  	[tilespmem:s5], [sflag:$0x9] =	stream.linear.gather [hbm4b:s21+s4], $0x60, $0x38;
	v63 =	vld [tilespmem:$0x0]  }
0x117: {  	_ =	swait.ge [sflag:s24], $0x60  }
0x118: {  	[sflag:s24] =	ssyncset.done $0x0  }
0x119: {  	[sflag:s24] =	ssyncadd.s32 $0xFFFFFFA0  }
0x11a: {  	[tilespmem:s6], [sflag:$0x3] =	stream.indirect.gather [hbm4b:s2+s26], $0x80, s1, s26, $0xb8;
	v63 =	vld [tilespmem:$0x0]  }
0x11b: {  	_ =	swait.ge [sflag:s12], $0x3000  }
0x11c: {  	[sflag:s12] =	ssyncset.done $0x0  }
0x11d: {  	[sflag:s12] =	ssyncadd.s32 $0xFFFFD000  }
0x11e: {  	[spmem:s3] =	stream.indirect.scatter.add.f32 [tilespmem:s6], [sflag:$0x7], $0x80, s5, s26, $0xb8;
	v63 =	vld [tilespmem:$0x0]  }
0x11f: {  	_ =	swait.ge [sflag:s16], $0x3000  }
0x120: {  	[sflag:s16] =	ssyncset.done $0x0  }
0x121: {  	[sflag:s16] =	ssyncadd.s32 $0xFFFFD000  }
0x122: {  	[bflag:$0x0] =	sbarrier.arrive $0xFFFF  }
0x123: {  	s22 =	rddreg [dreg:$0x10]  }
0x124: {  	[hbm:s22], [sflag:s7] =	dma.local [spmem:s19], $0x2780  }
0x125: {  	_ =	swait.ge [sflag:s24], $0x2780  }
0x126: {  	s18 =	sadd.s32 $0x1, s18;
	s23 =	rddreg [dreg:$0x12]  }
0x127: {  	p0 =	sne.s32 s18, s23  }
.Ltmp1:
0x128: {  	_ = 	snop;
	(pc) =	sbr.rel @p0 .LBB2_1-.Ltmp1, $3  }
0x129: {  	_ =	sdelay $0x1  }
0x12a: {  	[sflag:s24] =	ssyncset.done $0x0  }
0x12b: {  	[sflag:s24] =	ssyncadd.s32 $0xFFFFD880  }
0x12c: {  	_ =	sfence.sel $0x180000  }
0x12d: {  	[bflag:$0x0] =	sbarrier.arrive $0xFFFF  }
0x12e: {  	_ =	strace $0x9000004A  }
0x12f: {  	s0 =	stileid.u32;
	[bflag:$0x2] =	sbarrier.arrive $0xFFFF  }
0x130: {  	p0 =	sne.s32 s0, $0x0;
	s0 =	rddreg [dreg:$0x3]  }
0x131: {  	s0 =	sadd.s32 @!p0 $0x100000, s0  }
0x132: {  	[sflag:s0] =	ssyncadd.tile.s32 @!p0 $0x1;
	_ =	shalt  }
.Lfunc_end2:
_tile_overlayer_lowered:
.L_overlay_start_2:
0x133: {  	(tag) =	ssettag $0x2  }
0x134: {  	s0 =	rddreg [dreg:$0x0];
	s2 =	stileid.u32  }
0x135: {  	s1 =	rddreg [dreg:$0x1];
	p0 =	sne.s32 s2, $0x0  }
0x136: {  	s3 =	rddreg [dreg:$0x2];
	[bflag:$0x3] =	sbarrier.arrive $0xFFFF;
	s2 =	simm.s32 @!p0 $0x1C09  }
0x137: {  	[timem:s3], [sflag:s2] =	dma.local @!p0 [hbm:s0], s1  }
0x138: {  	s0 =	simm.s32 @!p0 $0x9  }
0x139: {  	_ =	swait.ge @!p0 [sflag:s0], s1  }
0x13a: {  	s1 =	ssub.s32 @!p0 $0x0, s1;
	[sflag:s0] =	ssyncset.done @!p0 $0x0  }
0x13b: {  	[sflag:s0] =	ssyncadd.s32 @!p0 s1  }
0x13c: {  	[bflag:$0x3] =	sbarrier.arrive $0xFFFF  }
0x13d: {  	_ =	shalt  }

// kernel: kernel.14.cloned.1.call-start
scs
__scs_entry_jumppad:
0x0: {  	(pc) =	sbr.rel $0x88, $3  }
0x1: {  	(tag) =	ssettag $0x0;
	lr =	simm.s32 $0x1  }
0x2: {  	[smem:$0x3F9B] =	sst lr;
	_ =	strace $0xD0000000  }
0x3: {  	_ = 	snop  }
0x4: {  	_ = 	snop  }
0x5: {  	_ = 	snop  }
0x6: {  	_ = 	snop  }
0x7: {  	_ = 	snop  }
__scs_overlays_trampoline_lowered:
0x8: {  	[smem:$0x3FAA] =	sst s0  }
0x9: {  	[smem:$0x3FAB] =	sst s1  }
0xa: {  	[smem:$0x3FAC] =	sst s2  }
0xb: {  	[smem:$0x3FAD] =	sst s3  }
0xc: {  	[smem:$0x3FAE] =	sst s4  }
0xd: {  	[smem:$0x3FAF] =	sst s5  }
0xe: {  	[smem:$0x3FB0] =	sst s6  }
0xf: {  	[smem:$0x3FB1] =	sst s7  }
0x10: {  	[smem:$0x3FB2] =	sst s8  }
0x11: {  	[smem:$0x3FB3] =	sst s9;
	s0 =	simm.s32 @!p0 $0x0  }
0x12: {  	s1 =	sld [smem:$0x3F99];
	s0 =	simm.s32 @p0 $0x1  }
0x13: {  	[smem:$0x3FB4] =	sst s0;
	s0 =	simm.s32 @!p1 $0x0  }
0x14: {  	s2 =	sld [smem:$0x3F98];
	s0 =	simm.s32 @p1 $0x1  }
0x15: {  	[smem:$0x3FB5] =	sst s0;
	s0 =	simm.s32 @!p2 $0x0  }
0x16: {  	s3 =	sld [smem:$0x3FDB];
	s0 =	simm.s32 @p2 $0x1  }
0x17: {  	s4 =	simm.s32 $0x1BF5;
	[smem:$0x3FB7] =	sst s0  }
0x18: {  	s0 =	sld [smem:$0x3F9A];
	_ =	swait.ge [sflag:s4], $0x0  }
0x19: {  	s7 =	sld [smem:$0x3F9B]  }
0x1a: {  	s8 =	sadd.s32 $0xFFFFE003, lr  }
0x1b: {  	s9 =	sadd.s32 $0xFFFFFEF7, lr;
	s5 =	simm.s32 $0xFFFFFFFF;
	p2 =	slt.u32 s8, $0xFFFFF086  }
0x1c: {  	p1 =	slt.u32 s9, $0xF7A;
	s5 =	simm.s32 @!p2 $0x0  }
0x1d: {  	s5 =	simm.s32 @p1 $0x1;
	p0 =	seq.s32 s7, s2  }
0x1e: {  	s7 =	smul.u32 @!p0 $0xF7A, s2;
	p2 =	seq.s32 @!p0 s5, $0x0  }
0x1f: {  	s9 =	smul.u32 $0xF7A, s1;
	s8 =	simm.s32 @!p0 $0x1BF5;
	p2 =	por !p2, p0  }
0x20: {  	[sflag:s8] =	ssyncset.s32 @!p0 $0xFFFFF086;
	s6 =	sadd.s32 @!p0 s3, s7;
	s7 =	simm.s32 @!p0 $0x108  }
0x21: {  	s3 =	sadd.s32 s3, s9;
	s6 =	sadd.s32 @!p0 $0x88, s6;
	s7 =	simm.s32 @p2 $0x1082  }
0x22: {  	[simem:s7], [sflag:s8] =	dma.local @!p0 [hbm:s6], $0xF7A  }
0x23: {  	s9 =	sor.u32 $0xD0000000, s2;
	s6 =	simm.s32 $0x108;
	_ =	swait.ge @!p0 [sflag:s8], $0x0  }
0x24: {  	s3 =	sadd.s32 $0x88, s3;
	s6 =	simm.s32 @!p1 $0x1082;
	[sflag:s4] =	ssyncset.s32 $0xFFFFF086  }
0x25: {  	[simem:s6], [sflag:s4] =	dma.local [hbm:s3], $0xF7A  }
0x26: {  	[smem:$0x3F9B] =	sst s1;
	(tag) =	ssettag s2;
	_ =	strace s9  }
0x27: {  	s1 =	sld [smem:$0x3FAB]  }
0x28: {  	s2 =	sld [smem:$0x3FAC]  }
0x29: {  	s4 =	sld [smem:$0x3FAE]  }
0x2a: {  	p0 =	seq.s32 s5, $0x0;
	s5 =	sld [smem:$0x3FAF]  }
0x2b: {  	s6 =	sld [smem:$0x3FB0]  }
0x2c: {  	s7 =	sld [smem:$0x3FB1]  }
0x2d: {  	s3 =	simm.s32 $0x108;
	s8 =	sld [smem:$0x3FB2]  }
0x2e: {  	s3 =	simm.s32 @!p0 $0x1082;
	s9 =	sld [smem:$0x3FB3]  }
0x2f: {  	lr =	sadd.s32 s0, s3;
	s0 =	sld [smem:$0x3FAA]  }
0x30: {  	s3 =	sld [smem:$0x3FAD]  }
0x31: {  	[smem:$0x3FB6] =	sst s10  }
0x32: {  	s10 =	sld [smem:$0x3FB4];
	_ =	sdelay $0x3  }
0x33: {  	p0 =	seq.s32 s10, $0x1;
	s10 =	sld [smem:$0x3FB6];
	_ =	sdelay $0x3  }
0x34: {  	[smem:$0x3FB6] =	sst s10  }
0x35: {  	s10 =	sld [smem:$0x3FB5];
	_ =	sdelay $0x3  }
0x36: {  	p1 =	seq.s32 s10, $0x1;
	s10 =	sld [smem:$0x3FB6];
	_ =	sdelay $0x3  }
0x37: {  	[smem:$0x3FB6] =	sst s10  }
0x38: {  	s10 =	sld [smem:$0x3FB7]  }
0x39: {  	_ = 	snop;
	(pc) =	sbr.ind lr, $3  }
0x3a: {  	_ = 	snop  }
0x3b: {  	_ = 	snop  }
0x3c: {  	p2 =	seq.s32 s10, $0x1;
	s10 =	sld [smem:$0x3FB6]  }
0x3d: {  	_ =	shalt  }
0x3e: {  	_ =	shalt  }
0x3f: {  	_ =	shalt  }
0x40: {  	_ =	shalt  }
0x41: {  	_ =	shalt  }
0x42: {  	_ =	shalt  }
0x43: {  	_ =	shalt  }
0x44: {  	_ =	shalt  }
0x45: {  	_ =	shalt  }
0x46: {  	_ =	shalt  }
0x47: {  	_ =	shalt  }
0x48: {  	_ =	shalt  }
0x49: {  	_ =	shalt  }
0x4a: {  	_ =	shalt  }
0x4b: {  	_ =	shalt  }
0x4c: {  	_ =	shalt  }
0x4d: {  	_ =	shalt  }
0x4e: {  	_ =	shalt  }
0x4f: {  	_ =	shalt  }
0x50: {  	_ =	shalt  }
0x51: {  	_ =	shalt  }
0x52: {  	_ =	shalt  }
0x53: {  	_ =	shalt  }
0x54: {  	_ =	shalt  }
0x55: {  	_ =	shalt  }
0x56: {  	_ =	shalt  }
0x57: {  	_ =	shalt  }
0x58: {  	_ =	shalt  }
0x59: {  	_ =	shalt  }
0x5a: {  	_ =	shalt  }
0x5b: {  	_ =	shalt  }
0x5c: {  	_ =	shalt  }
0x5d: {  	_ =	shalt  }
0x5e: {  	_ =	shalt  }
0x5f: {  	_ =	shalt  }
0x60: {  	_ =	shalt  }
0x61: {  	_ =	shalt  }
0x62: {  	_ =	shalt  }
0x63: {  	_ =	shalt  }
0x64: {  	_ =	shalt  }
0x65: {  	_ =	shalt  }
0x66: {  	_ =	shalt  }
0x67: {  	_ =	shalt  }
0x68: {  	_ =	shalt  }
0x69: {  	_ =	shalt  }
0x6a: {  	_ =	shalt  }
0x6b: {  	_ =	shalt  }
0x6c: {  	_ =	shalt  }
0x6d: {  	_ =	shalt  }
0x6e: {  	_ =	shalt  }
0x6f: {  	_ =	shalt  }
0x70: {  	_ =	shalt  }
0x71: {  	_ =	shalt  }
0x72: {  	_ =	shalt  }
0x73: {  	_ =	shalt  }
0x74: {  	_ =	shalt  }
0x75: {  	_ =	shalt  }
0x76: {  	_ =	shalt  }
0x77: {  	_ =	shalt  }
0x78: {  	_ =	shalt  }
0x79: {  	_ =	shalt  }
0x7a: {  	_ =	shalt  }
0x7b: {  	_ =	shalt  }
0x7c: {  	_ =	shalt  }
0x7d: {  	_ =	shalt  }
0x7e: {  	_ =	shalt  }
0x7f: {  	_ =	shalt  }
0x80: {  	_ =	shalt  }
0x81: {  	_ =	shalt  }
0x82: {  	_ =	shalt  }
0x83: {  	_ =	shalt  }
0x84: {  	_ =	shalt  }
0x85: {  	_ =	shalt  }
0x86: {  	_ =	shalt  }
0x87: {  	_ =	shalt  }
.Lfunc_end0:
.L_simem_size_0:
called_computation.2_lowered:
.L_overlay_start_0:
0x88: {  	s2 =	sld [smem:$0x3FD9]  }
0x89: {  	s3 =	sld [smem:$0x3FFE];
	_ =	sdelay $0x1  }
0x8a: {  	s1 =	srdreg.scid  }
0x8b: {  	s0 =	sand.u32 $0x1, s1  }
0x8c: {  	s17 =	sshll.u32 s0, $0xA;
	s2 =	sadd.s32 s3, s2  }
0x8d: {  	s2 =	sadd.s32 s2, s17  }
0x8e: {  	[smem:$0x3FC2] =	sst s2  }
0x8f: {  	_ = 	snop  }
0x90: {  	s2 =	sld [smem:$0x3FD0];
	(tm) =	ssettm $0x1  }
0x91: {  	s18 =	sld [smem:$0x3FFB];
	_ =	sdelay $0x3  }
0x92: {  	_ =	strace s18  }
0x93: {  	s3 =	sld [smem:$0x3FFC];
	_ =	sdelay $0x3  }
0x94: {  	_ =	strace s3  }
0x95: {  	s3 =	sld [smem:$0x3FFD];
	_ =	sdelay $0x3  }
0x96: {  	_ =	strace s3  }
0x97: {  	_ =	strace $0x8FFFFFFF  }
0x98: {  	s19 =	sld [smem:$0x3FDB];
	_ =	sdelay $0x1  }
0x99: {  	s4 =	simm.s32 $_scs_section_size  }
0x9a: {  	s5 =	simm.s32 $_size__tile_overlayer_lowered;
	s6 =	simm.s32 $_tile_overlayer_lowered  }
0x9b: {  	s22 =	simm.s32 $0x1BFF;
	s21 =	sshll.u32 s6, $0x1;
	s3 =	sadd.s32 s4, s19  }
0x9c: {  	s7 =	simm.s32 $0x0;
	s20 =	sshll.u32 s5, $0x1;
	s5 =	sadd.s32 s21, s3  }
0x9d: {  	[timem:s7], [sflag:s22] =	dma.local [hbm:s5], s20  }
0x9e: {  	_ =	swait.ge [sflag:s22], s20  }
0x9f: {  	s4 =	ssub.s32 $0x0, s20;
	[sflag:s22] =	ssyncset.done $0x0  }
0xa0: {  	[sflag:s22] =	ssyncadd.s32 s4;
	_ =	sdelay $0x1  }
0xa1: {  	s23 =	simm.s32 $0x1B8B  }
0xa2: {  	_ =	swait.ge [sflag:s23], $0x1  }
0xa3: {  	[sflag:s23] =	ssyncset.done $0x0  }
0xa4: {  	s25 =	simm.s32 $0x1B8E;
	s24 =	sld [smem:$0x3FFE];
	[sflag:s23] =	ssyncadd.s32 $0xFFFFFFFF  }
0xa5: {  	s26 =	simm.s32 $execute0_lowered;
	[smem:$0x3FD2] =	sst s25  }
0xa6: {  	s5 =	sshll.u32 s26, $0x1;
	_ =	strace $0x8000004C;
	[dreg:$0x1] =	wrdreg $0xFFFFFFFF  }
0xa7: {  	s28 =	simm.s32 $_size_execute0_lowered;
	s3 =	sadd.s32 s3, s5;
	[dreg:$0x0] =	wrdreg $0x0  }
0xa8: {  	s5 =	sshll.u32 s28, $0x1;
	[dreg:$0x2] =	wrdreg s3  }
0xa9: {  	[dreg:$0x3] =	wrdreg s5  }
0xaa: {  	[dreg:$0x4] =	wrdreg $0xC0  }
0xab: {  	_ =	task [dreg:s7], $0x5FFFF  }
0xac: {  	[dreg:$0x1] =	wrdreg $0xFFFFFFFF  }
0xad: {  	[dreg:$0x0] =	wrdreg $0x60  }
0xae: {  	[dreg:$0x2] =	wrdreg s2  }
0xaf: {  	[dreg:$0x3] =	wrdreg s24  }
0xb0: {  	[dreg:$0x4] =	wrdreg $0xC4000  }
0xb1: {  	[dreg:$0x5] =	wrdreg $0x9  }
0xb2: {  	_ =	task.clear_ibuf [dreg:s7], $0x6FFFF;
	_ =	strace $0x9000004C  }
0xb3: {  	s29 =	simm.s32 $0x9;
	_ =	strace $0x8000004E  }
0xb4: {  	_ =	swait.ge [sflag:s29], $0x1  }
0xb5: {  	[sflag:s29] =	ssyncadd.s32 $0xFFFFFFFF  }
0xb6: {  	_ =	strace $0x9000004E  }
0xb7: {  	_ =	sfence  }
0xb8: {  	s30 =	sld [smem:$0x0];
	_ =	sdelay $0x2  }
0xb9: {  	s31 =	sshll.u32 s1, $0xD;
	s1 =	sshrl.u32 s1, $0x2  }
0xba: {  	s3 =	sand.u32 $0x4000, s31;
	s1 =	sadd.s32 s1, s30  }
0xbb: {  	s0 =	sor.u32 s3, s0;
	s1 =	sshll.u32 s1, $0x11  }
0xbc: {  	s0 =	sor.u32 s1, s0  }
0xbd: {  	s0 =	sadd.s32 $0x8F2B, s0  }
0xbe: {  	[sflag:s0] =	ssyncadd.remote.s32 $0x1  }
0xbf: {  	_ =	sfence.sel $0xFFFF  }
0xc0: {  	[dreg:$0x0] =	wrdreg $0xFFFFFFFF;
	(pc) =	sbr.abs _section_cstart, $3  }
0xc1: {  	[dreg:$0x1] =	wrdreg $0xFFFFFFFF  }
0xc2: {  	_ =	task.clear_ibuf [dreg:s7], $0x2FFFF;
	_ =	strace $0x9FFFFFFF  }
0xc3: {  	(tm) =	ssettm $0x7FFFFFFF  }
tec
execute0_lowered:
.L_overlay_start_1:
0x0: {  	(tag) =	ssettag $0x1  }
0x1: {  	s2 =	rddreg [dreg:$0x0]  }
0x2: {  	s0 =	rddreg [dreg:$0x1]  }
0x3: {  	s3 =	rddreg [dreg:$0x2]  }
0x4: {  	s13 =	stileid.u32;
	s1 =	srdreg.scid;
	s4 =	simm.s32 $0x0  }
0x5: {  	s28 =	simm.s32 $0x400;
	s29 =	simm.s32 $0x80;
	s30 =	simm.s32 $0x280  }
0x6: {  	s31 =	simm.s32 $0x3400;
	s5 =	smul.u32 $0x13C00, s13;
	s1 =	sand.u32 $0x1, s1  }
0x7: {  	[smem:$0x7FF] =	sst s4;
	s8 =	sadd.s32 $0xC000, s0;
	s11 =	smul.u32 $0x4F000, s13  }
0x8: {  	s9 =	sadd.s32 $0x2000, s0;
	s21 =	sshll.u32 s13, $0x6;
	s6 =	smul.u32 $0x13C000, s1  }
0x9: {  	_ =	strace $0x8000004D;
	s16 =	sshll.u32 s1, $0x4;
	s10 =	ssub.s32 $0x2, s1  }
0xa: {  	s1 =	smul.u32 $0x4EC0, s1;
	s7 =	sshrl.u32 s5, $0x3;
	s17 =	sshrl.u32 s10, $0x1  }
0xb: {  	s18 =	sshrl.u32 s11, $0x2;
	s5 =	sadd.s32 s5, s6;
	s15 =	sadd.s32 s7, s0  }
0xc: {  	s7 =	sor.u32 s13, s16;
	s20 =	sadd.s32 s18, s3;
	s16 =	smul.u32 $0x4EC, s13  }
0xd: {  	s18 =	sadd.s32 s1, s8;
	s13 =	simm.s32 $0x5;
	s12 =	smul.u32 $0x4EC, s7  }
0xe: {  	s5 =	sshrl.u32 s5, $0x3;
	s19 =	smul.u32 $0x2760, s7;
	[dreg:$0x6] =	wrdreg s20  }
0xf: {  	s6 =	sadd.s32 $0x16000, s15;
	s7 =	sor.u32 $0x1C09, s21;
	s21 =	sadd.s32 s1, s9  }
0x10: {  	s0 =	sadd.s32 s5, s0;
	[dreg:$0x7] =	wrdreg s6;
	s20 =	sadd.s32 s16, s18  }
0x11: {  	s5 =	ssub.s32 s10, s17;
	s22 =	sadd.s32 s8, s12;
	[dreg:$0x4] =	wrdreg s20  }
0x12: {  	s18 =	simm.s32 $0x0;
	s24 =	sadd.s32 s9, s12;
	[dreg:$0x8] =	wrdreg s22  }
0x13: {  	s23 =	sshrl.u32 s19, $0x3;
	s0 =	sadd.s32 $0x3D800, s0;
	[dreg:$0x9] =	wrdreg s24  }
0x14: {  	s17 =	sadd.s32 $0x4C8, s12;
	s5 =	smax.u32 s5, $0x1;
	[dreg:$0x10] =	wrdreg s0  }
0x15: {  	s25 =	sadd.s32 $0xC, s23;
	s19 =	sadd.s32 s8, s17;
	[dreg:$0x12] =	wrdreg s5  }
0x16: {  	s11 =	sadd.s32 $0x18, s23;
	s0 =	sadd.s32 s9, s17;
	[dreg:$0x11] =	wrdreg s19  }
0x17: {  	s6 =	sadd.s32 $0x24, s23;
	s14 =	sadd.s32 s8, s25;
	[dreg:$0x13] =	wrdreg s0  }
0x18: {  	s22 =	sadd.s32 $0x4D4, s12;
	s10 =	sadd.s32 s9, s25;
	[dreg:$0xa] =	wrdreg s14  }
0x19: {  	s23 =	sadd.s32 $0x4E0, s12;
	s26 =	sadd.s32 s8, s11;
	[dreg:$0xb] =	wrdreg s10  }
0x1a: {  	s5 =	simm.s32 $0x300;
	s15 =	sadd.s32 s8, s6;
	[dreg:$0xc] =	wrdreg s26  }
0x1b: {  	s12 =	simm.s32 $0x3;
	s6 =	sadd.s32 s9, s6;
	[dreg:$0xe] =	wrdreg s15  }
0x1c: {  	s17 =	simm.s32 $0x8;
	s24 =	sadd.s32 s8, s22;
	[dreg:$0xf] =	wrdreg s6  }
0x1d: {  	s0 =	sadd.s32 s16, s21;
	s1 =	sadd.s32 s9, s22;
	[dreg:$0x14] =	wrdreg s24  }
0x1e: {  	s25 =	sadd.s32 s8, s23;
	s8 =	simm.s32 $0x2;
	[dreg:$0x15] =	wrdreg s1  }
0x1f: {  	s16 =	simm.s32 $0x7;
	s14 =	sadd.s32 s9, s11;
	[dreg:$0x16] =	wrdreg s25  }
0x20: {  	s26 =	sadd.s32 s9, s23;
	[dreg:$0x5] =	wrdreg s0;
	s24 =	simm.s32 $0x9  }
0x21: {  	s25 =	simm.s32 $0x200;
	s0 =	simm.s32 $0x1;
	s1 =	simm.s32 $0x100  }
0x22: {  	s6 =	simm.s32 $0x6400;
	s9 =	simm.s32 $0x180;
	s10 =	simm.s32 $0x380  }
0x23: {  	s11 =	simm.s32 $0x9400;
	s15 =	simm.s32 $0x6;
	[dreg:$0xd] =	wrdreg s14  }
0x24: {  	[dreg:$0x17] =	wrdreg s26;
	s26 =	simm.s32 $0x60;
	s14 =	simm.s32 $0x4  }
.LBB2_1:
0x25: {  	s19 =	rddreg [dreg:$0x6]  }
0x26: {  	s20 =	rddreg [dreg:$0x7];
	s19 =	sshrl.u32 s19, $0x3  }
0x27: {  	[spmem:s19], [sflag:s7] =	dma.local [hbm:s20], $0x2780  }
0x28: {  	_ =	swait.ge [sflag:s24], $0x2780  }
0x29: {  	[sflag:s24] =	ssyncset.done $0x0  }
0x2a: {  	[sflag:s24] =	ssyncadd.s32 $0xFFFFD880  }
0x2b: {  	[bflag:$0x0] =	sbarrier.arrive $0xFFFF  }
0x2c: {  	s22 =	rddreg [dreg:$0x8]  }
0x2d: {  	[tilespmem:s4], [sflag:$0x9] =	stream.linear.gather [hbm4b:s22+s4], $0x60, $0x38;
	v63 =	vld [tilespmem:$0x0]  }
0x2e: {  	_ =	swait.ge [sflag:s24], $0x60  }
0x2f: {  	[sflag:s24] =	ssyncset.done $0x0  }
0x30: {  	s23 =	rddreg [dreg:$0x9];
	[sflag:s24] =	ssyncadd.s32 $0xFFFFFFA0  }
0x31: {  	[tilespmem:s25], [sflag:$0x9] =	stream.linear.gather [hbm4b:s23+s4], $0x60, $0x38;
	v63 =	vld [tilespmem:$0x0]  }
0x32: {  	_ =	swait.ge [sflag:s24], $0x60  }
0x33: {  	[sflag:s24] =	ssyncset.done $0x0  }
0x34: {  	[sflag:s24] =	ssyncadd.s32 $0xFFFFFFA0  }
0x35: {  	[tilespmem:s28], [sflag:$0x1] =	stream.indirect.gather [hbm4b:s2+s26], $0x80, s4, s26, $0xb8;
	v63 =	vld [tilespmem:$0x0]  }
0x36: {  	s21 =	rddreg [dreg:$0xa]  }
0x37: {  	[tilespmem:s29], [sflag:$0x9] =	stream.linear.gather [hbm4b:s21+s4], $0x60, $0x38;
	v63 =	vld [tilespmem:$0x0]  }
0x38: {  	_ =	swait.ge [sflag:s24], $0x60  }
0x39: {  	[sflag:s24] =	ssyncset.done $0x0  }
0x3a: {  	s22 =	rddreg [dreg:$0xb];
	[sflag:s24] =	ssyncadd.s32 $0xFFFFFFA0  }
0x3b: {  	[tilespmem:s30], [sflag:$0x9] =	stream.linear.gather [hbm4b:s22+s4], $0x60, $0x38;
	v63 =	vld [tilespmem:$0x0]  }
0x3c: {  	_ =	swait.ge [sflag:s24], $0x60  }
0x3d: {  	[sflag:s24] =	ssyncset.done $0x0  }
0x3e: {  	[sflag:s24] =	ssyncadd.s32 $0xFFFFFFA0  }
0x3f: {  	[tilespmem:s31], [sflag:$0x2] =	stream.indirect.gather [hbm4b:s2+s26], $0x80, s29, s26, $0xb8;
	v63 =	vld [tilespmem:$0x0]  }
0x40: {  	_ =	swait.ge [sflag:s0], $0x3000  }
0x41: {  	[sflag:s0] =	ssyncset.done $0x0  }
0x42: {  	[sflag:s0] =	ssyncadd.s32 $0xFFFFD000  }
0x43: {  	[spmem:s3] =	stream.indirect.scatter.add.f32 [tilespmem:s28], [sflag:$0x5], $0x80, s25, s26, $0xb8;
	v63 =	vld [tilespmem:$0x0]  }
0x44: {  	s23 =	rddreg [dreg:$0xc]  }
0x45: {  	[tilespmem:s1], [sflag:$0x9] =	stream.linear.gather [hbm4b:s23+s4], $0x60, $0x38;
	v63 =	vld [tilespmem:$0x0]  }
0x46: {  	_ =	swait.ge [sflag:s24], $0x60  }
0x47: {  	[sflag:s24] =	ssyncset.done $0x0  }
0x48: {  	s21 =	rddreg [dreg:$0xd];
	[sflag:s24] =	ssyncadd.s32 $0xFFFFFFA0  }
0x49: {  	[tilespmem:s5], [sflag:$0x9] =	stream.linear.gather [hbm4b:s21+s4], $0x60, $0x38;
	v63 =	vld [tilespmem:$0x0]  }
0x4a: {  	_ =	swait.ge [sflag:s24], $0x60  }
0x4b: {  	[sflag:s24] =	ssyncset.done $0x0  }
0x4c: {  	[sflag:s24] =	ssyncadd.s32 $0xFFFFFFA0  }
0x4d: {  	[tilespmem:s6], [sflag:$0x3] =	stream.indirect.gather [hbm4b:s2+s26], $0x80, s1, s26, $0xb8;
	v63 =	vld [tilespmem:$0x0]  }
0x4e: {  	_ =	swait.ge [sflag:s8], $0x3000  }
0x4f: {  	[sflag:s8] =	ssyncset.done $0x0  }
0x50: {  	[sflag:s8] =	ssyncadd.s32 $0xFFFFD000  }
0x51: {  	[spmem:s3] =	stream.indirect.scatter.add.f32 [tilespmem:s31], [sflag:$0x6], $0x80, s30, s26, $0xb8;
	v63 =	vld [tilespmem:$0x0]  }
0x52: {  	s22 =	rddreg [dreg:$0xe]  }
0x53: {  	[tilespmem:s9], [sflag:$0x9] =	stream.linear.gather [hbm4b:s22+s4], $0x60, $0x38;
	v63 =	vld [tilespmem:$0x0]  }
0x54: {  	_ =	swait.ge [sflag:s24], $0x60  }
0x55: {  	[sflag:s24] =	ssyncset.done $0x0  }
0x56: {  	s23 =	rddreg [dreg:$0xf];
	[sflag:s24] =	ssyncadd.s32 $0xFFFFFFA0  }
0x57: {  	[tilespmem:s10], [sflag:$0x9] =	stream.linear.gather [hbm4b:s23+s4], $0x60, $0x38;
	v63 =	vld [tilespmem:$0x0]  }
0x58: {  	_ =	swait.ge [sflag:s24], $0x60  }
0x59: {  	[sflag:s24] =	ssyncset.done $0x0  }
0x5a: {  	[sflag:s24] =	ssyncadd.s32 $0xFFFFFFA0  }
0x5b: {  	[tilespmem:s11], [sflag:$0x4] =	stream.indirect.gather [hbm4b:s2+s26], $0x80, s9, s26, $0xb8;
	v63 =	vld [tilespmem:$0x0]  }
0x5c: {  	_ =	swait.ge [sflag:s12], $0x3000  }
0x5d: {  	[sflag:s12] =	ssyncset.done $0x0  }
0x5e: {  	[sflag:s12] =	ssyncadd.s32 $0xFFFFD000  }
0x5f: {  	_ =	swait.ge [sflag:s13], $0x3000  }
0x60: {  	[sflag:s13] =	ssyncset.done $0x0;
	s21 =	rddreg [dreg:$0x4]  }
0x61: {  	[sflag:s13] =	ssyncadd.s32 $0xFFFFD000;
	s20 =	sadd.s32 $0x0, s21  }
0x62: {  	[spmem:s3] =	stream.indirect.scatter.add.f32 [tilespmem:s6], [sflag:$0x7], $0x80, s5, s26, $0xb8;
	v63 =	vld [tilespmem:$0x0]  }
0x63: {  	s21 =	sadd.s32 $0x30, s20  }
0x64: {  	[tilespmem:s4], [sflag:$0x9] =	stream.linear.gather [hbm4b:s21+s4], $0x60, $0x38;
	v63 =	vld [tilespmem:$0x0]  }
0x65: {  	_ =	swait.ge [sflag:s24], $0x60  }
0x66: {  	s22 =	rddreg [dreg:$0x5]  }
0x67: {  	[sflag:s24] =	ssyncset.done $0x0;
	s21 =	sadd.s32 $0x0, s22  }
0x68: {  	[sflag:s24] =	ssyncadd.s32 $0xFFFFFFA0;
	s22 =	sadd.s32 $0x30, s21  }
0x69: {  	[tilespmem:s25], [sflag:$0x9] =	stream.linear.gather [hbm4b:s22+s4], $0x60, $0x38;
	v63 =	vld [tilespmem:$0x0]  }
0x6a: {  	_ =	swait.ge [sflag:s24], $0x60  }
0x6b: {  	[sflag:s24] =	ssyncset.done $0x0  }
0x6c: {  	[sflag:s24] =	ssyncadd.s32 $0xFFFFFFA0  }
0x6d: {  	[tilespmem:s28], [sflag:$0x1] =	stream.indirect.gather [hbm4b:s2+s26], $0x80, s4, s26, $0xb8;
	v63 =	vld [tilespmem:$0x0]  }
0x6e: {  	_ =	swait.ge [sflag:s14], $0x3000  }
0x6f: {  	[sflag:s14] =	ssyncset.done $0x0  }
0x70: {  	[sflag:s14] =	ssyncadd.s32 $0xFFFFD000  }
0x71: {  	_ =	swait.ge [sflag:s15], $0x3000  }
0x72: {  	[sflag:s15] =	ssyncset.done $0x0  }
0x73: {  	[sflag:s15] =	ssyncadd.s32 $0xFFFFD000  }
0x74: {  	[spmem:s3] =	stream.indirect.scatter.add.f32 [tilespmem:s11], [sflag:$0x8], $0x80, s10, s26, $0xb8;
	v63 =	vld [tilespmem:$0x0]  }
0x75: {  	s23 =	sadd.s32 $0x3C, s20  }
0x76: {  	[tilespmem:s29], [sflag:$0x9] =	stream.linear.gather [hbm4b:s23+s4], $0x60, $0x38;
	v63 =	vld [tilespmem:$0x0]  }
0x77: {  	_ =	swait.ge [sflag:s24], $0x60  }
0x78: {  	[sflag:s24] =	ssyncset.done $0x0  }
0x79: {  	s23 =	sadd.s32 $0x3C, s21;
	[sflag:s24] =	ssyncadd.s32 $0xFFFFFFA0  }
0x7a: {  	[tilespmem:s30], [sflag:$0x9] =	stream.linear.gather [hbm4b:s23+s4], $0x60, $0x38;
	v63 =	vld [tilespmem:$0x0]  }
0x7b: {  	_ =	swait.ge [sflag:s24], $0x60  }
0x7c: {  	[sflag:s24] =	ssyncset.done $0x0  }
0x7d: {  	[sflag:s24] =	ssyncadd.s32 $0xFFFFFFA0  }
0x7e: {  	[tilespmem:s31], [sflag:$0x2] =	stream.indirect.gather [hbm4b:s2+s26], $0x80, s29, s26, $0xb8;
	v63 =	vld [tilespmem:$0x0]  }
0x7f: {  	_ =	swait.ge [sflag:s0], $0x3000  }
0x80: {  	[sflag:s0] =	ssyncset.done $0x0  }
0x81: {  	[sflag:s0] =	ssyncadd.s32 $0xFFFFD000  }
0x82: {  	_ =	swait.ge [sflag:s16], $0x3000  }
0x83: {  	[sflag:s16] =	ssyncset.done $0x0  }
0x84: {  	[sflag:s16] =	ssyncadd.s32 $0xFFFFD000  }
0x85: {  	[spmem:s3] =	stream.indirect.scatter.add.f32 [tilespmem:s28], [sflag:$0x5], $0x80, s25, s26, $0xb8;
	v63 =	vld [tilespmem:$0x0]  }
0x86: {  	s23 =	sadd.s32 $0x48, s20  }
0x87: {  	[tilespmem:s1], [sflag:$0x9] =	stream.linear.gather [hbm4b:s23+s4], $0x60, $0x38;
	v63 =	vld [tilespmem:$0x0]  }
0x88: {  	_ =	swait.ge [sflag:s24], $0x60  }
0x89: {  	[sflag:s24] =	ssyncset.done $0x0  }
0x8a: {  	s23 =	sadd.s32 $0x48, s21;
	[sflag:s24] =	ssyncadd.s32 $0xFFFFFFA0  }
0x8b: {  	[tilespmem:s5], [sflag:$0x9] =	stream.linear.gather [hbm4b:s23+s4], $0x60, $0x38;
	v63 =	vld [tilespmem:$0x0]  }
0x8c: {  	_ =	swait.ge [sflag:s24], $0x60  }
0x8d: {  	[sflag:s24] =	ssyncset.done $0x0  }
0x8e: {  	[sflag:s24] =	ssyncadd.s32 $0xFFFFFFA0  }
0x8f: {  	[tilespmem:s6], [sflag:$0x3] =	stream.indirect.gather [hbm4b:s2+s26], $0x80, s1, s26, $0xb8;
	v63 =	vld [tilespmem:$0x0]  }
0x90: {  	_ =	swait.ge [sflag:s8], $0x3000  }
0x91: {  	[sflag:s8] =	ssyncset.done $0x0  }
0x92: {  	[sflag:s8] =	ssyncadd.s32 $0xFFFFD000  }
0x93: {  	_ =	swait.ge [sflag:s17], $0x3000  }
0x94: {  	[sflag:s17] =	ssyncset.done $0x0  }
0x95: {  	[sflag:s17] =	ssyncadd.s32 $0xFFFFD000  }
0x96: {  	[spmem:s3] =	stream.indirect.scatter.add.f32 [tilespmem:s31], [sflag:$0x6], $0x80, s30, s26, $0xb8;
	v63 =	vld [tilespmem:$0x0]  }
0x97: {  	s20 =	sadd.s32 $0x54, s20  }
0x98: {  	[tilespmem:s9], [sflag:$0x9] =	stream.linear.gather [hbm4b:s20+s4], $0x60, $0x38;
	v63 =	vld [tilespmem:$0x0]  }
0x99: {  	_ =	swait.ge [sflag:s24], $0x60  }
0x9a: {  	[sflag:s24] =	ssyncset.done $0x0  }
0x9b: {  	s23 =	sadd.s32 $0x54, s21;
	[sflag:s24] =	ssyncadd.s32 $0xFFFFFFA0  }
0x9c: {  	[tilespmem:s10], [sflag:$0x9] =	stream.linear.gather [hbm4b:s23+s4], $0x60, $0x38;
	v63 =	vld [tilespmem:$0x0]  }
0x9d: {  	_ =	swait.ge [sflag:s24], $0x60  }
0x9e: {  	s20 =	simm.s32 $0x30;
	[sflag:s24] =	ssyncset.done $0x0  }
.LBB2_2:
0x9f: {  	[sflag:s24] =	ssyncadd.s32 $0xFFFFFFA0  }
0xa0: {  	[tilespmem:s11], [sflag:$0x4] =	stream.indirect.gather [hbm4b:s2+s26], $0x80, s9, s26, $0xb8;
	v63 =	vld [tilespmem:$0x0]  }
0xa1: {  	_ =	swait.ge [sflag:s12], $0x3000  }
0xa2: {  	[sflag:s12] =	ssyncset.done $0x0  }
0xa3: {  	[sflag:s12] =	ssyncadd.s32 $0xFFFFD000  }
0xa4: {  	_ =	swait.ge [sflag:s13], $0x3000  }
0xa5: {  	s22 =	smov.u32 s20;
	[sflag:s13] =	ssyncset.done $0x0;
	s21 =	rddreg [dreg:$0x4]  }
0xa6: {  	[sflag:s13] =	ssyncadd.s32 $0xFFFFD000;
	s21 =	sadd.s32 s22, s21  }
0xa7: {  	[spmem:s3] =	stream.indirect.scatter.add.f32 [tilespmem:s6], [sflag:$0x7], $0x80, s5, s26, $0xb8;
	v63 =	vld [tilespmem:$0x0]  }
0xa8: {  	s23 =	sadd.s32 $0x30, s21  }
0xa9: {  	[tilespmem:s4], [sflag:$0x9] =	stream.linear.gather [hbm4b:s23+s4], $0x60, $0x38;
	v63 =	vld [tilespmem:$0x0]  }
0xaa: {  	_ =	swait.ge [sflag:s24], $0x60  }
0xab: {  	s23 =	rddreg [dreg:$0x5]  }
0xac: {  	[sflag:s24] =	ssyncset.done $0x0;
	s22 =	sadd.s32 s22, s23  }
0xad: {  	[sflag:s24] =	ssyncadd.s32 $0xFFFFFFA0;
	s23 =	sadd.s32 $0x30, s22  }
0xae: {  	[tilespmem:s25], [sflag:$0x9] =	stream.linear.gather [hbm4b:s23+s4], $0x60, $0x38;
	v63 =	vld [tilespmem:$0x0]  }
0xaf: {  	_ =	swait.ge [sflag:s24], $0x60  }
0xb0: {  	[sflag:s24] =	ssyncset.done $0x0  }
0xb1: {  	[sflag:s24] =	ssyncadd.s32 $0xFFFFFFA0  }
0xb2: {  	[tilespmem:s28], [sflag:$0x1] =	stream.indirect.gather [hbm4b:s2+s26], $0x80, s4, s26, $0xb8;
	v63 =	vld [tilespmem:$0x0]  }
0xb3: {  	_ =	swait.ge [sflag:s14], $0x3000  }
0xb4: {  	[sflag:s14] =	ssyncset.done $0x0  }
0xb5: {  	[sflag:s14] =	ssyncadd.s32 $0xFFFFD000  }
0xb6: {  	_ =	swait.ge [sflag:s15], $0x3000  }
0xb7: {  	[sflag:s15] =	ssyncset.done $0x0  }
0xb8: {  	[sflag:s15] =	ssyncadd.s32 $0xFFFFD000  }
0xb9: {  	[spmem:s3] =	stream.indirect.scatter.add.f32 [tilespmem:s11], [sflag:$0x8], $0x80, s10, s26, $0xb8;
	v63 =	vld [tilespmem:$0x0]  }
0xba: {  	s23 =	sadd.s32 $0x3C, s21  }
0xbb: {  	[tilespmem:s29], [sflag:$0x9] =	stream.linear.gather [hbm4b:s23+s4], $0x60, $0x38;
	v63 =	vld [tilespmem:$0x0]  }
0xbc: {  	_ =	swait.ge [sflag:s24], $0x60  }
0xbd: {  	[sflag:s24] =	ssyncset.done $0x0  }
0xbe: {  	s23 =	sadd.s32 $0x3C, s22;
	[sflag:s24] =	ssyncadd.s32 $0xFFFFFFA0  }
0xbf: {  	[tilespmem:s30], [sflag:$0x9] =	stream.linear.gather [hbm4b:s23+s4], $0x60, $0x38;
	v63 =	vld [tilespmem:$0x0]  }
0xc0: {  	_ =	swait.ge [sflag:s24], $0x60  }
0xc1: {  	[sflag:s24] =	ssyncset.done $0x0  }
0xc2: {  	[sflag:s24] =	ssyncadd.s32 $0xFFFFFFA0  }
0xc3: {  	[tilespmem:s31], [sflag:$0x2] =	stream.indirect.gather [hbm4b:s2+s26], $0x80, s29, s26, $0xb8;
	v63 =	vld [tilespmem:$0x0]  }
0xc4: {  	_ =	swait.ge [sflag:s0], $0x3000  }
0xc5: {  	[sflag:s0] =	ssyncset.done $0x0  }
0xc6: {  	[sflag:s0] =	ssyncadd.s32 $0xFFFFD000  }
0xc7: {  	_ =	swait.ge [sflag:s16], $0x3000  }
0xc8: {  	[sflag:s16] =	ssyncset.done $0x0  }
0xc9: {  	[sflag:s16] =	ssyncadd.s32 $0xFFFFD000  }
0xca: {  	[spmem:s3] =	stream.indirect.scatter.add.f32 [tilespmem:s28], [sflag:$0x5], $0x80, s25, s26, $0xb8;
	v63 =	vld [tilespmem:$0x0]  }
0xcb: {  	s23 =	sadd.s32 $0x48, s21  }
0xcc: {  	[tilespmem:s1], [sflag:$0x9] =	stream.linear.gather [hbm4b:s23+s4], $0x60, $0x38;
	v63 =	vld [tilespmem:$0x0]  }
0xcd: {  	_ =	swait.ge [sflag:s24], $0x60  }
0xce: {  	[sflag:s24] =	ssyncset.done $0x0  }
0xcf: {  	s23 =	sadd.s32 $0x48, s22;
	[sflag:s24] =	ssyncadd.s32 $0xFFFFFFA0  }
0xd0: {  	[tilespmem:s5], [sflag:$0x9] =	stream.linear.gather [hbm4b:s23+s4], $0x60, $0x38;
	v63 =	vld [tilespmem:$0x0]  }
0xd1: {  	_ =	swait.ge [sflag:s24], $0x60  }
0xd2: {  	[sflag:s24] =	ssyncset.done $0x0  }
0xd3: {  	[sflag:s24] =	ssyncadd.s32 $0xFFFFFFA0  }
0xd4: {  	[tilespmem:s6], [sflag:$0x3] =	stream.indirect.gather [hbm4b:s2+s26], $0x80, s1, s26, $0xb8;
	v63 =	vld [tilespmem:$0x0]  }
0xd5: {  	_ =	swait.ge [sflag:s8], $0x3000  }
0xd6: {  	[sflag:s8] =	ssyncset.done $0x0  }
0xd7: {  	[sflag:s8] =	ssyncadd.s32 $0xFFFFD000  }
0xd8: {  	_ =	swait.ge [sflag:s17], $0x3000  }
0xd9: {  	[sflag:s17] =	ssyncset.done $0x0  }
0xda: {  	[sflag:s17] =	ssyncadd.s32 $0xFFFFD000  }
0xdb: {  	[spmem:s3] =	stream.indirect.scatter.add.f32 [tilespmem:s31], [sflag:$0x6], $0x80, s30, s26, $0xb8;
	v63 =	vld [tilespmem:$0x0]  }
0xdc: {  	s21 =	sadd.s32 $0x54, s21  }
0xdd: {  	[tilespmem:s9], [sflag:$0x9] =	stream.linear.gather [hbm4b:s21+s4], $0x60, $0x38;
	v63 =	vld [tilespmem:$0x0]  }
0xde: {  	p0 =	sne.s32 s20, $0x480;
	_ =	swait.ge [sflag:s24], $0x60  }
.Ltmp0:
0xdf: {  	[sflag:s24] =	ssyncset.done $0x0;
	(pc) =	sbr.rel @p0 .LBB2_2-.Ltmp0, $4  }
0xe0: {  	s23 =	sadd.s32 $0x54, s22;
	[sflag:s24] =	ssyncadd.s32 $0xFFFFFFA0  }
0xe1: {  	[tilespmem:s10], [sflag:$0x9] =	stream.linear.gather [hbm4b:s23+s4], $0x60, $0x38;
	v63 =	vld [tilespmem:$0x0]  }
0xe2: {  	_ =	swait.ge [sflag:s24], $0x60  }
0xe3: {  	s20 =	sadd.s32 $0x30, s20;
	[sflag:s24] =	ssyncset.done $0x0  }
0xe4: {  	[sflag:s24] =	ssyncadd.s32 $0xFFFFFFA0  }
0xe5: {  	[tilespmem:s11], [sflag:$0x4] =	stream.indirect.gather [hbm4b:s2+s26], $0x80, s9, s26, $0xb8;
	v63 =	vld [tilespmem:$0x0]  }
0xe6: {  	_ =	swait.ge [sflag:s13], $0x3000  }
0xe7: {  	[sflag:s13] =	ssyncset.done $0x0  }
0xe8: {  	[sflag:s13] =	ssyncadd.s32 $0xFFFFD000  }
0xe9: {  	_ =	swait.ge [sflag:s15], $0x3000  }
0xea: {  	[sflag:s15] =	ssyncset.done $0x0  }
0xeb: {  	[sflag:s15] =	ssyncadd.s32 $0xFFFFD000  }
0xec: {  	_ =	swait.ge [sflag:s12], $0x3000  }
0xed: {  	[sflag:s12] =	ssyncset.done $0x0  }
0xee: {  	[sflag:s12] =	ssyncadd.s32 $0xFFFFD000  }
0xef: {  	_ =	swait.ge [sflag:s14], $0x3000  }
0xf0: {  	[sflag:s14] =	ssyncset.done $0x0  }
0xf1: {  	s20 =	rddreg [dreg:$0x11];
	[sflag:s14] =	ssyncadd.s32 $0xFFFFD000  }
0xf2: {  	[tilespmem:s1], [sflag:$0x9] =	stream.linear.gather [hbm4b:s20+s4], $0x60, $0x38;
	v63 =	vld [tilespmem:$0x0]  }
0xf3: {  	_ =	swait.ge [sflag:s24], $0x60  }
0xf4: {  	[sflag:s24] =	ssyncset.done $0x0  }
0xf5: {  	s23 =	rddreg [dreg:$0x13];
	[sflag:s24] =	ssyncadd.s32 $0xFFFFFFA0  }
0xf6: {  	[tilespmem:s5], [sflag:$0x9] =	stream.linear.gather [hbm4b:s23+s4], $0x60, $0x38;
	v63 =	vld [tilespmem:$0x0]  }
0xf7: {  	_ =	swait.ge [sflag:s24], $0x60  }
0xf8: {  	[sflag:s24] =	ssyncset.done $0x0  }
0xf9: {  	[sflag:s24] =	ssyncadd.s32 $0xFFFFFFA0  }
0xfa: {  	[tilespmem:s6], [sflag:$0x3] =	stream.indirect.gather [hbm4b:s2+s26], $0x80, s1, s26, $0xb8;
	v63 =	vld [tilespmem:$0x0]  }
0xfb: {  	_ =	swait.ge [sflag:s12], $0x3000  }
0xfc: {  	[sflag:s12] =	ssyncset.done $0x0  }
0xfd: {  	[sflag:s12] =	ssyncadd.s32 $0xFFFFD000  }
0xfe: {  	[spmem:s3] =	stream.indirect.scatter.add.f32 [tilespmem:s6], [sflag:$0x7], $0x80, s5, s26, $0xb8;
	v63 =	vld [tilespmem:$0x0]  }
0xff: {  	_ =	swait.ge [sflag:s16], $0x3000  }
0x100: {  	[sflag:s16] =	ssyncset.done $0x0  }
0x101: {  	s21 =	rddreg [dreg:$0x14];
	[sflag:s16] =	ssyncadd.s32 $0xFFFFD000  }
0x102: {  	[tilespmem:s1], [sflag:$0x9] =	stream.linear.gather [hbm4b:s21+s4], $0x60, $0x38;
	v63 =	vld [tilespmem:$0x0]  }
0x103: {  	_ =	swait.ge [sflag:s24], $0x60  }
0x104: {  	[sflag:s24] =	ssyncset.done $0x0  }
0x105: {  	s22 =	rddreg [dreg:$0x15];
	[sflag:s24] =	ssyncadd.s32 $0xFFFFFFA0  }
0x106: {  	[tilespmem:s5], [sflag:$0x9] =	stream.linear.gather [hbm4b:s22+s4], $0x60, $0x38;
	v63 =	vld [tilespmem:$0x0]  }
0x107: {  	_ =	swait.ge [sflag:s24], $0x60  }
0x108: {  	[sflag:s24] =	ssyncset.done $0x0  }
0x109: {  	[sflag:s24] =	ssyncadd.s32 $0xFFFFFFA0  }
0x10a: {  	[tilespmem:s6], [sflag:$0x3] =	stream.indirect.gather [hbm4b:s2+s26], $0x80, s1, s26, $0xb8;
	v63 =	vld [tilespmem:$0x0]  }
0x10b: {  	_ =	swait.ge [sflag:s12], $0x3000  }
0x10c: {  	[sflag:s12] =	ssyncset.done $0x0  }
0x10d: {  	[sflag:s12] =	ssyncadd.s32 $0xFFFFD000  }
0x10e: {  	[spmem:s3] =	stream.indirect.scatter.add.f32 [tilespmem:s6], [sflag:$0x7], $0x80, s5, s26, $0xb8;
	v63 =	vld [tilespmem:$0x0]  }
0x10f: {  	_ =	swait.ge [sflag:s16], $0x3000  }
0x110: {  	[sflag:s16] =	ssyncset.done $0x0  }
0x111: {  	s23 =	rddreg [dreg:$0x16];
	[sflag:s16] =	ssyncadd.s32 $0xFFFFD000  }
0x112: {  	[tilespmem:s1], [sflag:$0x9] =	stream.linear.gather [hbm4b:s23+s4], $0x60, $0x38;
	v63 =	vld [tilespmem:$0x0]  }
0x113: {  	_ =	swait.ge [sflag:s24], $0x60  }
0x114: {  	[sflag:s24] =	ssyncset.done $0x0  }
0x115: {  	s21 =	rddreg [dreg:$0x17];
	[sflag:s24] =	ssyncadd.s32 $0xFFFFFFA0  }
0x116: {  	[tilespmem:s5], [sflag:$0x9] =	stream.linear.gather [hbm4b:s21+s4], $0x60, $0x38;
	v63 =	vld [tilespmem:$0x0]  }
0x117: {  	_ =	swait.ge [sflag:s24], $0x60  }
0x118: {  	[sflag:s24] =	ssyncset.done $0x0  }
0x119: {  	[sflag:s24] =	ssyncadd.s32 $0xFFFFFFA0  }
0x11a: {  	[tilespmem:s6], [sflag:$0x3] =	stream.indirect.gather [hbm4b:s2+s26], $0x80, s1, s26, $0xb8;
	v63 =	vld [tilespmem:$0x0]  }
0x11b: {  	_ =	swait.ge [sflag:s12], $0x3000  }
0x11c: {  	[sflag:s12] =	ssyncset.done $0x0  }
0x11d: {  	[sflag:s12] =	ssyncadd.s32 $0xFFFFD000  }
0x11e: {  	[spmem:s3] =	stream.indirect.scatter.add.f32 [tilespmem:s6], [sflag:$0x7], $0x80, s5, s26, $0xb8;
	v63 =	vld [tilespmem:$0x0]  }
0x11f: {  	_ =	swait.ge [sflag:s16], $0x3000  }
0x120: {  	[sflag:s16] =	ssyncset.done $0x0  }
0x121: {  	[sflag:s16] =	ssyncadd.s32 $0xFFFFD000  }
0x122: {  	[bflag:$0x0] =	sbarrier.arrive $0xFFFF  }
0x123: {  	s22 =	rddreg [dreg:$0x10]  }
0x124: {  	[hbm:s22], [sflag:s7] =	dma.local [spmem:s19], $0x2780  }
0x125: {  	_ =	swait.ge [sflag:s24], $0x2780  }
0x126: {  	s18 =	sadd.s32 $0x1, s18;
	s23 =	rddreg [dreg:$0x12]  }
0x127: {  	p0 =	sne.s32 s18, s23  }
.Ltmp1:
0x128: {  	_ = 	snop;
	(pc) =	sbr.rel @p0 .LBB2_1-.Ltmp1, $3  }
0x129: {  	_ =	sdelay $0x1  }
0x12a: {  	[sflag:s24] =	ssyncset.done $0x0  }
0x12b: {  	[sflag:s24] =	ssyncadd.s32 $0xFFFFD880  }
0x12c: {  	_ =	sfence.sel $0x180000  }
0x12d: {  	[bflag:$0x0] =	sbarrier.arrive $0xFFFF  }
0x12e: {  	_ =	strace $0x9000004D  }
0x12f: {  	s0 =	stileid.u32;
	[bflag:$0x2] =	sbarrier.arrive $0xFFFF  }
0x130: {  	p0 =	sne.s32 s0, $0x0;
	s0 =	rddreg [dreg:$0x3]  }
0x131: {  	s0 =	sadd.s32 @!p0 $0x100000, s0  }
0x132: {  	[sflag:s0] =	ssyncadd.tile.s32 @!p0 $0x1;
	_ =	shalt  }
.Lfunc_end2:
_tile_overlayer_lowered:
.L_overlay_start_2:
0x133: {  	(tag) =	ssettag $0x2  }
0x134: {  	s0 =	rddreg [dreg:$0x0];
	s2 =	stileid.u32  }
0x135: {  	s1 =	rddreg [dreg:$0x1];
	p0 =	sne.s32 s2, $0x0  }
0x136: {  	s3 =	rddreg [dreg:$0x2];
	[bflag:$0x3] =	sbarrier.arrive $0xFFFF;
	s2 =	simm.s32 @!p0 $0x1C09  }
0x137: {  	[timem:s3], [sflag:s2] =	dma.local @!p0 [hbm:s0], s1  }
0x138: {  	s0 =	simm.s32 @!p0 $0x9  }
0x139: {  	_ =	swait.ge @!p0 [sflag:s0], s1  }
0x13a: {  	s1 =	ssub.s32 @!p0 $0x0, s1;
	[sflag:s0] =	ssyncset.done @!p0 $0x0  }
0x13b: {  	[sflag:s0] =	ssyncadd.s32 @!p0 s1  }
0x13c: {  	[bflag:$0x3] =	sbarrier.arrive $0xFFFF  }
0x13d: {  	_ =	shalt  }

// kernel: kernel.8.cloned.1.call-start
scs
__scs_entry_jumppad:
0x0: {  	(pc) =	sbr.rel $0x88, $3  }
0x1: {  	(tag) =	ssettag $0x0;
	lr =	simm.s32 $0x1  }
0x2: {  	[smem:$0x3F9B] =	sst lr;
	_ =	strace $0xD0000000  }
0x3: {  	_ = 	snop  }
0x4: {  	_ = 	snop  }
0x5: {  	_ = 	snop  }
0x6: {  	_ = 	snop  }
0x7: {  	_ = 	snop  }
__scs_overlays_trampoline_lowered:
0x8: {  	[smem:$0x3FAA] =	sst s0  }
0x9: {  	[smem:$0x3FAB] =	sst s1  }
0xa: {  	[smem:$0x3FAC] =	sst s2  }
0xb: {  	[smem:$0x3FAD] =	sst s3  }
0xc: {  	[smem:$0x3FAE] =	sst s4  }
0xd: {  	[smem:$0x3FAF] =	sst s5  }
0xe: {  	[smem:$0x3FB0] =	sst s6  }
0xf: {  	[smem:$0x3FB1] =	sst s7  }
0x10: {  	[smem:$0x3FB2] =	sst s8  }
0x11: {  	[smem:$0x3FB3] =	sst s9;
	s0 =	simm.s32 @!p0 $0x0  }
0x12: {  	s1 =	sld [smem:$0x3F99];
	s0 =	simm.s32 @p0 $0x1  }
0x13: {  	[smem:$0x3FB4] =	sst s0;
	s0 =	simm.s32 @!p1 $0x0  }
0x14: {  	s2 =	sld [smem:$0x3F98];
	s0 =	simm.s32 @p1 $0x1  }
0x15: {  	[smem:$0x3FB5] =	sst s0;
	s0 =	simm.s32 @!p2 $0x0  }
0x16: {  	s3 =	sld [smem:$0x3FDB];
	s0 =	simm.s32 @p2 $0x1  }
0x17: {  	s4 =	simm.s32 $0x1BF5;
	[smem:$0x3FB7] =	sst s0  }
0x18: {  	s0 =	sld [smem:$0x3F9A];
	_ =	swait.ge [sflag:s4], $0x0  }
0x19: {  	s7 =	sld [smem:$0x3F9B]  }
0x1a: {  	s8 =	sadd.s32 $0xFFFFE003, lr  }
0x1b: {  	s9 =	sadd.s32 $0xFFFFFEF7, lr;
	s5 =	simm.s32 $0xFFFFFFFF;
	p2 =	slt.u32 s8, $0xFFFFF086  }
0x1c: {  	p1 =	slt.u32 s9, $0xF7A;
	s5 =	simm.s32 @!p2 $0x0  }
0x1d: {  	s5 =	simm.s32 @p1 $0x1;
	p0 =	seq.s32 s7, s2  }
0x1e: {  	s7 =	smul.u32 @!p0 $0xF7A, s2;
	p2 =	seq.s32 @!p0 s5, $0x0  }
0x1f: {  	s9 =	smul.u32 $0xF7A, s1;
	s8 =	simm.s32 @!p0 $0x1BF5;
	p2 =	por !p2, p0  }
0x20: {  	[sflag:s8] =	ssyncset.s32 @!p0 $0xFFFFF086;
	s6 =	sadd.s32 @!p0 s3, s7;
	s7 =	simm.s32 @!p0 $0x108  }
0x21: {  	s3 =	sadd.s32 s3, s9;
	s6 =	sadd.s32 @!p0 $0x88, s6;
	s7 =	simm.s32 @p2 $0x1082  }
0x22: {  	[simem:s7], [sflag:s8] =	dma.local @!p0 [hbm:s6], $0xF7A  }
0x23: {  	s9 =	sor.u32 $0xD0000000, s2;
	s6 =	simm.s32 $0x108;
	_ =	swait.ge @!p0 [sflag:s8], $0x0  }
0x24: {  	s3 =	sadd.s32 $0x88, s3;
	s6 =	simm.s32 @!p1 $0x1082;
	[sflag:s4] =	ssyncset.s32 $0xFFFFF086  }
0x25: {  	[simem:s6], [sflag:s4] =	dma.local [hbm:s3], $0xF7A  }
0x26: {  	[smem:$0x3F9B] =	sst s1;
	(tag) =	ssettag s2;
	_ =	strace s9  }
0x27: {  	s1 =	sld [smem:$0x3FAB]  }
0x28: {  	s2 =	sld [smem:$0x3FAC]  }
0x29: {  	s4 =	sld [smem:$0x3FAE]  }
0x2a: {  	p0 =	seq.s32 s5, $0x0;
	s5 =	sld [smem:$0x3FAF]  }
0x2b: {  	s6 =	sld [smem:$0x3FB0]  }
0x2c: {  	s7 =	sld [smem:$0x3FB1]  }
0x2d: {  	s3 =	simm.s32 $0x108;
	s8 =	sld [smem:$0x3FB2]  }
0x2e: {  	s3 =	simm.s32 @!p0 $0x1082;
	s9 =	sld [smem:$0x3FB3]  }
0x2f: {  	lr =	sadd.s32 s0, s3;
	s0 =	sld [smem:$0x3FAA]  }
0x30: {  	s3 =	sld [smem:$0x3FAD]  }
0x31: {  	[smem:$0x3FB6] =	sst s10  }
0x32: {  	s10 =	sld [smem:$0x3FB4];
	_ =	sdelay $0x3  }
0x33: {  	p0 =	seq.s32 s10, $0x1;
	s10 =	sld [smem:$0x3FB6];
	_ =	sdelay $0x3  }
0x34: {  	[smem:$0x3FB6] =	sst s10  }
0x35: {  	s10 =	sld [smem:$0x3FB5];
	_ =	sdelay $0x3  }
0x36: {  	p1 =	seq.s32 s10, $0x1;
	s10 =	sld [smem:$0x3FB6];
	_ =	sdelay $0x3  }
0x37: {  	[smem:$0x3FB6] =	sst s10  }
0x38: {  	s10 =	sld [smem:$0x3FB7]  }
0x39: {  	_ = 	snop;
	(pc) =	sbr.ind lr, $3  }
0x3a: {  	_ = 	snop  }
0x3b: {  	_ = 	snop  }
0x3c: {  	p2 =	seq.s32 s10, $0x1;
	s10 =	sld [smem:$0x3FB6]  }
0x3d: {  	_ =	shalt  }
0x3e: {  	_ =	shalt  }
0x3f: {  	_ =	shalt  }
0x40: {  	_ =	shalt  }
0x41: {  	_ =	shalt  }
0x42: {  	_ =	shalt  }
0x43: {  	_ =	shalt  }
0x44: {  	_ =	shalt  }
0x45: {  	_ =	shalt  }
0x46: {  	_ =	shalt  }
0x47: {  	_ =	shalt  }
0x48: {  	_ =	shalt  }
0x49: {  	_ =	shalt  }
0x4a: {  	_ =	shalt  }
0x4b: {  	_ =	shalt  }
0x4c: {  	_ =	shalt  }
0x4d: {  	_ =	shalt  }
0x4e: {  	_ =	shalt  }
0x4f: {  	_ =	shalt  }
0x50: {  	_ =	shalt  }
0x51: {  	_ =	shalt  }
0x52: {  	_ =	shalt  }
0x53: {  	_ =	shalt  }
0x54: {  	_ =	shalt  }
0x55: {  	_ =	shalt  }
0x56: {  	_ =	shalt  }
0x57: {  	_ =	shalt  }
0x58: {  	_ =	shalt  }
0x59: {  	_ =	shalt  }
0x5a: {  	_ =	shalt  }
0x5b: {  	_ =	shalt  }
0x5c: {  	_ =	shalt  }
0x5d: {  	_ =	shalt  }
0x5e: {  	_ =	shalt  }
0x5f: {  	_ =	shalt  }
0x60: {  	_ =	shalt  }
0x61: {  	_ =	shalt  }
0x62: {  	_ =	shalt  }
0x63: {  	_ =	shalt  }
0x64: {  	_ =	shalt  }
0x65: {  	_ =	shalt  }
0x66: {  	_ =	shalt  }
0x67: {  	_ =	shalt  }
0x68: {  	_ =	shalt  }
0x69: {  	_ =	shalt  }
0x6a: {  	_ =	shalt  }
0x6b: {  	_ =	shalt  }
0x6c: {  	_ =	shalt  }
0x6d: {  	_ =	shalt  }
0x6e: {  	_ =	shalt  }
0x6f: {  	_ =	shalt  }
0x70: {  	_ =	shalt  }
0x71: {  	_ =	shalt  }
0x72: {  	_ =	shalt  }
0x73: {  	_ =	shalt  }
0x74: {  	_ =	shalt  }
0x75: {  	_ =	shalt  }
0x76: {  	_ =	shalt  }
0x77: {  	_ =	shalt  }
0x78: {  	_ =	shalt  }
0x79: {  	_ =	shalt  }
0x7a: {  	_ =	shalt  }
0x7b: {  	_ =	shalt  }
0x7c: {  	_ =	shalt  }
0x7d: {  	_ =	shalt  }
0x7e: {  	_ =	shalt  }
0x7f: {  	_ =	shalt  }
0x80: {  	_ =	shalt  }
0x81: {  	_ =	shalt  }
0x82: {  	_ =	shalt  }
0x83: {  	_ =	shalt  }
0x84: {  	_ =	shalt  }
0x85: {  	_ =	shalt  }
0x86: {  	_ =	shalt  }
0x87: {  	_ =	shalt  }
.Lfunc_end0:
.L_simem_size_0:
called_computation_lowered:
.L_overlay_start_0:
0x88: {  	s2 =	sld [smem:$0x3FD9]  }
0x89: {  	s3 =	sld [smem:$0x3FFE];
	_ =	sdelay $0x1  }
0x8a: {  	s1 =	srdreg.scid  }
0x8b: {  	s0 =	sand.u32 $0x1, s1  }
0x8c: {  	s17 =	sshll.u32 s0, $0xA;
	s2 =	sadd.s32 s3, s2  }
0x8d: {  	s2 =	sadd.s32 s2, s17  }
0x8e: {  	[smem:$0x3FC2] =	sst s2  }
0x8f: {  	_ = 	snop  }
0x90: {  	s2 =	sld [smem:$0x3FD0];
	(tm) =	ssettm $0x1  }
0x91: {  	s18 =	sld [smem:$0x3FFB];
	_ =	sdelay $0x3  }
0x92: {  	_ =	strace s18  }
0x93: {  	s3 =	sld [smem:$0x3FFC];
	_ =	sdelay $0x3  }
0x94: {  	_ =	strace s3  }
0x95: {  	s3 =	sld [smem:$0x3FFD];
	_ =	sdelay $0x3  }
0x96: {  	_ =	strace s3  }
0x97: {  	_ =	strace $0x8FFFFFFF  }
0x98: {  	s19 =	sld [smem:$0x3FDB];
	_ =	sdelay $0x1  }
0x99: {  	s4 =	simm.s32 $_scs_section_size  }
0x9a: {  	s5 =	simm.s32 $_size__tile_overlayer_lowered;
	s6 =	simm.s32 $_tile_overlayer_lowered  }
0x9b: {  	s22 =	simm.s32 $0x1BFF;
	s21 =	sshll.u32 s6, $0x1;
	s3 =	sadd.s32 s4, s19  }
0x9c: {  	s7 =	simm.s32 $0x0;
	s20 =	sshll.u32 s5, $0x1;
	s5 =	sadd.s32 s21, s3  }
0x9d: {  	[timem:s7], [sflag:s22] =	dma.local [hbm:s5], s20  }
0x9e: {  	_ =	swait.ge [sflag:s22], s20  }
0x9f: {  	s4 =	ssub.s32 $0x0, s20;
	[sflag:s22] =	ssyncset.done $0x0  }
0xa0: {  	[sflag:s22] =	ssyncadd.s32 s4;
	_ =	sdelay $0x1  }
0xa1: {  	s23 =	simm.s32 $0x1B8B  }
0xa2: {  	_ =	swait.ge [sflag:s23], $0x1  }
0xa3: {  	[sflag:s23] =	ssyncset.done $0x0  }
0xa4: {  	s25 =	simm.s32 $0x1B8E;
	s24 =	sld [smem:$0x3FFE];
	[sflag:s23] =	ssyncadd.s32 $0xFFFFFFFF  }
0xa5: {  	s26 =	simm.s32 $execute0_lowered;
	[smem:$0x3FD2] =	sst s25  }
0xa6: {  	s5 =	sshll.u32 s26, $0x1;
	_ =	strace $0x80000046;
	[dreg:$0x1] =	wrdreg $0xFFFFFFFF  }
0xa7: {  	s28 =	simm.s32 $_size_execute0_lowered;
	s3 =	sadd.s32 s3, s5;
	[dreg:$0x0] =	wrdreg $0x0  }
0xa8: {  	s5 =	sshll.u32 s28, $0x1;
	[dreg:$0x2] =	wrdreg s3  }
0xa9: {  	[dreg:$0x3] =	wrdreg s5  }
0xaa: {  	[dreg:$0x4] =	wrdreg $0xC0  }
0xab: {  	_ =	task [dreg:s7], $0x5FFFF  }
0xac: {  	[dreg:$0x1] =	wrdreg $0xFFFFFFFF  }
0xad: {  	[dreg:$0x0] =	wrdreg $0x60  }
0xae: {  	[dreg:$0x2] =	wrdreg s24  }
0xaf: {  	[dreg:$0x3] =	wrdreg s2  }
0xb0: {  	[dreg:$0x4] =	wrdreg $0x41000  }
0xb1: {  	[dreg:$0x5] =	wrdreg $0x9  }
0xb2: {  	_ =	task.clear_ibuf [dreg:s7], $0x6FFFF;
	_ =	strace $0x90000046  }
0xb3: {  	s29 =	simm.s32 $0x9;
	_ =	strace $0x80000048  }
0xb4: {  	_ =	swait.ge [sflag:s29], $0x1  }
0xb5: {  	[sflag:s29] =	ssyncadd.s32 $0xFFFFFFFF  }
0xb6: {  	_ =	strace $0x90000048  }
0xb7: {  	_ =	sfence  }
0xb8: {  	s30 =	sld [smem:$0x0];
	_ =	sdelay $0x2  }
0xb9: {  	s31 =	sshll.u32 s1, $0xD;
	s1 =	sshrl.u32 s1, $0x2  }
0xba: {  	s3 =	sand.u32 $0x4000, s31;
	s1 =	sadd.s32 s1, s30  }
0xbb: {  	s0 =	sor.u32 s3, s0;
	s1 =	sshll.u32 s1, $0x11  }
0xbc: {  	s0 =	sor.u32 s1, s0  }
0xbd: {  	s0 =	sadd.s32 $0x8F2B, s0  }
0xbe: {  	[sflag:s0] =	ssyncadd.remote.s32 $0x1  }
0xbf: {  	_ =	sfence.sel $0xFFFF  }
0xc0: {  	[dreg:$0x0] =	wrdreg $0xFFFFFFFF;
	(pc) =	sbr.abs _section_cstart, $3  }
0xc1: {  	[dreg:$0x1] =	wrdreg $0xFFFFFFFF  }
0xc2: {  	_ =	task.clear_ibuf [dreg:s7], $0x2FFFF;
	_ =	strace $0x9FFFFFFF  }
0xc3: {  	(tm) =	ssettm $0x7FFFFFFF  }
tec
execute0_lowered:
.L_overlay_start_1:
0x0: {  	(tag) =	ssettag $0x1  }
0x1: {  	s5 =	rddreg [dreg:$0x0]  }
0x2: {  	s2 =	rddreg [dreg:$0x1]  }
0x3: {  	s3 =	rddreg [dreg:$0x2]  }
0x4: {  	s0 =	rddreg [dreg:$0x3]  }
0x5: {  	s1 =	stileid.u32;
	s4 =	simm.s32 $0x0;
	s7 =	srdreg.scid  }
0x6: {  	s16 =	simm.s32 $0x1;
	s17 =	simm.s32 $0x2;
	s6 =	smul.u32 $0x13C00, s1  }
0x7: {  	s18 =	simm.s32 $0x0;
	[smem:$0x7FF] =	sst s4;
	s24 =	smul.u32 $0x4F000, s1  }
0x8: {  	s7 =	sand.u32 $0x1, s7;
	s11 =	sadd.s32 $0x2000, s5;
	s28 =	smul.u32 $0x50, s1  }
0x9: {  	s29 =	sshll.u32 s1, $0x6;
	_ =	strace $0x80000047;
	s9 =	smul.u32 $0x13C000, s7  }
0xa: {  	s10 =	sshll.u32 s7, $0x4;
	s12 =	ssub.s32 $0x2, s7;
	s14 =	smul.u32 $0x500, s7  }
0xb: {  	s8 =	sshrl.u32 s6, $0x3;
	s10 =	sor.u32 s1, s10;
	s25 =	sshrl.u32 s12, $0x1  }
0xc: {  	s26 =	sshrl.u32 s24, $0x2;
	s8 =	sadd.s32 s8, s5;
	s6 =	sadd.s32 s6, s9  }
0xd: {  	s10 =	smul.u32 $0x500, s10;
	s12 =	ssub.s32 s12, s25;
	s15 =	sadd.s32 s26, s3  }
0xe: {  	s30 =	sadd.s32 s28, s14;
	s14 =	simm.s32 $0x100;
	s6 =	sshrl.u32 s6, $0x3  }
0xf: {  	s9 =	smax.u32 s12, $0x1;
	s31 =	sshll.u32 s30, $0x4;
	s12 =	sshrl.u32 s15, $0x3  }
0x10: {  	s15 =	simm.s32 $0x80;
	s13 =	sadd.s32 s6, s5;
	s5 =	sadd.s32 $0x16000, s8  }
0x11: {  	s6 =	sor.u32 $0x1C03, s29;
	s7 =	sadd.s32 s11, s10;
	s11 =	sadd.s32 s31, s11  }
0x12: {  	s8 =	sadd.s32 $0x3D800, s13;
	s10 =	sadd.s32 $0x4F0, s7;
	s13 =	simm.s32 $0x3  }
.LBB2_1:
0x13: {  	[spmem:s12], [sflag:s6] =	dma.local [hbm:s5], $0x2780  }
0x14: {  	_ =	swait.ge [sflag:s13], $0x2780  }
0x15: {  	[sflag:s13] =	ssyncset.done $0x0  }
0x16: {  	[sflag:s13] =	ssyncadd.s32 $0xFFFFD880  }
0x17: {  	[tilespmem:s14], [sflag:$0x3] =	stream.linear.gather [hbm4b:s2+s4], $0x4000, $0x38;
	[tilespmem:$0x17D00] =	vst v63  }
0x18: {  	_ =	swait.ge [sflag:s13], $0x4000  }
0x19: {  	[sflag:s13] =	ssyncset.done $0x0  }
0x1a: {  	[sflag:s13] =	ssyncadd.s32 $0xFFFFC000  }
0x1b: {  	[bflag:$0x0] =	sbarrier.arrive $0xFFFF  }
0x1c: {  	[tilespmem:s4], [sflag:$0x3] =	stream.linear.gather [hbm4b:s7+s4], $0x80, $0x38;
	[tilespmem:$0x17D00] =	vst v63  }
0x1d: {  	_ =	swait.ge [sflag:s13], $0x80  }
0x1e: {  	[sflag:s13] =	ssyncset.done $0x0  }
0x1f: {  	s19 =	sadd.s32 $0xFFFFFB20, s11;
	[sflag:s13] =	ssyncadd.s32 $0xFFFFFF80  }
0x20: {  	[spmem:s3] =	stream.indirect.scatter.add.f32 [tilespmem:s14], [sflag:$0x1], $0x80, s4, s15, $0xb8;
	[tilespmem:$0x17D00] =	vst v63  }
0x21: {  	s20 =	sadd.s32 $0x4F0, s19  }
0x22: {  	[tilespmem:s15], [sflag:$0x3] =	stream.linear.gather [hbm4b:s20+s4], $0x80, $0x38;
	[tilespmem:$0x17D00] =	vst v63  }
0x23: {  	_ =	swait.ge [sflag:s13], $0x80  }
0x24: {  	[sflag:s13] =	ssyncset.done $0x0  }
0x25: {  	[sflag:s13] =	ssyncadd.s32 $0xFFFFFF80  }
0x26: {  	[spmem:s3] =	stream.indirect.scatter.add.f32 [tilespmem:s14], [sflag:$0x2], $0x80, s15, s15, $0xb8;
	[tilespmem:$0x17D00] =	vst v63  }
0x27: {  	_ =	swait.ge [sflag:s16], $0x4000  }
0x28: {  	[sflag:s16] =	ssyncset.done $0x0  }
0x29: {  	s19 =	sadd.s32 $0x500, s19;
	[sflag:s16] =	ssyncadd.s32 $0xFFFFC000  }
0x2a: {  	[tilespmem:s4], [sflag:$0x3] =	stream.linear.gather [hbm4b:s19+s4], $0x80, $0x38;
	[tilespmem:$0x17D00] =	vst v63  }
0x2b: {  	_ =	swait.ge [sflag:s13], $0x80  }
0x2c: {  	[sflag:s13] =	ssyncset.done $0x0  }
0x2d: {  	[sflag:s13] =	ssyncadd.s32 $0xFFFFFF80  }
0x2e: {  	_ =	swait.ge [sflag:s17], $0x4000  }
0x2f: {  	s19 =	simm.s32 $0xFFFFFB40;
	[sflag:s17] =	ssyncset.done $0x0  }
.LBB2_2:
0x30: {  	s21 =	smov.u32 s19  }
0x31: {  	s20 =	sadd.s32 s19, s11;
	[sflag:s17] =	ssyncadd.s32 $0xFFFFC000;
	s21 =	sadd.s32 $0x20, s19  }
0x32: {  	[spmem:s3] =	stream.indirect.scatter.add.f32 [tilespmem:s14], [sflag:$0x1], $0x80, s4, s15, $0xb8;
	[tilespmem:$0x17D00] =	vst v63  }
0x33: {  	p0 =	sne.s32 s19, $0xFFFFFFE0;
	s22 =	sadd.s32 $0x4F0, s20  }
0x34: {  	[tilespmem:s15], [sflag:$0x3] =	stream.linear.gather [hbm4b:s22+s4], $0x80, $0x38;
	[tilespmem:$0x17D00] =	vst v63  }
0x35: {  	_ =	swait.ge [sflag:s13], $0x80  }
0x36: {  	[sflag:s13] =	ssyncset.done $0x0  }
0x37: {  	[sflag:s13] =	ssyncadd.s32 $0xFFFFFF80  }
0x38: {  	[spmem:s3] =	stream.indirect.scatter.add.f32 [tilespmem:s14], [sflag:$0x2], $0x80, s15, s15, $0xb8;
	[tilespmem:$0x17D00] =	vst v63  }
0x39: {  	_ =	swait.ge [sflag:s16], $0x4000  }
0x3a: {  	[sflag:s16] =	ssyncset.done $0x0  }
0x3b: {  	s19 =	sadd.s32 $0x500, s20;
	[sflag:s16] =	ssyncadd.s32 $0xFFFFC000  }
0x3c: {  	[tilespmem:s4], [sflag:$0x3] =	stream.linear.gather [hbm4b:s19+s4], $0x80, $0x38;
	[tilespmem:$0x17D00] =	vst v63  }
.Ltmp0:
0x3d: {  	_ =	swait.ge [sflag:s13], $0x80;
	(pc) =	sbr.rel @p0 .LBB2_2-.Ltmp0, $4  }
0x3e: {  	[sflag:s13] =	ssyncset.done $0x0  }
0x3f: {  	[sflag:s13] =	ssyncadd.s32 $0xFFFFFF80  }
0x40: {  	_ =	swait.ge [sflag:s17], $0x4000  }
0x41: {  	s19 =	smov.u32 s21;
	[sflag:s17] =	ssyncset.done $0x0  }
0x42: {  	[sflag:s17] =	ssyncadd.s32 $0xFFFFC000  }
0x43: {  	[spmem:s3] =	stream.indirect.scatter.add.f32 [tilespmem:s14], [sflag:$0x1], $0x80, s4, s15, $0xb8;
	[tilespmem:$0x17D00] =	vst v63  }
0x44: {  	_ = 	snop  }
0x45: {  	[tilespmem:s15], [sflag:$0x3] =	stream.linear.gather [hbm4b:s10+s4], $0x80, $0x38;
	[tilespmem:$0x17D00] =	vst v63  }
0x46: {  	_ =	swait.ge [sflag:s13], $0x80  }
0x47: {  	[sflag:s13] =	ssyncset.done $0x0  }
0x48: {  	[sflag:s13] =	ssyncadd.s32 $0xFFFFFF80  }
0x49: {  	[spmem:s3] =	stream.indirect.scatter.add.f32 [tilespmem:s14], [sflag:$0x2], $0x80, s15, s15, $0xb8;
	[tilespmem:$0x17D00] =	vst v63  }
0x4a: {  	_ =	swait.ge [sflag:s16], $0x4000  }
0x4b: {  	[sflag:s16] =	ssyncset.done $0x0  }
0x4c: {  	[sflag:s16] =	ssyncadd.s32 $0xFFFFC000  }
0x4d: {  	[tilespmem:s4], [sflag:$0x3] =	stream.linear.gather [hbm4b:s10+s4], $0x80, $0x38;
	[tilespmem:$0x17D00] =	vst v63  }
0x4e: {  	_ =	swait.ge [sflag:s13], $0x80  }
0x4f: {  	[sflag:s13] =	ssyncset.done $0x0  }
0x50: {  	[sflag:s13] =	ssyncadd.s32 $0xFFFFFF80  }
0x51: {  	_ =	swait.ge [sflag:s17], $0x4000  }
0x52: {  	s18 =	sadd.s32 $0x1, s18;
	[sflag:s17] =	ssyncset.done $0x0  }
0x53: {  	p0 =	sne.s32 s18, s9;
	[sflag:s17] =	ssyncadd.s32 $0xFFFFC000  }
.Ltmp1:
0x54: {  	[bflag:$0x0] =	sbarrier.arrive $0xFFFF;
	(pc) =	sbr.rel @p0 .LBB2_1-.Ltmp1, $4  }
0x55: {  	[hbm:s8], [sflag:s6] =	dma.local [spmem:s12], $0x2780  }
0x56: {  	_ =	swait.ge [sflag:s13], $0x2780  }
0x57: {  	[sflag:s13] =	ssyncset.done $0x0  }
0x58: {  	[sflag:s13] =	ssyncadd.s32 $0xFFFFD880  }
0x59: {  	_ =	sfence.sel $0x180000  }
0x5a: {  	[bflag:$0x0] =	sbarrier.arrive $0xFFFF  }
0x5b: {  	p0 =	sne.s32 s1, $0x0;
	_ =	strace $0x90000047  }
0x5c: {  	s0 =	sadd.s32 @!p0 $0x100000, s0;
	[bflag:$0x2] =	sbarrier.arrive $0xFFFF  }
0x5d: {  	[sflag:s0] =	ssyncadd.tile.s32 @!p0 $0x1;
	_ =	shalt  }
.Lfunc_end2:
_tile_overlayer_lowered:
.L_overlay_start_2:
0x5e: {  	(tag) =	ssettag $0x2  }
0x5f: {  	s0 =	rddreg [dreg:$0x0];
	s2 =	stileid.u32  }
0x60: {  	s1 =	rddreg [dreg:$0x1];
	p0 =	sne.s32 s2, $0x0  }
0x61: {  	s3 =	rddreg [dreg:$0x2];
	[bflag:$0x3] =	sbarrier.arrive $0xFFFF;
	s2 =	simm.s32 @!p0 $0x1C03  }
0x62: {  	[timem:s3], [sflag:s2] =	dma.local @!p0 [hbm:s0], s1  }
0x63: {  	s0 =	simm.s32 @!p0 $0x3  }
0x64: {  	_ =	swait.ge @!p0 [sflag:s0], s1  }
0x65: {  	s1 =	ssub.s32 @!p0 $0x0, s1;
	[sflag:s0] =	ssyncset.done @!p0 $0x0  }
0x66: {  	[sflag:s0] =	ssyncadd.s32 @!p0 s1  }
0x67: {  	[bflag:$0x3] =	sbarrier.arrive $0xFFFF  }
0x68: {  	_ =	shalt  }

</sc_bundles>
